<compile_context>
chip_gen: v7x
topology: tpu7x:2x2x1
jax: 0.10.2.dev20260603
libtpu: 0.0.44.dev20260713+nightly
codegen_flags: <defaults>
</compile_context>

<pallas_src>
import functools

import jax
import jax.numpy as jnp
from jax import lax
from jax.experimental import pallas as pl
from jax.experimental.pallas import tpu as pltpu
from jax.experimental.pallas import tpu_sc as plsc

_B, _V, _H, _W = 8, 4, 512, 512
_N = 2048
_ROWS = _B * _V
_PIX = _H * _W
_RCH = 16
_CHUNK = _RCH * _W
_NCHUNK = _PIX // _CHUNK
_L = 16
_UNROLL = 32
_PCH = _N // _V


def _body(seg_hbm, p2p_hbm, out_hbm,
          seg_v, p2p_v, votes_r, counts_r, votes_v, counts_v,
          votes_sh, counts_sh, vtmp, ctmp, acc_v, nv_v, sem0, sem1):
    cid = lax.axis_index("c")
    sid = lax.axis_index("s")
    wid = cid * 16 + sid
    sems = (sem0, sem1)

    zeros16 = jnp.zeros((_L,), jnp.float32)
    ones16 = jnp.ones((_L,), jnp.float32)
    lane16 = lax.iota(jnp.int32, _L)

    def issue(ci, buf):
        r0 = ci * _RCH
        pltpu.async_copy(seg_hbm.at[wid, pl.ds(r0, _RCH), :],
                         seg_v.at[buf], sems[buf])
        pltpu.async_copy(p2p_hbm.at[wid, pl.ds(r0, _RCH), :],
                         p2p_v.at[buf], sems[buf])

    def wait(buf):
        pltpu.make_async_copy(seg_hbm.at[0, pl.ds(0, _RCH), :],
                              seg_v.at[buf], sems[buf]).wait()
        pltpu.make_async_copy(p2p_hbm.at[0, pl.ds(0, _RCH), :],
                              p2p_v.at[buf], sems[buf]).wait()

    issue(0, 0)

    @plsc.parallel_loop(0, _N, unroll=8)
    def _zero(n):
        votes_r[pl.ds(n * _L, _L)] = zeros16
        counts_r[pl.ds(n * _L, _L)] = zeros16

    def outer_body(oi, carry):
        for b in (0, 1):
            ci = oi * 2 + b

            @pl.when(ci + 1 < _NCHUNK)
            def _():
                issue(ci + 1, 1 - b)

            wait(b)

            @plsc.parallel_loop(0, _CHUNK // _L, unroll=_UNROLL)
            def _pix(i):
                r = i >> 5
                c = (i & 31) * _L
                idx = p2p_v[b, r, pl.ds(c, _L)]
                val = seg_v[b, r, pl.ds(c, _L)]
                m = idx >= 0
                slot = (idx << 4) + lane16
                plsc.addupdate_scatter(votes_r, [slot], val, mask=m)
                plsc.addupdate_scatter(counts_r, [slot], ones16, mask=m)
        return carry

    lax.fori_loop(0, _NCHUNK // 2, outer_body, 0)

    @plsc.parallel_loop(0, _N // _L, unroll=4)
    def _merge(g):
        accv = zeros16
        accc = zeros16
        for j in range(_L):
            n = g * _L + j
            sv = jnp.sum(votes_r[pl.ds(n * _L, _L)])
            sc = jnp.sum(counts_r[pl.ds(n * _L, _L)])
            sel = lane16 == j
            accv = jnp.where(sel, sv, accv)
            accc = jnp.where(sel, sc, accc)
        votes_v[pl.ds(g * _L, _L)] = accv
        counts_v[pl.ds(g * _L, _L)] = accc

    pltpu.sync_copy(votes_v, votes_sh.at[sid])
    pltpu.sync_copy(counts_v, counts_sh.at[sid])
    plsc.subcore_barrier()

    blocal = sid // 4
    bat = cid * 4 + blocal
    p0 = (sid % 4) * _PCH
    for v in range(_V):
        pltpu.sync_copy(votes_sh.at[blocal * 4 + v, pl.ds(p0, _PCH)],
                        vtmp.at[v])
        pltpu.sync_copy(counts_sh.at[blocal * 4 + v, pl.ds(p0, _PCH)],
                        ctmp.at[v])

    @plsc.parallel_loop(0, _PCH // _L, unroll=4)
    def _cmb(i):
        o = i * _L
        acc = jnp.zeros((_L,), jnp.float32)
        nv = jnp.zeros((_L,), jnp.float32)
        for v in range(_V):
            vv = vtmp[v, pl.ds(o, _L)]
            cc = ctmp[v, pl.ds(o, _L)]
            acc = acc + vv / jnp.maximum(cc, 1.0)
            nv = nv + jnp.where(cc > 0, 1.0, 0.0).astype(jnp.float32)
        acc_v[pl.ds(o, _L)] = acc / jnp.maximum(nv, 1.0)

    pltpu.sync_copy(acc_v, out_hbm.at[bat, pl.ds(p0, _PCH)])


_agg = functools.partial(
    pl.kernel,
    out_type=jax.ShapeDtypeStruct((_B, _N), jnp.float32),
    mesh=plsc.VectorSubcoreMesh(core_axis_name="c", subcore_axis_name="s"),
    scratch_types=[pltpu.VMEM((2, _RCH, _W), jnp.float32),
                   pltpu.VMEM((2, _RCH, _W), jnp.int32),
                   pltpu.VMEM((_N * _L,), jnp.float32),
                   pltpu.VMEM((_N * _L,), jnp.float32),
                   pltpu.VMEM((_N,), jnp.float32),
                   pltpu.VMEM((_N,), jnp.float32),
                   pltpu.VMEM_SHARED((16, _N), jnp.float32),
                   pltpu.VMEM_SHARED((16, _N), jnp.float32),
                   pltpu.VMEM((_V, _PCH), jnp.float32),
                   pltpu.VMEM((_V, _PCH), jnp.float32),
                   pltpu.VMEM((_PCH,), jnp.float32),
                   pltpu.VMEM((_PCH,), jnp.float32),
                   pltpu.SemaphoreType.DMA,
                   pltpu.SemaphoreType.DMA],
    compiler_params=pltpu.CompilerParams(needs_layout_passes=False,
                                         use_tc_tiling_on_sc=True),
)(_body)


def kernel(seg_maps, p2p_maps):
    seg = seg_maps.reshape(_ROWS, _H, _W)
    p2p = p2p_maps.reshape(_ROWS, _H, _W)
    return _agg(seg, p2p)

# --- scband reference (transcript-rebuilt; emitter-appended) ---
"""Pipeline reference for scband-object-pcafford3-dpredictor-51737176048099 (READ-ONLY COPY).

The authoritative reference and input builder live on the scoring server;
editing this copy changes nothing except your own understanding.
"""

import jax, jax.numpy as jnp
import numpy as np

B, V, H, W = 8, 4, 512, 512
NUM_POINTS = 2048

def setup_inputs(seed: int = 0) -> dict:
    key = jax.random.key(seed)
    k1, k2 = jax.random.split(key)
    seg_maps = jax.random.uniform(k1, (B, V, H, W), dtype=jnp.float32)
    # pixel-to-point maps; -1 marks invalid pixels (background), as in the original .npz maps
    p2p_maps = jax.random.randint(k2, (B, V, H, W), -1, NUM_POINTS, dtype=jnp.int32)
    return {"seg_maps": seg_maps, "p2p_maps": p2p_maps}

def reference(seg_maps, p2p_maps):
    N = NUM_POINTS
    b_, v_, h_, w_ = seg_maps.shape
    pts = p2p_maps.reshape(b_, v_, -1)
    vals = seg_maps.reshape(b_, v_, -1)
    valid = pts >= 0
    # route invalid pixels to a sentinel bin N that is dropped afterwards
    idx = jnp.where(valid, pts, N)
    bv = jnp.arange(b_ * v_, dtype=jnp.int32).reshape(b_, v_, 1)
    flat_idx = (bv * (N + 1) + idx).reshape(-1)
    votes = jnp.zeros((b_ * v_ * (N + 1),), dtype=vals.dtype).at[flat_idx].add(
        jnp.where(valid, vals, 0.0).reshape(-1)).reshape(b_, v_, N + 1)[..., :N]
    counts = jnp.zeros((b_ * v_ * (N + 1),), dtype=vals.dtype).at[flat_idx].add(
        valid.astype(vals.dtype).reshape(-1)).reshape(b_, v_, N + 1)[..., :N]
    has = counts > 0
    view_votes = jnp.where(has, votes / jnp.where(has, counts, 1.0), 0.0)
    pred = view_votes.sum(axis=1)
    view_count = has.astype(vals.dtype).sum(axis=1)
    vp = view_count > 0
    out = jnp.where(vp, pred / jnp.where(vp, view_count, 1.0), pred)
    return out

if __name__ == "__main__":
    import jax
    _d = setup_inputs()
    print(jax.jit(kernel)(*tuple(_d.values())))

</pallas_src>

<mosaic_0001>
#map = affine_map<(d0, d1) -> (0, 0, 0)>
#map1 = affine_map<(d0, d1) -> (0, 0)>
module attributes {stable_mosaic.version = 14 : i64} {
  func.func @_body(%arg0: i32, %arg1: i32, %arg2: memref<32x512x512xf32, #tpu.memory_space<hbm>>, %arg3: memref<32x512x512xi32, #tpu.memory_space<hbm>>, %arg4: memref<8x2048xf32, #tpu.memory_space<hbm>>, %arg5: memref<2x16x512xf32, #tpu.memory_space<vmem>>, %arg6: memref<2x16x512xi32, #tpu.memory_space<vmem>>, %arg7: memref<32768xf32, #tpu.memory_space<vmem>>, %arg8: memref<32768xf32, #tpu.memory_space<vmem>>, %arg9: memref<2048xf32, #tpu.memory_space<vmem>>, %arg10: memref<2048xf32, #tpu.memory_space<vmem>>, %arg11: memref<16x2048xf32, #tpu.memory_space<vmem_shared>>, %arg12: memref<16x2048xf32, #tpu.memory_space<vmem_shared>>, %arg13: memref<4x512xf32, #tpu.memory_space<vmem>>, %arg14: memref<4x512xf32, #tpu.memory_space<vmem>>, %arg15: memref<512xf32, #tpu.memory_space<vmem>>, %arg16: memref<512xf32, #tpu.memory_space<vmem>>, %arg17: memref<!tpu.dma_semaphore, #tpu.memory_space<semaphore_mem>>, %arg18: memref<!tpu.dma_semaphore, #tpu.memory_space<semaphore_mem>>) attributes {dimension_semantics = [#tpu.dimension_semantics<core_parallel>, #tpu.dimension_semantics<subcore_parallel>], iteration_bounds = array<i64: 2, 16>, scalar_prefetch = 0 : i64, scratch_operands = 14 : i64, tpu.core_type = #tpu.core_type<sc_vector_subcore>, window_params = [{transform_indices = #map}, {transform_indices = #map}, {transform_indices = #map1}]} {
    %mul3A = arith.constant 16 : i32
    %mul3A_0 = arith.muli %arg0, %mul3A : i32
    %add3A = arith.addi %mul3A_0, %arg1 : i32
    %broadcast_in_dim3A = arith.constant 0.000000e+00 : f32
    %broadcast_in_dim3A_1 = vector.broadcast %broadcast_in_dim3A : f32 to vector<16xf32>
    %broadcast_in_dim3A_2 = arith.constant 1.000000e+00 : f32
    %broadcast_in_dim3A_3 = vector.broadcast %broadcast_in_dim3A_2 : f32 to vector<16xf32>
    %iota3A = tpu.iota {dimensions = array<i32: 0>} : vector<16xi32>
    %dma_start3A = arith.constant 0 : i32
    %dma_start3A_4 = arith.constant 0 : i32
    %dma_start3A_5 = arith.constant 0 : i32
    %dma_start3A_6 = tpu.memref_slice %arg5[%dma_start3A, %dma_start3A_4, %dma_start3A_5] : memref<2x16x512xf32, #tpu.memory_space<vmem>> -> memref<1x16x512xf32, #tpu.memory_space<vmem>>
    %dma_start3A_7 = tpu.memref_squeeze %dma_start3A_6 : memref<1x16x512xf32, #tpu.memory_space<vmem>> -> memref<16x512xf32, #tpu.memory_space<vmem>>
    %dma_start3A_8 = arith.constant 0 : i32
    %dma_start3A_9 = arith.constant 0 : i32
    %dma_start3A_10 = tpu.memref_slice %arg2[%add3A, %dma_start3A_8, %dma_start3A_9] : memref<32x512x512xf32, #tpu.memory_space<hbm>> -> memref<1x16x512xf32, #tpu.memory_space<hbm>>
    %dma_start3A_11 = tpu.memref_squeeze %dma_start3A_10 : memref<1x16x512xf32, #tpu.memory_space<hbm>> -> memref<16x512xf32, #tpu.memory_space<hbm>>
    %dma_start3A_12 = arith.constant 0 : i32
    %dma_start3A_13 = arith.constant 0 : i32
    %dma_start3A_14 = tpu.memref_slice %arg5[%dma_start3A, %dma_start3A_12, %dma_start3A_13] : memref<2x16x512xf32, #tpu.memory_space<vmem>> -> memref<1x16x512xf32, #tpu.memory_space<vmem>>
    %dma_start3A_15 = tpu.memref_squeeze %dma_start3A_14 : memref<1x16x512xf32, #tpu.memory_space<vmem>> -> memref<16x512xf32, #tpu.memory_space<vmem>>
    %dma_start3A_16 = arith.constant 0 : i32
    %dma_start3A_17 = arith.constant 0 : i32
    %dma_start3A_18 = tpu.memref_slice %arg2[%add3A, %dma_start3A_16, %dma_start3A_17] : memref<32x512x512xf32, #tpu.memory_space<hbm>> -> memref<1x16x512xf32, #tpu.memory_space<hbm>>
    %dma_start3A_19 = tpu.memref_squeeze %dma_start3A_18 : memref<1x16x512xf32, #tpu.memory_space<hbm>> -> memref<16x512xf32, #tpu.memory_space<hbm>>
    tpu.enqueue_dma source(%dma_start3A_19 : memref<16x512xf32, #tpu.memory_space<hbm>>) target(%dma_start3A_15 : memref<16x512xf32, #tpu.memory_space<vmem>>) target_semaphore(%arg17 : memref<!tpu.dma_semaphore, #tpu.memory_space<semaphore_mem>>)
    %dma_start3A_20 = arith.constant 0 : i32
    %dma_start3A_21 = arith.constant 0 : i32
    %dma_start3A_22 = arith.constant 0 : i32
    %dma_start3A_23 = tpu.memref_slice %arg6[%dma_start3A_20, %dma_start3A_21, %dma_start3A_22] : memref<2x16x512xi32, #tpu.memory_space<vmem>> -> memref<1x16x512xi32, #tpu.memory_space<vmem>>
    %dma_start3A_24 = tpu.memref_squeeze %dma_start3A_23 : memref<1x16x512xi32, #tpu.memory_space<vmem>> -> memref<16x512xi32, #tpu.memory_space<vmem>>
    %dma_start3A_25 = arith.constant 0 : i32
    %dma_start3A_26 = arith.constant 0 : i32
    %dma_start3A_27 = tpu.memref_slice %arg3[%add3A, %dma_start3A_25, %dma_start3A_26] : memref<32x512x512xi32, #tpu.memory_space<hbm>> -> memref<1x16x512xi32, #tpu.memory_space<hbm>>
    %dma_start3A_28 = tpu.memref_squeeze %dma_start3A_27 : memref<1x16x512xi32, #tpu.memory_space<hbm>> -> memref<16x512xi32, #tpu.memory_space<hbm>>
    %dma_start3A_29 = arith.constant 0 : i32
    %dma_start3A_30 = arith.constant 0 : i32
    %dma_start3A_31 = tpu.memref_slice %arg6[%dma_start3A_20, %dma_start3A_29, %dma_start3A_30] : memref<2x16x512xi32, #tpu.memory_space<vmem>> -> memref<1x16x512xi32, #tpu.memory_space<vmem>>
    %dma_start3A_32 = tpu.memref_squeeze %dma_start3A_31 : memref<1x16x512xi32, #tpu.memory_space<vmem>> -> memref<16x512xi32, #tpu.memory_space<vmem>>
    %dma_start3A_33 = arith.constant 0 : i32
    %dma_start3A_34 = arith.constant 0 : i32
    %dma_start3A_35 = tpu.memref_slice %arg3[%add3A, %dma_start3A_33, %dma_start3A_34] : memref<32x512x512xi32, #tpu.memory_space<hbm>> -> memref<1x16x512xi32, #tpu.memory_space<hbm>>
    %dma_start3A_36 = tpu.memref_squeeze %dma_start3A_35 : memref<1x16x512xi32, #tpu.memory_space<hbm>> -> memref<16x512xi32, #tpu.memory_space<hbm>>
    tpu.enqueue_dma source(%dma_start3A_36 : memref<16x512xi32, #tpu.memory_space<hbm>>) target(%dma_start3A_32 : memref<16x512xi32, #tpu.memory_space<vmem>>) target_semaphore(%arg17 : memref<!tpu.dma_semaphore, #tpu.memory_space<semaphore_mem>>)
    %parallel_loop3A = arith.constant 0 : i32
    %parallel_loop3A_37 = arith.constant 2048 : i32
    %parallel_loop3A_38 = arith.constant 1 : i32
    scf.for %parallel_loop3A_124 = %parallel_loop3A to %parallel_loop3A_37 step %parallel_loop3A_38  : i32 {
      %parallel_loop3A_125 = arith.constant 16 : i32
      %parallel_loop3A_126 = arith.muli %parallel_loop3A_124, %parallel_loop3A_125 : i32
      %parallel_loop3A_127 = arith.index_cast %parallel_loop3A_126 : i32 to index
      %parallel_loop3A_128 = tpu.vector_load %arg7[%parallel_loop3A_127] {strides = array<i32>} : memref<32768xf32, #tpu.memory_space<vmem>>, vector<16xf32>,
      tpu.vector_store %arg7[%parallel_loop3A_127], %broadcast_in_dim3A_1 {strides = array<i32>} : memref<32768xf32, #tpu.memory_space<vmem>>, vector<16xf32>,
      %parallel_loop3A_129 = arith.constant 16 : i32
      %parallel_loop3A_130 = arith.muli %parallel_loop3A_124, %parallel_loop3A_129 : i32
      %parallel_loop3A_131 = arith.index_cast %parallel_loop3A_130 : i32 to index
      %parallel_loop3A_132 = tpu.vector_load %arg8[%parallel_loop3A_131] {strides = array<i32>} : memref<32768xf32, #tpu.memory_space<vmem>>, vector<16xf32>,
      tpu.vector_store %arg8[%parallel_loop3A_131], %broadcast_in_dim3A_1 {strides = array<i32>} : memref<32768xf32, #tpu.memory_space<vmem>>, vector<16xf32>,
    } {sc.loop_unroll_factor = 8 : i64, sc.parallel_access}
    %scan3A = arith.constant 0 : i32
    %scan3A_39 = arith.constant 0 : i32
    %scan3A_40 = arith.constant 16 : i32
    %scan3A_41 = arith.addi %scan3A_39, %scan3A_40 : i32
    %scan3A_42 = arith.constant 1 : i32
    scf.for %scan3A_124 = %scan3A_39 to %scan3A_41 step %scan3A_42  : i32 {
      %mul3A_125 = arith.constant 2 : i32
      %mul3A_126 = arith.muli %scan3A_124, %mul3A_125 : i32
      %add3A_127 = arith.constant 0 : i32
      %add3A_128 = arith.addi %mul3A_126, %add3A_127 : i32
      %add3A_129 = arith.constant 1 : i32
      %add3A_130 = arith.addi %add3A_128, %add3A_129 : i32
      %lt3A_131 = arith.constant 32 : i32
      %lt3A_132 = arith.cmpi slt, %add3A_130, %lt3A_131 : i32
      %convert_element_type3A = arith.extui %lt3A_132 : i1 to i32
      %cond3A = arith.constant 0 : i32
      %cond3A_133 = arith.cmpi ne, %convert_element_type3A, %cond3A : i32
      scf.if %cond3A_133 {
        %add3A_222 = arith.constant 1 : i32
        %add3A_223 = arith.addi %add3A_128, %add3A_222 : i32
        %mul3A_224 = arith.constant 16 : i32
        %mul3A_225 = arith.muli %add3A_223, %mul3A_224 : i32
        %dma_start3A_226 = arith.constant 1 : i32
        %dma_start3A_227 = arith.constant 0 : i32
        %dma_start3A_228 = arith.constant 0 : i32
        %dma_start3A_229 = tpu.memref_slice %arg5[%dma_start3A_226, %dma_start3A_227, %dma_start3A_228] : memref<2x16x512xf32, #tpu.memory_space<vmem>> -> memref<1x16x512xf32, #tpu.memory_space<vmem>>
        %dma_start3A_230 = tpu.memref_squeeze %dma_start3A_229 : memref<1x16x512xf32, #tpu.memory_space<vmem>> -> memref<16x512xf32, #tpu.memory_space<vmem>>
        %dma_start3A_231 = arith.constant 0 : i32
        %dma_start3A_232 = tpu.memref_slice %arg2[%add3A, %mul3A_225, %dma_start3A_231] : memref<32x512x512xf32, #tpu.memory_space<hbm>> -> memref<1x16x512xf32, #tpu.memory_space<hbm>>
        %dma_start3A_233 = tpu.memref_squeeze %dma_start3A_232 : memref<1x16x512xf32, #tpu.memory_space<hbm>> -> memref<16x512xf32, #tpu.memory_space<hbm>>
        %dma_start3A_234 = arith.constant 0 : i32
        %dma_start3A_235 = arith.constant 0 : i32
        %dma_start3A_236 = tpu.memref_slice %arg5[%dma_start3A_226, %dma_start3A_234, %dma_start3A_235] : memref<2x16x512xf32, #tpu.memory_space<vmem>> -> memref<1x16x512xf32, #tpu.memory_space<vmem>>
        %dma_start3A_237 = tpu.memref_squeeze %dma_start3A_236 : memref<1x16x512xf32, #tpu.memory_space<vmem>> -> memref<16x512xf32, #tpu.memory_space<vmem>>
        %dma_start3A_238 = arith.constant 0 : i32
        %dma_start3A_239 = tpu.memref_slice %arg2[%add3A, %mul3A_225, %dma_start3A_238] : memref<32x512x512xf32, #tpu.memory_space<hbm>> -> memref<1x16x512xf32, #tpu.memory_space<hbm>>
        %dma_start3A_240 = tpu.memref_squeeze %dma_start3A_239 : memref<1x16x512xf32, #tpu.memory_space<hbm>> -> memref<16x512xf32, #tpu.memory_space<hbm>>
        tpu.enqueue_dma source(%dma_start3A_240 : memref<16x512xf32, #tpu.memory_space<hbm>>) target(%dma_start3A_237 : memref<16x512xf32, #tpu.memory_space<vmem>>) target_semaphore(%arg18 : memref<!tpu.dma_semaphore, #tpu.memory_space<semaphore_mem>>)
        %dma_start3A_241 = arith.constant 1 : i32
        %dma_start3A_242 = arith.constant 0 : i32
        %dma_start3A_243 = arith.constant 0 : i32
        %dma_start3A_244 = tpu.memref_slice %arg6[%dma_start3A_241, %dma_start3A_242, %dma_start3A_243] : memref<2x16x512xi32, #tpu.memory_space<vmem>> -> memref<1x16x512xi32, #tpu.memory_space<vmem>>
        %dma_start3A_245 = tpu.memref_squeeze %dma_start3A_244 : memref<1x16x512xi32, #tpu.memory_space<vmem>> -> memref<16x512xi32, #tpu.memory_space<vmem>>
        %dma_start3A_246 = arith.constant 0 : i32
        %dma_start3A_247 = tpu.memref_slice %arg3[%add3A, %mul3A_225, %dma_start3A_246] : memref<32x512x512xi32, #tpu.memory_space<hbm>> -> memref<1x16x512xi32, #tpu.memory_space<hbm>>
        %dma_start3A_248 = tpu.memref_squeeze %dma_start3A_247 : memref<1x16x512xi32, #tpu.memory_space<hbm>> -> memref<16x512xi32, #tpu.memory_space<hbm>>
        %dma_start3A_249 = arith.constant 0 : i32
        %dma_start3A_250 = arith.constant 0 : i32
        %dma_start3A_251 = tpu.memref_slice %arg6[%dma_start3A_241, %dma_start3A_249, %dma_start3A_250] : memref<2x16x512xi32, #tpu.memory_space<vmem>> -> memref<1x16x512xi32, #tpu.memory_space<vmem>>
        %dma_start3A_252 = tpu.memref_squeeze %dma_start3A_251 : memref<1x16x512xi32, #tpu.memory_space<vmem>> -> memref<16x512xi32, #tpu.memory_space<vmem>>
        %dma_start3A_253 = arith.constant 0 : i32
        %dma_start3A_254 = tpu.memref_slice %arg3[%add3A, %mul3A_225, %dma_start3A_253] : memref<32x512x512xi32, #tpu.memory_space<hbm>> -> memref<1x16x512xi32, #tpu.memory_space<hbm>>
        %dma_start3A_255 = tpu.memref_squeeze %dma_start3A_254 : memref<1x16x512xi32, #tpu.memory_space<hbm>> -> memref<16x512xi32, #tpu.memory_space<hbm>>
        tpu.enqueue_dma source(%dma_start3A_255 : memref<16x512xi32, #tpu.memory_space<hbm>>) target(%dma_start3A_252 : memref<16x512xi32, #tpu.memory_space<vmem>>) target_semaphore(%arg18 : memref<!tpu.dma_semaphore, #tpu.memory_space<semaphore_mem>>)
      } else {
      }
      %dma_wait3A = arith.constant 0 : i32
      %dma_wait3A_134 = arith.constant 0 : i32
      %dma_wait3A_135 = arith.constant 0 : i32
      %dma_wait3A_136 = arith.constant 0 : i32
      %dma_wait3A_137 = tpu.memref_slice %arg5[%dma_wait3A_134, %dma_wait3A_135, %dma_wait3A_136] : memref<2x16x512xf32, #tpu.memory_space<vmem>> -> memref<1x16x512xf32, #tpu.memory_space<vmem>>
      %dma_wait3A_138 = tpu.memref_squeeze %dma_wait3A_137 : memref<1x16x512xf32, #tpu.memory_space<vmem>> -> memref<16x512xf32, #tpu.memory_space<vmem>>
      %dma_wait3A_139 = arith.constant 0 : i32
      %dma_wait3A_140 = arith.constant 0 : i32
      %dma_wait3A_141 = tpu.memref_slice %arg2[%dma_wait3A, %dma_wait3A_139, %dma_wait3A_140] : memref<32x512x512xf32, #tpu.memory_space<hbm>> -> memref<1x16x512xf32, #tpu.memory_space<hbm>>
      %dma_wait3A_142 = tpu.memref_squeeze %dma_wait3A_141 : memref<1x16x512xf32, #tpu.memory_space<hbm>> -> memref<16x512xf32, #tpu.memory_space<hbm>>
      %dma_wait3A_143 = arith.constant 0 : i32
      %dma_wait3A_144 = arith.constant 0 : i32
      %dma_wait3A_145 = tpu.memref_slice %arg5[%dma_wait3A_134, %dma_wait3A_143, %dma_wait3A_144] : memref<2x16x512xf32, #tpu.memory_space<vmem>> -> memref<1x16x512xf32, #tpu.memory_space<vmem>>
      %dma_wait3A_146 = tpu.memref_squeeze %dma_wait3A_145 : memref<1x16x512xf32, #tpu.memory_space<vmem>> -> memref<16x512xf32, #tpu.memory_space<vmem>>
      %dma_wait3A_147 = arith.constant 0 : i32
      %dma_wait3A_148 = arith.constant 0 : i32
      %dma_wait3A_149 = tpu.memref_slice %arg2[%dma_wait3A, %dma_wait3A_147, %dma_wait3A_148] : memref<32x512x512xf32, #tpu.memory_space<hbm>> -> memref<1x16x512xf32, #tpu.memory_space<hbm>>
      %dma_wait3A_150 = tpu.memref_squeeze %dma_wait3A_149 : memref<1x16x512xf32, #tpu.memory_space<hbm>> -> memref<16x512xf32, #tpu.memory_space<hbm>>
      tpu.wait_dma2 semaphore(%arg17 : memref<!tpu.dma_semaphore, #tpu.memory_space<semaphore_mem>>) src(%dma_wait3A_150 : memref<16x512xf32, #tpu.memory_space<hbm>>) dst(%dma_wait3A_146 : memref<16x512xf32, #tpu.memory_space<vmem>>)
      %dma_wait3A_151 = arith.constant 0 : i32
      %dma_wait3A_152 = arith.constant 0 : i32
      %dma_wait3A_153 = arith.constant 0 : i32
      %dma_wait3A_154 = arith.constant 0 : i32
      %dma_wait3A_155 = tpu.memref_slice %arg6[%dma_wait3A_152, %dma_wait3A_153, %dma_wait3A_154] : memref<2x16x512xi32, #tpu.memory_space<vmem>> -> memref<1x16x512xi32, #tpu.memory_space<vmem>>
      %dma_wait3A_156 = tpu.memref_squeeze %dma_wait3A_155 : memref<1x16x512xi32, #tpu.memory_space<vmem>> -> memref<16x512xi32, #tpu.memory_space<vmem>>
      %dma_wait3A_157 = arith.constant 0 : i32
      %dma_wait3A_158 = arith.constant 0 : i32
      %dma_wait3A_159 = tpu.memref_slice %arg3[%dma_wait3A_151, %dma_wait3A_157, %dma_wait3A_158] : memref<32x512x512xi32, #tpu.memory_space<hbm>> -> memref<1x16x512xi32, #tpu.memory_space<hbm>>
      %dma_wait3A_160 = tpu.memref_squeeze %dma_wait3A_159 : memref<1x16x512xi32, #tpu.memory_space<hbm>> -> memref<16x512xi32, #tpu.memory_space<hbm>>
      %dma_wait3A_161 = arith.constant 0 : i32
      %dma_wait3A_162 = arith.constant 0 : i32
      %dma_wait3A_163 = tpu.memref_slice %arg6[%dma_wait3A_152, %dma_wait3A_161, %dma_wait3A_162] : memref<2x16x512xi32, #tpu.memory_space<vmem>> -> memref<1x16x512xi32, #tpu.memory_space<vmem>>
      %dma_wait3A_164 = tpu.memref_squeeze %dma_wait3A_163 : memref<1x16x512xi32, #tpu.memory_space<vmem>> -> memref<16x512xi32, #tpu.memory_space<vmem>>
      %dma_wait3A_165 = arith.constant 0 : i32
      %dma_wait3A_166 = arith.constant 0 : i32
      %dma_wait3A_167 = tpu.memref_slice %arg3[%dma_wait3A_151, %dma_wait3A_165, %dma_wait3A_166] : memref<32x512x512xi32, #tpu.memory_space<hbm>> -> memref<1x16x512xi32, #tpu.memory_space<hbm>>
      %dma_wait3A_168 = tpu.memref_squeeze %dma_wait3A_167 : memref<1x16x512xi32, #tpu.memory_space<hbm>> -> memref<16x512xi32, #tpu.memory_space<hbm>>
      tpu.wait_dma2 semaphore(%arg17 : memref<!tpu.dma_semaphore, #tpu.memory_space<semaphore_mem>>) src(%dma_wait3A_168 : memref<16x512xi32, #tpu.memory_space<hbm>>) dst(%dma_wait3A_164 : memref<16x512xi32, #tpu.memory_space<vmem>>)
      %parallel_loop3A_169 = arith.constant 0 : i32
      %parallel_loop3A_170 = arith.constant 512 : i32
      %parallel_loop3A_171 = arith.constant 1 : i32
      scf.for %parallel_loop3A_222 = %parallel_loop3A_169 to %parallel_loop3A_170 step %parallel_loop3A_171  : i32 {
        %parallel_loop3A_223 = arith.constant 5 : i32
        %parallel_loop3A_224 = arith.shrsi %parallel_loop3A_222, %parallel_loop3A_223 : i32
        %parallel_loop3A_225 = arith.constant 31 : i32
        %parallel_loop3A_226 = arith.andi %parallel_loop3A_222, %parallel_loop3A_225 : i32
        %parallel_loop3A_227 = arith.constant 16 : i32
        %parallel_loop3A_228 = arith.muli %parallel_loop3A_226, %parallel_loop3A_227 : i32
        %parallel_loop3A_229 = arith.constant 0 : i32
        %parallel_loop3A_230 = arith.index_cast %parallel_loop3A_229 : i32 to index
        %parallel_loop3A_231 = arith.index_cast %parallel_loop3A_224 : i32 to index
        %parallel_loop3A_232 = arith.index_cast %parallel_loop3A_228 : i32 to index
        %parallel_loop3A_233 = tpu.vector_load %arg6[%parallel_loop3A_230, %parallel_loop3A_231, %parallel_loop3A_232] {strides = array<i32>} : memref<2x16x512xi32, #tpu.memory_space<vmem>>, vector<16xi32>,
        %parallel_loop3A_234 = arith.constant 0 : i32
        %parallel_loop3A_235 = arith.index_cast %parallel_loop3A_234 : i32 to index
        %parallel_loop3A_236 = arith.index_cast %parallel_loop3A_224 : i32 to index
        %parallel_loop3A_237 = arith.index_cast %parallel_loop3A_228 : i32 to index
        %parallel_loop3A_238 = tpu.vector_load %arg5[%parallel_loop3A_235, %parallel_loop3A_236, %parallel_loop3A_237] {strides = array<i32>} : memref<2x16x512xf32, #tpu.memory_space<vmem>>, vector<16xf32>,
        %parallel_loop3A_239 = arith.constant 0 : i32
        %parallel_loop3A_240 = vector.broadcast %parallel_loop3A_239 : i32 to vector<16xi32>
        %parallel_loop3A_241 = arith.cmpi sge, %parallel_loop3A_233, %parallel_loop3A_240 : vector<16xi32>
        %parallel_loop3A_242 = arith.constant 4 : i32
        %parallel_loop3A_243 = vector.broadcast %parallel_loop3A_242 : i32 to vector<16xi32>
        %parallel_loop3A_244 = arith.shli %parallel_loop3A_233, %parallel_loop3A_243 : vector<16xi32>
        %parallel_loop3A_245 = arith.addi %parallel_loop3A_244, %iota3A : vector<16xi32>
        tpu.vector_store_idx %arg7[%parallel_loop3A_245], %parallel_loop3A_238 masked %parallel_loop3A_241 {add = true} : memref<32768xf32, #tpu.memory_space<vmem>>[vector<16xi32>], vector<16xf32>, vector<16xi1>
        tpu.vector_store_idx %arg8[%parallel_loop3A_245], %broadcast_in_dim3A_3 masked %parallel_loop3A_241 {add = true} : memref<32768xf32, #tpu.memory_space<vmem>>[vector<16xi32>], vector<16xf32>, vector<16xi1>
      } {sc.loop_unroll_factor = 32 : i64, sc.parallel_access}
      %mul3A_172 = arith.constant 2 : i32
      %mul3A_173 = arith.muli %scan3A_124, %mul3A_172 : i32
      %add3A_174 = arith.constant 1 : i32
      %add3A_175 = arith.addi %mul3A_173, %add3A_174 : i32
      %add3A_176 = arith.constant 1 : i32
      %add3A_177 = arith.addi %add3A_175, %add3A_176 : i32
      %lt3A_178 = arith.constant 32 : i32
      %lt3A_179 = arith.cmpi slt, %add3A_177, %lt3A_178 : i32
      %convert_element_type3A_180 = arith.extui %lt3A_179 : i1 to i32
      %cond3A_181 = arith.constant 0 : i32
      %cond3A_182 = arith.cmpi ne, %convert_element_type3A_180, %cond3A_181 : i32
      scf.if %cond3A_182 {
        %add3A_222 = arith.constant 1 : i32
        %add3A_223 = arith.addi %add3A_175, %add3A_222 : i32
        %mul3A_224 = arith.constant 16 : i32
        %mul3A_225 = arith.muli %add3A_223, %mul3A_224 : i32
        %dma_start3A_226 = arith.constant 0 : i32
        %dma_start3A_227 = arith.constant 0 : i32
        %dma_start3A_228 = arith.constant 0 : i32
        %dma_start3A_229 = tpu.memref_slice %arg5[%dma_start3A_226, %dma_start3A_227, %dma_start3A_228] : memref<2x16x512xf32, #tpu.memory_space<vmem>> -> memref<1x16x512xf32, #tpu.memory_space<vmem>>
        %dma_start3A_230 = tpu.memref_squeeze %dma_start3A_229 : memref<1x16x512xf32, #tpu.memory_space<vmem>> -> memref<16x512xf32, #tpu.memory_space<vmem>>
        %dma_start3A_231 = arith.constant 0 : i32
        %dma_start3A_232 = tpu.memref_slice %arg2[%add3A, %mul3A_225, %dma_start3A_231] : memref<32x512x512xf32, #tpu.memory_space<hbm>> -> memref<1x16x512xf32, #tpu.memory_space<hbm>>
        %dma_start3A_233 = tpu.memref_squeeze %dma_start3A_232 : memref<1x16x512xf32, #tpu.memory_space<hbm>> -> memref<16x512xf32, #tpu.memory_space<hbm>>
        %dma_start3A_234 = arith.constant 0 : i32
        %dma_start3A_235 = arith.constant 0 : i32
        %dma_start3A_236 = tpu.memref_slice %arg5[%dma_start3A_226, %dma_start3A_234, %dma_start3A_235] : memref<2x16x512xf32, #tpu.memory_space<vmem>> -> memref<1x16x512xf32, #tpu.memory_space<vmem>>
        %dma_start3A_237 = tpu.memref_squeeze %dma_start3A_236 : memref<1x16x512xf32, #tpu.memory_space<vmem>> -> memref<16x512xf32, #tpu.memory_space<vmem>>
        %dma_start3A_238 = arith.constant 0 : i32
        %dma_start3A_239 = tpu.memref_slice %arg2[%add3A, %mul3A_225, %dma_start3A_238] : memref<32x512x512xf32, #tpu.memory_space<hbm>> -> memref<1x16x512xf32, #tpu.memory_space<hbm>>
        %dma_start3A_240 = tpu.memref_squeeze %dma_start3A_239 : memref<1x16x512xf32, #tpu.memory_space<hbm>> -> memref<16x512xf32, #tpu.memory_space<hbm>>
        tpu.enqueue_dma source(%dma_start3A_240 : memref<16x512xf32, #tpu.memory_space<hbm>>) target(%dma_start3A_237 : memref<16x512xf32, #tpu.memory_space<vmem>>) target_semaphore(%arg17 : memref<!tpu.dma_semaphore, #tpu.memory_space<semaphore_mem>>)
        %dma_start3A_241 = arith.constant 0 : i32
        %dma_start3A_242 = arith.constant 0 : i32
        %dma_start3A_243 = arith.constant 0 : i32
        %dma_start3A_244 = tpu.memref_slice %arg6[%dma_start3A_241, %dma_start3A_242, %dma_start3A_243] : memref<2x16x512xi32, #tpu.memory_space<vmem>> -> memref<1x16x512xi32, #tpu.memory_space<vmem>>
        %dma_start3A_245 = tpu.memref_squeeze %dma_start3A_244 : memref<1x16x512xi32, #tpu.memory_space<vmem>> -> memref<16x512xi32, #tpu.memory_space<vmem>>
        %dma_start3A_246 = arith.constant 0 : i32
        %dma_start3A_247 = tpu.memref_slice %arg3[%add3A, %mul3A_225, %dma_start3A_246] : memref<32x512x512xi32, #tpu.memory_space<hbm>> -> memref<1x16x512xi32, #tpu.memory_space<hbm>>
        %dma_start3A_248 = tpu.memref_squeeze %dma_start3A_247 : memref<1x16x512xi32, #tpu.memory_space<hbm>> -> memref<16x512xi32, #tpu.memory_space<hbm>>
        %dma_start3A_249 = arith.constant 0 : i32
        %dma_start3A_250 = arith.constant 0 : i32
        %dma_start3A_251 = tpu.memref_slice %arg6[%dma_start3A_241, %dma_start3A_249, %dma_start3A_250] : memref<2x16x512xi32, #tpu.memory_space<vmem>> -> memref<1x16x512xi32, #tpu.memory_space<vmem>>
        %dma_start3A_252 = tpu.memref_squeeze %dma_start3A_251 : memref<1x16x512xi32, #tpu.memory_space<vmem>> -> memref<16x512xi32, #tpu.memory_space<vmem>>
        %dma_start3A_253 = arith.constant 0 : i32
        %dma_start3A_254 = tpu.memref_slice %arg3[%add3A, %mul3A_225, %dma_start3A_253] : memref<32x512x512xi32, #tpu.memory_space<hbm>> -> memref<1x16x512xi32, #tpu.memory_space<hbm>>
        %dma_start3A_255 = tpu.memref_squeeze %dma_start3A_254 : memref<1x16x512xi32, #tpu.memory_space<hbm>> -> memref<16x512xi32, #tpu.memory_space<hbm>>
        tpu.enqueue_dma source(%dma_start3A_255 : memref<16x512xi32, #tpu.memory_space<hbm>>) target(%dma_start3A_252 : memref<16x512xi32, #tpu.memory_space<vmem>>) target_semaphore(%arg17 : memref<!tpu.dma_semaphore, #tpu.memory_space<semaphore_mem>>)
      } else {
      }
      %dma_wait3A_183 = arith.constant 0 : i32
      %dma_wait3A_184 = arith.constant 1 : i32
      %dma_wait3A_185 = arith.constant 0 : i32
      %dma_wait3A_186 = arith.constant 0 : i32
      %dma_wait3A_187 = tpu.memref_slice %arg5[%dma_wait3A_184, %dma_wait3A_185, %dma_wait3A_186] : memref<2x16x512xf32, #tpu.memory_space<vmem>> -> memref<1x16x512xf32, #tpu.memory_space<vmem>>
      %dma_wait3A_188 = tpu.memref_squeeze %dma_wait3A_187 : memref<1x16x512xf32, #tpu.memory_space<vmem>> -> memref<16x512xf32, #tpu.memory_space<vmem>>
      %dma_wait3A_189 = arith.constant 0 : i32
      %dma_wait3A_190 = arith.constant 0 : i32
      %dma_wait3A_191 = tpu.memref_slice %arg2[%dma_wait3A_183, %dma_wait3A_189, %dma_wait3A_190] : memref<32x512x512xf32, #tpu.memory_space<hbm>> -> memref<1x16x512xf32, #tpu.memory_space<hbm>>
      %dma_wait3A_192 = tpu.memref_squeeze %dma_wait3A_191 : memref<1x16x512xf32, #tpu.memory_space<hbm>> -> memref<16x512xf32, #tpu.memory_space<hbm>>
      %dma_wait3A_193 = arith.constant 0 : i32
      %dma_wait3A_194 = arith.constant 0 : i32
      %dma_wait3A_195 = tpu.memref_slice %arg5[%dma_wait3A_184, %dma_wait3A_193, %dma_wait3A_194] : memref<2x16x512xf32, #tpu.memory_space<vmem>> -> memref<1x16x512xf32, #tpu.memory_space<vmem>>
      %dma_wait3A_196 = tpu.memref_squeeze %dma_wait3A_195 : memref<1x16x512xf32, #tpu.memory_space<vmem>> -> memref<16x512xf32, #tpu.memory_space<vmem>>
      %dma_wait3A_197 = arith.constant 0 : i32
      %dma_wait3A_198 = arith.constant 0 : i32
      %dma_wait3A_199 = tpu.memref_slice %arg2[%dma_wait3A_183, %dma_wait3A_197, %dma_wait3A_198] : memref<32x512x512xf32, #tpu.memory_space<hbm>> -> memref<1x16x512xf32, #tpu.memory_space<hbm>>
      %dma_wait3A_200 = tpu.memref_squeeze %dma_wait3A_199 : memref<1x16x512xf32, #tpu.memory_space<hbm>> -> memref<16x512xf32, #tpu.memory_space<hbm>>
      tpu.wait_dma2 semaphore(%arg18 : memref<!tpu.dma_semaphore, #tpu.memory_space<semaphore_mem>>) src(%dma_wait3A_200 : memref<16x512xf32, #tpu.memory_space<hbm>>) dst(%dma_wait3A_196 : memref<16x512xf32, #tpu.memory_space<vmem>>)
      %dma_wait3A_201 = arith.constant 0 : i32
      %dma_wait3A_202 = arith.constant 1 : i32
      %dma_wait3A_203 = arith.constant 0 : i32
      %dma_wait3A_204 = arith.constant 0 : i32
      %dma_wait3A_205 = tpu.memref_slice %arg6[%dma_wait3A_202, %dma_wait3A_203, %dma_wait3A_204] : memref<2x16x512xi32, #tpu.memory_space<vmem>> -> memref<1x16x512xi32, #tpu.memory_space<vmem>>
      %dma_wait3A_206 = tpu.memref_squeeze %dma_wait3A_205 : memref<1x16x512xi32, #tpu.memory_space<vmem>> -> memref<16x512xi32, #tpu.memory_space<vmem>>
      %dma_wait3A_207 = arith.constant 0 : i32
      %dma_wait3A_208 = arith.constant 0 : i32
      %dma_wait3A_209 = tpu.memref_slice %arg3[%dma_wait3A_201, %dma_wait3A_207, %dma_wait3A_208] : memref<32x512x512xi32, #tpu.memory_space<hbm>> -> memref<1x16x512xi32, #tpu.memory_space<hbm>>
      %dma_wait3A_210 = tpu.memref_squeeze %dma_wait3A_209 : memref<1x16x512xi32, #tpu.memory_space<hbm>> -> memref<16x512xi32, #tpu.memory_space<hbm>>
      %dma_wait3A_211 = arith.constant 0 : i32
      %dma_wait3A_212 = arith.constant 0 : i32
      %dma_wait3A_213 = tpu.memref_slice %arg6[%dma_wait3A_202, %dma_wait3A_211, %dma_wait3A_212] : memref<2x16x512xi32, #tpu.memory_space<vmem>> -> memref<1x16x512xi32, #tpu.memory_space<vmem>>
      %dma_wait3A_214 = tpu.memref_squeeze %dma_wait3A_213 : memref<1x16x512xi32, #tpu.memory_space<vmem>> -> memref<16x512xi32, #tpu.memory_space<vmem>>
      %dma_wait3A_215 = arith.constant 0 : i32
      %dma_wait3A_216 = arith.constant 0 : i32
      %dma_wait3A_217 = tpu.memref_slice %arg3[%dma_wait3A_201, %dma_wait3A_215, %dma_wait3A_216] : memref<32x512x512xi32, #tpu.memory_space<hbm>> -> memref<1x16x512xi32, #tpu.memory_space<hbm>>
      %dma_wait3A_218 = tpu.memref_squeeze %dma_wait3A_217 : memref<1x16x512xi32, #tpu.memory_space<hbm>> -> memref<16x512xi32, #tpu.memory_space<hbm>>
      tpu.wait_dma2 semaphore(%arg18 : memref<!tpu.dma_semaphore, #tpu.memory_space<semaphore_mem>>) src(%dma_wait3A_218 : memref<16x512xi32, #tpu.memory_space<hbm>>) dst(%dma_wait3A_214 : memref<16x512xi32, #tpu.memory_space<vmem>>)
      %parallel_loop3A_219 = arith.constant 0 : i32
      %parallel_loop3A_220 = arith.constant 512 : i32
      %parallel_loop3A_221 = arith.constant 1 : i32
      scf.for %parallel_loop3A_222 = %parallel_loop3A_219 to %parallel_loop3A_220 step %parallel_loop3A_221  : i32 {
        %parallel_loop3A_223 = arith.constant 5 : i32
        %parallel_loop3A_224 = arith.shrsi %parallel_loop3A_222, %parallel_loop3A_223 : i32
        %parallel_loop3A_225 = arith.constant 31 : i32
        %parallel_loop3A_226 = arith.andi %parallel_loop3A_222, %parallel_loop3A_225 : i32
        %parallel_loop3A_227 = arith.constant 16 : i32
        %parallel_loop3A_228 = arith.muli %parallel_loop3A_226, %parallel_loop3A_227 : i32
        %parallel_loop3A_229 = arith.constant 1 : i32
        %parallel_loop3A_230 = arith.index_cast %parallel_loop3A_229 : i32 to index
        %parallel_loop3A_231 = arith.index_cast %parallel_loop3A_224 : i32 to index
        %parallel_loop3A_232 = arith.index_cast %parallel_loop3A_228 : i32 to index
        %parallel_loop3A_233 = tpu.vector_load %arg6[%parallel_loop3A_230, %parallel_loop3A_231, %parallel_loop3A_232] {strides = array<i32>} : memref<2x16x512xi32, #tpu.memory_space<vmem>>, vector<16xi32>,
        %parallel_loop3A_234 = arith.constant 1 : i32
        %parallel_loop3A_235 = arith.index_cast %parallel_loop3A_234 : i32 to index
        %parallel_loop3A_236 = arith.index_cast %parallel_loop3A_224 : i32 to index
        %parallel_loop3A_237 = arith.index_cast %parallel_loop3A_228 : i32 to index
        %parallel_loop3A_238 = tpu.vector_load %arg5[%parallel_loop3A_235, %parallel_loop3A_236, %parallel_loop3A_237] {strides = array<i32>} : memref<2x16x512xf32, #tpu.memory_space<vmem>>, vector<16xf32>,
        %parallel_loop3A_239 = arith.constant 0 : i32
        %parallel_loop3A_240 = vector.broadcast %parallel_loop3A_239 : i32 to vector<16xi32>
        %parallel_loop3A_241 = arith.cmpi sge, %parallel_loop3A_233, %parallel_loop3A_240 : vector<16xi32>
        %parallel_loop3A_242 = arith.constant 4 : i32
        %parallel_loop3A_243 = vector.broadcast %parallel_loop3A_242 : i32 to vector<16xi32>
        %parallel_loop3A_244 = arith.shli %parallel_loop3A_233, %parallel_loop3A_243 : vector<16xi32>
        %parallel_loop3A_245 = arith.addi %parallel_loop3A_244, %iota3A : vector<16xi32>
        tpu.vector_store_idx %arg7[%parallel_loop3A_245], %parallel_loop3A_238 masked %parallel_loop3A_241 {add = true} : memref<32768xf32, #tpu.memory_space<vmem>>[vector<16xi32>], vector<16xf32>, vector<16xi1>
        tpu.vector_store_idx %arg8[%parallel_loop3A_245], %broadcast_in_dim3A_3 masked %parallel_loop3A_241 {add = true} : memref<32768xf32, #tpu.memory_space<vmem>>[vector<16xi32>], vector<16xf32>, vector<16xi1>
      } {sc.loop_unroll_factor = 32 : i64, sc.parallel_access}
    }
    %scan3A_43 = arith.constant 16 : i32
    %parallel_loop3A_44 = arith.constant 0 : i32
    %parallel_loop3A_45 = arith.constant 128 : i32
    %parallel_loop3A_46 = arith.constant 1 : i32
    scf.for %parallel_loop3A_124 = %parallel_loop3A_44 to %parallel_loop3A_45 step %parallel_loop3A_46  : i32 {
      %parallel_loop3A_125 = arith.constant 16 : i32
      %parallel_loop3A_126 = arith.muli %parallel_loop3A_124, %parallel_loop3A_125 : i32
      %parallel_loop3A_127 = arith.constant 0 : i32
      %parallel_loop3A_128 = arith.addi %parallel_loop3A_126, %parallel_loop3A_127 : i32
      %parallel_loop3A_129 = arith.constant 16 : i32
      %parallel_loop3A_130 = arith.muli %parallel_loop3A_128, %parallel_loop3A_129 : i32
      %parallel_loop3A_131 = arith.index_cast %parallel_loop3A_130 : i32 to index
      %parallel_loop3A_132 = tpu.vector_load %arg7[%parallel_loop3A_131] {strides = array<i32>} : memref<32768xf32, #tpu.memory_space<vmem>>, vector<16xf32>,
      %parallel_loop3A_133 = arith.constant true
      %parallel_loop3A_134 = vector.broadcast %parallel_loop3A_133 : i1 to vector<16xi1>
      %parallel_loop3A_135 = tpu.scan <sum>, %parallel_loop3A_132 masked %parallel_loop3A_134 : vector<16xf32>, vector<16xi1> -> vector<16xf32>
      %parallel_loop3A_136 = vector.extract %parallel_loop3A_135[15] : f32 from vector<16xf32>
      %parallel_loop3A_137 = arith.constant 16 : i32
      %parallel_loop3A_138 = arith.muli %parallel_loop3A_128, %parallel_loop3A_137 : i32
      %parallel_loop3A_139 = arith.index_cast %parallel_loop3A_138 : i32 to index
      %parallel_loop3A_140 = tpu.vector_load %arg8[%parallel_loop3A_139] {strides = array<i32>} : memref<32768xf32, #tpu.memory_space<vmem>>, vector<16xf32>,
      %parallel_loop3A_141 = arith.constant true
      %parallel_loop3A_142 = vector.broadcast %parallel_loop3A_141 : i1 to vector<16xi1>
      %parallel_loop3A_143 = tpu.scan <sum>, %parallel_loop3A_140 masked %parallel_loop3A_142 : vector<16xf32>, vector<16xi1> -> vector<16xf32>
      %parallel_loop3A_144 = vector.extract %parallel_loop3A_143[15] : f32 from vector<16xf32>
      %parallel_loop3A_145 = arith.constant 0 : i32
      %parallel_loop3A_146 = vector.broadcast %parallel_loop3A_145 : i32 to vector<16xi32>
      %parallel_loop3A_147 = arith.cmpi eq, %iota3A, %parallel_loop3A_146 : vector<16xi32>
      %parallel_loop3A_148 = vector.broadcast %parallel_loop3A_136 : f32 to vector<16xf32>
      %parallel_loop3A_149 = arith.select %parallel_loop3A_147, %parallel_loop3A_148, %broadcast_in_dim3A_1 : vector<16xi1>, vector<16xf32>
      %parallel_loop3A_150 = vector.broadcast %parallel_loop3A_144 : f32 to vector<16xf32>
      %parallel_loop3A_151 = arith.select %parallel_loop3A_147, %parallel_loop3A_150, %broadcast_in_dim3A_1 : vector<16xi1>, vector<16xf32>
      %parallel_loop3A_152 = arith.constant 16 : i32
      %parallel_loop3A_153 = arith.muli %parallel_loop3A_124, %parallel_loop3A_152 : i32
      %parallel_loop3A_154 = arith.constant 1 : i32
      %parallel_loop3A_155 = arith.addi %parallel_loop3A_153, %parallel_loop3A_154 : i32
      %parallel_loop3A_156 = arith.constant 16 : i32
      %parallel_loop3A_157 = arith.muli %parallel_loop3A_155, %parallel_loop3A_156 : i32
      %parallel_loop3A_158 = arith.index_cast %parallel_loop3A_157 : i32 to index
      %parallel_loop3A_159 = tpu.vector_load %arg7[%parallel_loop3A_158] {strides = array<i32>} : memref<32768xf32, #tpu.memory_space<vmem>>, vector<16xf32>,
      %parallel_loop3A_160 = arith.constant true
      %parallel_loop3A_161 = vector.broadcast %parallel_loop3A_160 : i1 to vector<16xi1>
      %parallel_loop3A_162 = tpu.scan <sum>, %parallel_loop3A_159 masked %parallel_loop3A_161 : vector<16xf32>, vector<16xi1> -> vector<16xf32>
      %parallel_loop3A_163 = vector.extract %parallel_loop3A_162[15] : f32 from vector<16xf32>
      %parallel_loop3A_164 = arith.constant 16 : i32
      %parallel_loop3A_165 = arith.muli %parallel_loop3A_155, %parallel_loop3A_164 : i32
      %parallel_loop3A_166 = arith.index_cast %parallel_loop3A_165 : i32 to index
      %parallel_loop3A_167 = tpu.vector_load %arg8[%parallel_loop3A_166] {strides = array<i32>} : memref<32768xf32, #tpu.memory_space<vmem>>, vector<16xf32>,
      %parallel_loop3A_168 = arith.constant true
      %parallel_loop3A_169 = vector.broadcast %parallel_loop3A_168 : i1 to vector<16xi1>
      %parallel_loop3A_170 = tpu.scan <sum>, %parallel_loop3A_167 masked %parallel_loop3A_169 : vector<16xf32>, vector<16xi1> -> vector<16xf32>
      %parallel_loop3A_171 = vector.extract %parallel_loop3A_170[15] : f32 from vector<16xf32>
      %parallel_loop3A_172 = arith.constant 1 : i32
      %parallel_loop3A_173 = vector.broadcast %parallel_loop3A_172 : i32 to vector<16xi32>
      %parallel_loop3A_174 = arith.cmpi eq, %iota3A, %parallel_loop3A_173 : vector<16xi32>
      %parallel_loop3A_175 = vector.broadcast %parallel_loop3A_163 : f32 to vector<16xf32>
      %parallel_loop3A_176 = arith.select %parallel_loop3A_174, %parallel_loop3A_175, %parallel_loop3A_149 : vector<16xi1>, vector<16xf32>
      %parallel_loop3A_177 = vector.broadcast %parallel_loop3A_171 : f32 to vector<16xf32>
      %parallel_loop3A_178 = arith.select %parallel_loop3A_174, %parallel_loop3A_177, %parallel_loop3A_151 : vector<16xi1>, vector<16xf32>
      %parallel_loop3A_179 = arith.constant 16 : i32
      %parallel_loop3A_180 = arith.muli %parallel_loop3A_124, %parallel_loop3A_179 : i32
      %parallel_loop3A_181 = arith.constant 2 : i32
      %parallel_loop3A_182 = arith.addi %parallel_loop3A_180, %parallel_loop3A_181 : i32
      %parallel_loop3A_183 = arith.constant 16 : i32
      %parallel_loop3A_184 = arith.muli %parallel_loop3A_182, %parallel_loop3A_183 : i32
      %parallel_loop3A_185 = arith.index_cast %parallel_loop3A_184 : i32 to index
      %parallel_loop3A_186 = tpu.vector_load %arg7[%parallel_loop3A_185] {strides = array<i32>} : memref<32768xf32, #tpu.memory_space<vmem>>, vector<16xf32>,
      %parallel_loop3A_187 = arith.constant true
      %parallel_loop3A_188 = vector.broadcast %parallel_loop3A_187 : i1 to vector<16xi1>
      %parallel_loop3A_189 = tpu.scan <sum>, %parallel_loop3A_186 masked %parallel_loop3A_188 : vector<16xf32>, vector<16xi1> -> vector<16xf32>
      %parallel_loop3A_190 = vector.extract %parallel_loop3A_189[15] : f32 from vector<16xf32>
      %parallel_loop3A_191 = arith.constant 16 : i32
      %parallel_loop3A_192 = arith.muli %parallel_loop3A_182, %parallel_loop3A_191 : i32
      %parallel_loop3A_193 = arith.index_cast %parallel_loop3A_192 : i32 to index
      %parallel_loop3A_194 = tpu.vector_load %arg8[%parallel_loop3A_193] {strides = array<i32>} : memref<32768xf32, #tpu.memory_space<vmem>>, vector<16xf32>,
      %parallel_loop3A_195 = arith.constant true
      %parallel_loop3A_196 = vector.broadcast %parallel_loop3A_195 : i1 to vector<16xi1>
      %parallel_loop3A_197 = tpu.scan <sum>, %parallel_loop3A_194 masked %parallel_loop3A_196 : vector<16xf32>, vector<16xi1> -> vector<16xf32>
      %parallel_loop3A_198 = vector.extract %parallel_loop3A_197[15] : f32 from vector<16xf32>
      %parallel_loop3A_199 = arith.constant 2 : i32
      %parallel_loop3A_200 = vector.broadcast %parallel_loop3A_199 : i32 to vector<16xi32>
      %parallel_loop3A_201 = arith.cmpi eq, %iota3A, %parallel_loop3A_200 : vector<16xi32>
      %parallel_loop3A_202 = vector.broadcast %parallel_loop3A_190 : f32 to vector<16xf32>
      %parallel_loop3A_203 = arith.select %parallel_loop3A_201, %parallel_loop3A_202, %parallel_loop3A_176 : vector<16xi1>, vector<16xf32>
      %parallel_loop3A_204 = vector.broadcast %parallel_loop3A_198 : f32 to vector<16xf32>
      %parallel_loop3A_205 = arith.select %parallel_loop3A_201, %parallel_loop3A_204, %parallel_loop3A_178 : vector<16xi1>, vector<16xf32>
      %parallel_loop3A_206 = arith.constant 16 : i32
      %parallel_loop3A_207 = arith.muli %parallel_loop3A_124, %parallel_loop3A_206 : i32
      %parallel_loop3A_208 = arith.constant 3 : i32
      %parallel_loop3A_209 = arith.addi %parallel_loop3A_207, %parallel_loop3A_208 : i32
      %parallel_loop3A_210 = arith.constant 16 : i32
      %parallel_loop3A_211 = arith.muli %parallel_loop3A_209, %parallel_loop3A_210 : i32
      %parallel_loop3A_212 = arith.index_cast %parallel_loop3A_211 : i32 to index
      %parallel_loop3A_213 = tpu.vector_load %arg7[%parallel_loop3A_212] {strides = array<i32>} : memref<32768xf32, #tpu.memory_space<vmem>>, vector<16xf32>,
      %parallel_loop3A_214 = arith.constant true
      %parallel_loop3A_215 = vector.broadcast %parallel_loop3A_214 : i1 to vector<16xi1>
      %parallel_loop3A_216 = tpu.scan <sum>, %parallel_loop3A_213 masked %parallel_loop3A_215 : vector<16xf32>, vector<16xi1> -> vector<16xf32>
      %parallel_loop3A_217 = vector.extract %parallel_loop3A_216[15] : f32 from vector<16xf32>
      %parallel_loop3A_218 = arith.constant 16 : i32
      %parallel_loop3A_219 = arith.muli %parallel_loop3A_209, %parallel_loop3A_218 : i32
      %parallel_loop3A_220 = arith.index_cast %parallel_loop3A_219 : i32 to index
      %parallel_loop3A_221 = tpu.vector_load %arg8[%parallel_loop3A_220] {strides = array<i32>} : memref<32768xf32, #tpu.memory_space<vmem>>, vector<16xf32>,
      %parallel_loop3A_222 = arith.constant true
      %parallel_loop3A_223 = vector.broadcast %parallel_loop3A_222 : i1 to vector<16xi1>
      %parallel_loop3A_224 = tpu.scan <sum>, %parallel_loop3A_221 masked %parallel_loop3A_223 : vector<16xf32>, vector<16xi1> -> vector<16xf32>
      %parallel_loop3A_225 = vector.extract %parallel_loop3A_224[15] : f32 from vector<16xf32>
      %parallel_loop3A_226 = arith.constant 3 : i32
      %parallel_loop3A_227 = vector.broadcast %parallel_loop3A_226 : i32 to vector<16xi32>
      %parallel_loop3A_228 = arith.cmpi eq, %iota3A, %parallel_loop3A_227 : vector<16xi32>
      %parallel_loop3A_229 = vector.broadcast %parallel_loop3A_217 : f32 to vector<16xf32>
      %parallel_loop3A_230 = arith.select %parallel_loop3A_228, %parallel_loop3A_229, %parallel_loop3A_203 : vector<16xi1>, vector<16xf32>
      %parallel_loop3A_231 = vector.broadcast %parallel_loop3A_225 : f32 to vector<16xf32>
      %parallel_loop3A_232 = arith.select %parallel_loop3A_228, %parallel_loop3A_231, %parallel_loop3A_205 : vector<16xi1>, vector<16xf32>
      %parallel_loop3A_233 = arith.constant 16 : i32
      %parallel_loop3A_234 = arith.muli %parallel_loop3A_124, %parallel_loop3A_233 : i32
      %parallel_loop3A_235 = arith.constant 4 : i32
      %parallel_loop3A_236 = arith.addi %parallel_loop3A_234, %parallel_loop3A_235 : i32
      %parallel_loop3A_237 = arith.constant 16 : i32
      %parallel_loop3A_238 = arith.muli %parallel_loop3A_236, %parallel_loop3A_237 : i32
      %parallel_loop3A_239 = arith.index_cast %parallel_loop3A_238 : i32 to index
      %parallel_loop3A_240 = tpu.vector_load %arg7[%parallel_loop3A_239] {strides = array<i32>} : memref<32768xf32, #tpu.memory_space<vmem>>, vector<16xf32>,
      %parallel_loop3A_241 = arith.constant true
      %parallel_loop3A_242 = vector.broadcast %parallel_loop3A_241 : i1 to vector<16xi1>
      %parallel_loop3A_243 = tpu.scan <sum>, %parallel_loop3A_240 masked %parallel_loop3A_242 : vector<16xf32>, vector<16xi1> -> vector<16xf32>
      %parallel_loop3A_244 = vector.extract %parallel_loop3A_243[15] : f32 from vector<16xf32>
      %parallel_loop3A_245 = arith.constant 16 : i32
      %parallel_loop3A_246 = arith.muli %parallel_loop3A_236, %parallel_loop3A_245 : i32
      %parallel_loop3A_247 = arith.index_cast %parallel_loop3A_246 : i32 to index
      %parallel_loop3A_248 = tpu.vector_load %arg8[%parallel_loop3A_247] {strides = array<i32>} : memref<32768xf32, #tpu.memory_space<vmem>>, vector<16xf32>,
      %parallel_loop3A_249 = arith.constant true
      %parallel_loop3A_250 = vector.broadcast %parallel_loop3A_249 : i1 to vector<16xi1>
      %parallel_loop3A_251 = tpu.scan <sum>, %parallel_loop3A_248 masked %parallel_loop3A_250 : vector<16xf32>, vector<16xi1> -> vector<16xf32>
      %parallel_loop3A_252 = vector.extract %parallel_loop3A_251[15] : f32 from vector<16xf32>
      %parallel_loop3A_253 = arith.constant 4 : i32
      %parallel_loop3A_254 = vector.broadcast %parallel_loop3A_253 : i32 to vector<16xi32>
      %parallel_loop3A_255 = arith.cmpi eq, %iota3A, %parallel_loop3A_254 : vector<16xi32>
      %parallel_loop3A_256 = vector.broadcast %parallel_loop3A_244 : f32 to vector<16xf32>
      %parallel_loop3A_257 = arith.select %parallel_loop3A_255, %parallel_loop3A_256, %parallel_loop3A_230 : vector<16xi1>, vector<16xf32>
      %parallel_loop3A_258 = vector.broadcast %parallel_loop3A_252 : f32 to vector<16xf32>
      %parallel_loop3A_259 = arith.select %parallel_loop3A_255, %parallel_loop3A_258, %parallel_loop3A_232 : vector<16xi1>, vector<16xf32>
      %parallel_loop3A_260 = arith.constant 16 : i32
      %parallel_loop3A_261 = arith.muli %parallel_loop3A_124, %parallel_loop3A_260 : i32
      %parallel_loop3A_262 = arith.constant 5 : i32
      %parallel_loop3A_263 = arith.addi %parallel_loop3A_261, %parallel_loop3A_262 : i32
      %parallel_loop3A_264 = arith.constant 16 : i32
      %parallel_loop3A_265 = arith.muli %parallel_loop3A_263, %parallel_loop3A_264 : i32
      %parallel_loop3A_266 = arith.index_cast %parallel_loop3A_265 : i32 to index
      %parallel_loop3A_267 = tpu.vector_load %arg7[%parallel_loop3A_266] {strides = array<i32>} : memref<32768xf32, #tpu.memory_space<vmem>>, vector<16xf32>,
      %parallel_loop3A_268 = arith.constant true
      %parallel_loop3A_269 = vector.broadcast %parallel_loop3A_268 : i1 to vector<16xi1>
      %parallel_loop3A_270 = tpu.scan <sum>, %parallel_loop3A_267 masked %parallel_loop3A_269 : vector<16xf32>, vector<16xi1> -> vector<16xf32>
      %parallel_loop3A_271 = vector.extract %parallel_loop3A_270[15] : f32 from vector<16xf32>
      %parallel_loop3A_272 = arith.constant 16 : i32
      %parallel_loop3A_273 = arith.muli %parallel_loop3A_263, %parallel_loop3A_272 : i32
      %parallel_loop3A_274 = arith.index_cast %parallel_loop3A_273 : i32 to index
      %parallel_loop3A_275 = tpu.vector_load %arg8[%parallel_loop3A_274] {strides = array<i32>} : memref<32768xf32, #tpu.memory_space<vmem>>, vector<16xf32>,
      %parallel_loop3A_276 = arith.constant true
      %parallel_loop3A_277 = vector.broadcast %parallel_loop3A_276 : i1 to vector<16xi1>
      %parallel_loop3A_278 = tpu.scan <sum>, %parallel_loop3A_275 masked %parallel_loop3A_277 : vector<16xf32>, vector<16xi1> -> vector<16xf32>
      %parallel_loop3A_279 = vector.extract %parallel_loop3A_278[15] : f32 from vector<16xf32>
      %parallel_loop3A_280 = arith.constant 5 : i32
      %parallel_loop3A_281 = vector.broadcast %parallel_loop3A_280 : i32 to vector<16xi32>
      %parallel_loop3A_282 = arith.cmpi eq, %iota3A, %parallel_loop3A_281 : vector<16xi32>
      %parallel_loop3A_283 = vector.broadcast %parallel_loop3A_271 : f32 to vector<16xf32>
      %parallel_loop3A_284 = arith.select %parallel_loop3A_282, %parallel_loop3A_283, %parallel_loop3A_257 : vector<16xi1>, vector<16xf32>
      %parallel_loop3A_285 = vector.broadcast %parallel_loop3A_279 : f32 to vector<16xf32>
      %parallel_loop3A_286 = arith.select %parallel_loop3A_282, %parallel_loop3A_285, %parallel_loop3A_259 : vector<16xi1>, vector<16xf32>
      %parallel_loop3A_287 = arith.constant 16 : i32
      %parallel_loop3A_288 = arith.muli %parallel_loop3A_124, %parallel_loop3A_287 : i32
      %parallel_loop3A_289 = arith.constant 6 : i32
      %parallel_loop3A_290 = arith.addi %parallel_loop3A_288, %parallel_loop3A_289 : i32
      %parallel_loop3A_291 = arith.constant 16 : i32
      %parallel_loop3A_292 = arith.muli %parallel_loop3A_290, %parallel_loop3A_291 : i32
      %parallel_loop3A_293 = arith.index_cast %parallel_loop3A_292 : i32 to index
      %parallel_loop3A_294 = tpu.vector_load %arg7[%parallel_loop3A_293] {strides = array<i32>} : memref<32768xf32, #tpu.memory_space<vmem>>, vector<16xf32>,
      %parallel_loop3A_295 = arith.constant true
      %parallel_loop3A_296 = vector.broadcast %parallel_loop3A_295 : i1 to vector<16xi1>
      %parallel_loop3A_297 = tpu.scan <sum>, %parallel_loop3A_294 masked %parallel_loop3A_296 : vector<16xf32>, vector<16xi1> -> vector<16xf32>
      %parallel_loop3A_298 = vector.extract %parallel_loop3A_297[15] : f32 from vector<16xf32>
      %parallel_loop3A_299 = arith.constant 16 : i32
      %parallel_loop3A_300 = arith.muli %parallel_loop3A_290, %parallel_loop3A_299 : i32
      %parallel_loop3A_301 = arith.index_cast %parallel_loop3A_300 : i32 to index
      %parallel_loop3A_302 = tpu.vector_load %arg8[%parallel_loop3A_301] {strides = array<i32>} : memref<32768xf32, #tpu.memory_space<vmem>>, vector<16xf32>,
      %parallel_loop3A_303 = arith.constant true
      %parallel_loop3A_304 = vector.broadcast %parallel_loop3A_303 : i1 to vector<16xi1>
      %parallel_loop3A_305 = tpu.scan <sum>, %parallel_loop3A_302 masked %parallel_loop3A_304 : vector<16xf32>, vector<16xi1> -> vector<16xf32>
      %parallel_loop3A_306 = vector.extract %parallel_loop3A_305[15] : f32 from vector<16xf32>
      %parallel_loop3A_307 = arith.constant 6 : i32
      %parallel_loop3A_308 = vector.broadcast %parallel_loop3A_307 : i32 to vector<16xi32>
      %parallel_loop3A_309 = arith.cmpi eq, %iota3A, %parallel_loop3A_308 : vector<16xi32>
      %parallel_loop3A_310 = vector.broadcast %parallel_loop3A_298 : f32 to vector<16xf32>
      %parallel_loop3A_311 = arith.select %parallel_loop3A_309, %parallel_loop3A_310, %parallel_loop3A_284 : vector<16xi1>, vector<16xf32>
      %parallel_loop3A_312 = vector.broadcast %parallel_loop3A_306 : f32 to vector<16xf32>
      %parallel_loop3A_313 = arith.select %parallel_loop3A_309, %parallel_loop3A_312, %parallel_loop3A_286 : vector<16xi1>, vector<16xf32>
      %parallel_loop3A_314 = arith.constant 16 : i32
      %parallel_loop3A_315 = arith.muli %parallel_loop3A_124, %parallel_loop3A_314 : i32
      %parallel_loop3A_316 = arith.constant 7 : i32
      %parallel_loop3A_317 = arith.addi %parallel_loop3A_315, %parallel_loop3A_316 : i32
      %parallel_loop3A_318 = arith.constant 16 : i32
      %parallel_loop3A_319 = arith.muli %parallel_loop3A_317, %parallel_loop3A_318 : i32
      %parallel_loop3A_320 = arith.index_cast %parallel_loop3A_319 : i32 to index
      %parallel_loop3A_321 = tpu.vector_load %arg7[%parallel_loop3A_320] {strides = array<i32>} : memref<32768xf32, #tpu.memory_space<vmem>>, vector<16xf32>,
      %parallel_loop3A_322 = arith.constant true
      %parallel_loop3A_323 = vector.broadcast %parallel_loop3A_322 : i1 to vector<16xi1>
      %parallel_loop3A_324 = tpu.scan <sum>, %parallel_loop3A_321 masked %parallel_loop3A_323 : vector<16xf32>, vector<16xi1> -> vector<16xf32>
      %parallel_loop3A_325 = vector.extract %parallel_loop3A_324[15] : f32 from vector<16xf32>
      %parallel_loop3A_326 = arith.constant 16 : i32
      %parallel_loop3A_327 = arith.muli %parallel_loop3A_317, %parallel_loop3A_326 : i32
      %parallel_loop3A_328 = arith.index_cast %parallel_loop3A_327 : i32 to index
      %parallel_loop3A_329 = tpu.vector_load %arg8[%parallel_loop3A_328] {strides = array<i32>} : memref<32768xf32, #tpu.memory_space<vmem>>, vector<16xf32>,
      %parallel_loop3A_330 = arith.constant true
      %parallel_loop3A_331 = vector.broadcast %parallel_loop3A_330 : i1 to vector<16xi1>
      %parallel_loop3A_332 = tpu.scan <sum>, %parallel_loop3A_329 masked %parallel_loop3A_331 : vector<16xf32>, vector<16xi1> -> vector<16xf32>
      %parallel_loop3A_333 = vector.extract %parallel_loop3A_332[15] : f32 from vector<16xf32>
      %parallel_loop3A_334 = arith.constant 7 : i32
      %parallel_loop3A_335 = vector.broadcast %parallel_loop3A_334 : i32 to vector<16xi32>
      %parallel_loop3A_336 = arith.cmpi eq, %iota3A, %parallel_loop3A_335 : vector<16xi32>
      %parallel_loop3A_337 = vector.broadcast %parallel_loop3A_325 : f32 to vector<16xf32>
      %parallel_loop3A_338 = arith.select %parallel_loop3A_336, %parallel_loop3A_337, %parallel_loop3A_311 : vector<16xi1>, vector<16xf32>
      %parallel_loop3A_339 = vector.broadcast %parallel_loop3A_333 : f32 to vector<16xf32>
      %parallel_loop3A_340 = arith.select %parallel_loop3A_336, %parallel_loop3A_339, %parallel_loop3A_313 : vector<16xi1>, vector<16xf32>
      %parallel_loop3A_341 = arith.constant 16 : i32
      %parallel_loop3A_342 = arith.muli %parallel_loop3A_124, %parallel_loop3A_341 : i32
      %parallel_loop3A_343 = arith.constant 8 : i32
      %parallel_loop3A_344 = arith.addi %parallel_loop3A_342, %parallel_loop3A_343 : i32
      %parallel_loop3A_345 = arith.constant 16 : i32
      %parallel_loop3A_346 = arith.muli %parallel_loop3A_344, %parallel_loop3A_345 : i32
      %parallel_loop3A_347 = arith.index_cast %parallel_loop3A_346 : i32 to index
      %parallel_loop3A_348 = tpu.vector_load %arg7[%parallel_loop3A_347] {strides = array<i32>} : memref<32768xf32, #tpu.memory_space<vmem>>, vector<16xf32>,
      %parallel_loop3A_349 = arith.constant true
      %parallel_loop3A_350 = vector.broadcast %parallel_loop3A_349 : i1 to vector<16xi1>
      %parallel_loop3A_351 = tpu.scan <sum>, %parallel_loop3A_348 masked %parallel_loop3A_350 : vector<16xf32>, vector<16xi1> -> vector<16xf32>
      %parallel_loop3A_352 = vector.extract %parallel_loop3A_351[15] : f32 from vector<16xf32>
      %parallel_loop3A_353 = arith.constant 16 : i32
      %parallel_loop3A_354 = arith.muli %parallel_loop3A_344, %parallel_loop3A_353 : i32
      %parallel_loop3A_355 = arith.index_cast %parallel_loop3A_354 : i32 to index
      %parallel_loop3A_356 = tpu.vector_load %arg8[%parallel_loop3A_355] {strides = array<i32>} : memref<32768xf32, #tpu.memory_space<vmem>>, vector<16xf32>,
      %parallel_loop3A_357 = arith.constant true
      %parallel_loop3A_358 = vector.broadcast %parallel_loop3A_357 : i1 to vector<16xi1>
      %parallel_loop3A_359 = tpu.scan <sum>, %parallel_loop3A_356 masked %parallel_loop3A_358 : vector<16xf32>, vector<16xi1> -> vector<16xf32>
      %parallel_loop3A_360 = vector.extract %parallel_loop3A_359[15] : f32 from vector<16xf32>
      %parallel_loop3A_361 = arith.constant 8 : i32
      %parallel_loop3A_362 = vector.broadcast %parallel_loop3A_361 : i32 to vector<16xi32>
      %parallel_loop3A_363 = arith.cmpi eq, %iota3A, %parallel_loop3A_362 : vector<16xi32>
      %parallel_loop3A_364 = vector.broadcast %parallel_loop3A_352 : f32 to vector<16xf32>
      %parallel_loop3A_365 = arith.select %parallel_loop3A_363, %parallel_loop3A_364, %parallel_loop3A_338 : vector<16xi1>, vector<16xf32>
      %parallel_loop3A_366 = vector.broadcast %parallel_loop3A_360 : f32 to vector<16xf32>
      %parallel_loop3A_367 = arith.select %parallel_loop3A_363, %parallel_loop3A_366, %parallel_loop3A_340 : vector<16xi1>, vector<16xf32>
      %parallel_loop3A_368 = arith.constant 16 : i32
      %parallel_loop3A_369 = arith.muli %parallel_loop3A_124, %parallel_loop3A_368 : i32
      %parallel_loop3A_370 = arith.constant 9 : i32
      %parallel_loop3A_371 = arith.addi %parallel_loop3A_369, %parallel_loop3A_370 : i32
      %parallel_loop3A_372 = arith.constant 16 : i32
      %parallel_loop3A_373 = arith.muli %parallel_loop3A_371, %parallel_loop3A_372 : i32
      %parallel_loop3A_374 = arith.index_cast %parallel_loop3A_373 : i32 to index
      %parallel_loop3A_375 = tpu.vector_load %arg7[%parallel_loop3A_374] {strides = array<i32>} : memref<32768xf32, #tpu.memory_space<vmem>>, vector<16xf32>,
      %parallel_loop3A_376 = arith.constant true
      %parallel_loop3A_377 = vector.broadcast %parallel_loop3A_376 : i1 to vector<16xi1>
      %parallel_loop3A_378 = tpu.scan <sum>, %parallel_loop3A_375 masked %parallel_loop3A_377 : vector<16xf32>, vector<16xi1> -> vector<16xf32>
      %parallel_loop3A_379 = vector.extract %parallel_loop3A_378[15] : f32 from vector<16xf32>
      %parallel_loop3A_380 = arith.constant 16 : i32
      %parallel_loop3A_381 = arith.muli %parallel_loop3A_371, %parallel_loop3A_380 : i32
      %parallel_loop3A_382 = arith.index_cast %parallel_loop3A_381 : i32 to index
      %parallel_loop3A_383 = tpu.vector_load %arg8[%parallel_loop3A_382] {strides = array<i32>} : memref<32768xf32, #tpu.memory_space<vmem>>, vector<16xf32>,
      %parallel_loop3A_384 = arith.constant true
      %parallel_loop3A_385 = vector.broadcast %parallel_loop3A_384 : i1 to vector<16xi1>
      %parallel_loop3A_386 = tpu.scan <sum>, %parallel_loop3A_383 masked %parallel_loop3A_385 : vector<16xf32>, vector<16xi1> -> vector<16xf32>
      %parallel_loop3A_387 = vector.extract %parallel_loop3A_386[15] : f32 from vector<16xf32>
      %parallel_loop3A_388 = arith.constant 9 : i32
      %parallel_loop3A_389 = vector.broadcast %parallel_loop3A_388 : i32 to vector<16xi32>
      %parallel_loop3A_390 = arith.cmpi eq, %iota3A, %parallel_loop3A_389 : vector<16xi32>
      %parallel_loop3A_391 = vector.broadcast %parallel_loop3A_379 : f32 to vector<16xf32>
      %parallel_loop3A_392 = arith.select %parallel_loop3A_390, %parallel_loop3A_391, %parallel_loop3A_365 : vector<16xi1>, vector<16xf32>
      %parallel_loop3A_393 = vector.broadcast %parallel_loop3A_387 : f32 to vector<16xf32>
      %parallel_loop3A_394 = arith.select %parallel_loop3A_390, %parallel_loop3A_393, %parallel_loop3A_367 : vector<16xi1>, vector<16xf32>
      %parallel_loop3A_395 = arith.constant 16 : i32
      %parallel_loop3A_396 = arith.muli %parallel_loop3A_124, %parallel_loop3A_395 : i32
      %parallel_loop3A_397 = arith.constant 10 : i32
      %parallel_loop3A_398 = arith.addi %parallel_loop3A_396, %parallel_loop3A_397 : i32
      %parallel_loop3A_399 = arith.constant 16 : i32
      %parallel_loop3A_400 = arith.muli %parallel_loop3A_398, %parallel_loop3A_399 : i32
      %parallel_loop3A_401 = arith.index_cast %parallel_loop3A_400 : i32 to index
      %parallel_loop3A_402 = tpu.vector_load %arg7[%parallel_loop3A_401] {strides = array<i32>} : memref<32768xf32, #tpu.memory_space<vmem>>, vector<16xf32>,
      %parallel_loop3A_403 = arith.constant true
      %parallel_loop3A_404 = vector.broadcast %parallel_loop3A_403 : i1 to vector<16xi1>
      %parallel_loop3A_405 = tpu.scan <sum>, %parallel_loop3A_402 masked %parallel_loop3A_404 : vector<16xf32>, vector<16xi1> -> vector<16xf32>
      %parallel_loop3A_406 = vector.extract %parallel_loop3A_405[15] : f32 from vector<16xf32>
      %parallel_loop3A_407 = arith.constant 16 : i32
      %parallel_loop3A_408 = arith.muli %parallel_loop3A_398, %parallel_loop3A_407 : i32
      %parallel_loop3A_409 = arith.index_cast %parallel_loop3A_408 : i32 to index
      %parallel_loop3A_410 = tpu.vector_load %arg8[%parallel_loop3A_409] {strides = array<i32>} : memref<32768xf32, #tpu.memory_space<vmem>>, vector<16xf32>,
      %parallel_loop3A_411 = arith.constant true
      %parallel_loop3A_412 = vector.broadcast %parallel_loop3A_411 : i1 to vector<16xi1>
      %parallel_loop3A_413 = tpu.scan <sum>, %parallel_loop3A_410 masked %parallel_loop3A_412 : vector<16xf32>, vector<16xi1> -> vector<16xf32>
      %parallel_loop3A_414 = vector.extract %parallel_loop3A_413[15] : f32 from vector<16xf32>
      %parallel_loop3A_415 = arith.constant 10 : i32
      %parallel_loop3A_416 = vector.broadcast %parallel_loop3A_415 : i32 to vector<16xi32>
      %parallel_loop3A_417 = arith.cmpi eq, %iota3A, %parallel_loop3A_416 : vector<16xi32>
      %parallel_loop3A_418 = vector.broadcast %parallel_loop3A_406 : f32 to vector<16xf32>
      %parallel_loop3A_419 = arith.select %parallel_loop3A_417, %parallel_loop3A_418, %parallel_loop3A_392 : vector<16xi1>, vector<16xf32>
      %parallel_loop3A_420 = vector.broadcast %parallel_loop3A_414 : f32 to vector<16xf32>
      %parallel_loop3A_421 = arith.select %parallel_loop3A_417, %parallel_loop3A_420, %parallel_loop3A_394 : vector<16xi1>, vector<16xf32>
      %parallel_loop3A_422 = arith.constant 16 : i32
      %parallel_loop3A_423 = arith.muli %parallel_loop3A_124, %parallel_loop3A_422 : i32
      %parallel_loop3A_424 = arith.constant 11 : i32
      %parallel_loop3A_425 = arith.addi %parallel_loop3A_423, %parallel_loop3A_424 : i32
      %parallel_loop3A_426 = arith.constant 16 : i32
      %parallel_loop3A_427 = arith.muli %parallel_loop3A_425, %parallel_loop3A_426 : i32
      %parallel_loop3A_428 = arith.index_cast %parallel_loop3A_427 : i32 to index
      %parallel_loop3A_429 = tpu.vector_load %arg7[%parallel_loop3A_428] {strides = array<i32>} : memref<32768xf32, #tpu.memory_space<vmem>>, vector<16xf32>,
      %parallel_loop3A_430 = arith.constant true
      %parallel_loop3A_431 = vector.broadcast %parallel_loop3A_430 : i1 to vector<16xi1>
      %parallel_loop3A_432 = tpu.scan <sum>, %parallel_loop3A_429 masked %parallel_loop3A_431 : vector<16xf32>, vector<16xi1> -> vector<16xf32>
      %parallel_loop3A_433 = vector.extract %parallel_loop3A_432[15] : f32 from vector<16xf32>
      %parallel_loop3A_434 = arith.constant 16 : i32
      %parallel_loop3A_435 = arith.muli %parallel_loop3A_425, %parallel_loop3A_434 : i32
      %parallel_loop3A_436 = arith.index_cast %parallel_loop3A_435 : i32 to index
      %parallel_loop3A_437 = tpu.vector_load %arg8[%parallel_loop3A_436] {strides = array<i32>} : memref<32768xf32, #tpu.memory_space<vmem>>, vector<16xf32>,
      %parallel_loop3A_438 = arith.constant true
      %parallel_loop3A_439 = vector.broadcast %parallel_loop3A_438 : i1 to vector<16xi1>
      %parallel_loop3A_440 = tpu.scan <sum>, %parallel_loop3A_437 masked %parallel_loop3A_439 : vector<16xf32>, vector<16xi1> -> vector<16xf32>
      %parallel_loop3A_441 = vector.extract %parallel_loop3A_440[15] : f32 from vector<16xf32>
      %parallel_loop3A_442 = arith.constant 11 : i32
      %parallel_loop3A_443 = vector.broadcast %parallel_loop3A_442 : i32 to vector<16xi32>
      %parallel_loop3A_444 = arith.cmpi eq, %iota3A, %parallel_loop3A_443 : vector<16xi32>
      %parallel_loop3A_445 = vector.broadcast %parallel_loop3A_433 : f32 to vector<16xf32>
      %parallel_loop3A_446 = arith.select %parallel_loop3A_444, %parallel_loop3A_445, %parallel_loop3A_419 : vector<16xi1>, vector<16xf32>
      %parallel_loop3A_447 = vector.broadcast %parallel_loop3A_441 : f32 to vector<16xf32>
      %parallel_loop3A_448 = arith.select %parallel_loop3A_444, %parallel_loop3A_447, %parallel_loop3A_421 : vector<16xi1>, vector<16xf32>
      %parallel_loop3A_449 = arith.constant 16 : i32
      %parallel_loop3A_450 = arith.muli %parallel_loop3A_124, %parallel_loop3A_449 : i32
      %parallel_loop3A_451 = arith.constant 12 : i32
      %parallel_loop3A_452 = arith.addi %parallel_loop3A_450, %parallel_loop3A_451 : i32
      %parallel_loop3A_453 = arith.constant 16 : i32
      %parallel_loop3A_454 = arith.muli %parallel_loop3A_452, %parallel_loop3A_453 : i32
      %parallel_loop3A_455 = arith.index_cast %parallel_loop3A_454 : i32 to index
      %parallel_loop3A_456 = tpu.vector_load %arg7[%parallel_loop3A_455] {strides = array<i32>} : memref<32768xf32, #tpu.memory_space<vmem>>, vector<16xf32>,
      %parallel_loop3A_457 = arith.constant true
      %parallel_loop3A_458 = vector.broadcast %parallel_loop3A_457 : i1 to vector<16xi1>
      %parallel_loop3A_459 = tpu.scan <sum>, %parallel_loop3A_456 masked %parallel_loop3A_458 : vector<16xf32>, vector<16xi1> -> vector<16xf32>
      %parallel_loop3A_460 = vector.extract %parallel_loop3A_459[15] : f32 from vector<16xf32>
      %parallel_loop3A_461 = arith.constant 16 : i32
      %parallel_loop3A_462 = arith.muli %parallel_loop3A_452, %parallel_loop3A_461 : i32
      %parallel_loop3A_463 = arith.index_cast %parallel_loop3A_462 : i32 to index
      %parallel_loop3A_464 = tpu.vector_load %arg8[%parallel_loop3A_463] {strides = array<i32>} : memref<32768xf32, #tpu.memory_space<vmem>>, vector<16xf32>,
      %parallel_loop3A_465 = arith.constant true
      %parallel_loop3A_466 = vector.broadcast %parallel_loop3A_465 : i1 to vector<16xi1>
      %parallel_loop3A_467 = tpu.scan <sum>, %parallel_loop3A_464 masked %parallel_loop3A_466 : vector<16xf32>, vector<16xi1> -> vector<16xf32>
      %parallel_loop3A_468 = vector.extract %parallel_loop3A_467[15] : f32 from vector<16xf32>
      %parallel_loop3A_469 = arith.constant 12 : i32
      %parallel_loop3A_470 = vector.broadcast %parallel_loop3A_469 : i32 to vector<16xi32>
      %parallel_loop3A_471 = arith.cmpi eq, %iota3A, %parallel_loop3A_470 : vector<16xi32>
      %parallel_loop3A_472 = vector.broadcast %parallel_loop3A_460 : f32 to vector<16xf32>
      %parallel_loop3A_473 = arith.select %parallel_loop3A_471, %parallel_loop3A_472, %parallel_loop3A_446 : vector<16xi1>, vector<16xf32>
      %parallel_loop3A_474 = vector.broadcast %parallel_loop3A_468 : f32 to vector<16xf32>
      %parallel_loop3A_475 = arith.select %parallel_loop3A_471, %parallel_loop3A_474, %parallel_loop3A_448 : vector<16xi1>, vector<16xf32>
      %parallel_loop3A_476 = arith.constant 16 : i32
      %parallel_loop3A_477 = arith.muli %parallel_loop3A_124, %parallel_loop3A_476 : i32
      %parallel_loop3A_478 = arith.constant 13 : i32
      %parallel_loop3A_479 = arith.addi %parallel_loop3A_477, %parallel_loop3A_478 : i32
      %parallel_loop3A_480 = arith.constant 16 : i32
      %parallel_loop3A_481 = arith.muli %parallel_loop3A_479, %parallel_loop3A_480 : i32
      %parallel_loop3A_482 = arith.index_cast %parallel_loop3A_481 : i32 to index
      %parallel_loop3A_483 = tpu.vector_load %arg7[%parallel_loop3A_482] {strides = array<i32>} : memref<32768xf32, #tpu.memory_space<vmem>>, vector<16xf32>,
      %parallel_loop3A_484 = arith.constant true
      %parallel_loop3A_485 = vector.broadcast %parallel_loop3A_484 : i1 to vector<16xi1>
      %parallel_loop3A_486 = tpu.scan <sum>, %parallel_loop3A_483 masked %parallel_loop3A_485 : vector<16xf32>, vector<16xi1> -> vector<16xf32>
      %parallel_loop3A_487 = vector.extract %parallel_loop3A_486[15] : f32 from vector<16xf32>
      %parallel_loop3A_488 = arith.constant 16 : i32
      %parallel_loop3A_489 = arith.muli %parallel_loop3A_479, %parallel_loop3A_488 : i32
      %parallel_loop3A_490 = arith.index_cast %parallel_loop3A_489 : i32 to index
      %parallel_loop3A_491 = tpu.vector_load %arg8[%parallel_loop3A_490] {strides = array<i32>} : memref<32768xf32, #tpu.memory_space<vmem>>, vector<16xf32>,
      %parallel_loop3A_492 = arith.constant true
      %parallel_loop3A_493 = vector.broadcast %parallel_loop3A_492 : i1 to vector<16xi1>
      %parallel_loop3A_494 = tpu.scan <sum>, %parallel_loop3A_491 masked %parallel_loop3A_493 : vector<16xf32>, vector<16xi1> -> vector<16xf32>
      %parallel_loop3A_495 = vector.extract %parallel_loop3A_494[15] : f32 from vector<16xf32>
      %parallel_loop3A_496 = arith.constant 13 : i32
      %parallel_loop3A_497 = vector.broadcast %parallel_loop3A_496 : i32 to vector<16xi32>
      %parallel_loop3A_498 = arith.cmpi eq, %iota3A, %parallel_loop3A_497 : vector<16xi32>
      %parallel_loop3A_499 = vector.broadcast %parallel_loop3A_487 : f32 to vector<16xf32>
      %parallel_loop3A_500 = arith.select %parallel_loop3A_498, %parallel_loop3A_499, %parallel_loop3A_473 : vector<16xi1>, vector<16xf32>
      %parallel_loop3A_501 = vector.broadcast %parallel_loop3A_495 : f32 to vector<16xf32>
      %parallel_loop3A_502 = arith.select %parallel_loop3A_498, %parallel_loop3A_501, %parallel_loop3A_475 : vector<16xi1>, vector<16xf32>
      %parallel_loop3A_503 = arith.constant 16 : i32
      %parallel_loop3A_504 = arith.muli %parallel_loop3A_124, %parallel_loop3A_503 : i32
      %parallel_loop3A_505 = arith.constant 14 : i32
      %parallel_loop3A_506 = arith.addi %parallel_loop3A_504, %parallel_loop3A_505 : i32
      %parallel_loop3A_507 = arith.constant 16 : i32
      %parallel_loop3A_508 = arith.muli %parallel_loop3A_506, %parallel_loop3A_507 : i32
      %parallel_loop3A_509 = arith.index_cast %parallel_loop3A_508 : i32 to index
      %parallel_loop3A_510 = tpu.vector_load %arg7[%parallel_loop3A_509] {strides = array<i32>} : memref<32768xf32, #tpu.memory_space<vmem>>, vector<16xf32>,
      %parallel_loop3A_511 = arith.constant true
      %parallel_loop3A_512 = vector.broadcast %parallel_loop3A_511 : i1 to vector<16xi1>
      %parallel_loop3A_513 = tpu.scan <sum>, %parallel_loop3A_510 masked %parallel_loop3A_512 : vector<16xf32>, vector<16xi1> -> vector<16xf32>
      %parallel_loop3A_514 = vector.extract %parallel_loop3A_513[15] : f32 from vector<16xf32>
      %parallel_loop3A_515 = arith.constant 16 : i32
      %parallel_loop3A_516 = arith.muli %parallel_loop3A_506, %parallel_loop3A_515 : i32
      %parallel_loop3A_517 = arith.index_cast %parallel_loop3A_516 : i32 to index
      %parallel_loop3A_518 = tpu.vector_load %arg8[%parallel_loop3A_517] {strides = array<i32>} : memref<32768xf32, #tpu.memory_space<vmem>>, vector<16xf32>,
      %parallel_loop3A_519 = arith.constant true
      %parallel_loop3A_520 = vector.broadcast %parallel_loop3A_519 : i1 to vector<16xi1>
      %parallel_loop3A_521 = tpu.scan <sum>, %parallel_loop3A_518 masked %parallel_loop3A_520 : vector<16xf32>, vector<16xi1> -> vector<16xf32>
      %parallel_loop3A_522 = vector.extract %parallel_loop3A_521[15] : f32 from vector<16xf32>
      %parallel_loop3A_523 = arith.constant 14 : i32
      %parallel_loop3A_524 = vector.broadcast %parallel_loop3A_523 : i32 to vector<16xi32>
      %parallel_loop3A_525 = arith.cmpi eq, %iota3A, %parallel_loop3A_524 : vector<16xi32>
      %parallel_loop3A_526 = vector.broadcast %parallel_loop3A_514 : f32 to vector<16xf32>
      %parallel_loop3A_527 = arith.select %parallel_loop3A_525, %parallel_loop3A_526, %parallel_loop3A_500 : vector<16xi1>, vector<16xf32>
      %parallel_loop3A_528 = vector.broadcast %parallel_loop3A_522 : f32 to vector<16xf32>
      %parallel_loop3A_529 = arith.select %parallel_loop3A_525, %parallel_loop3A_528, %parallel_loop3A_502 : vector<16xi1>, vector<16xf32>
      %parallel_loop3A_530 = arith.constant 16 : i32
      %parallel_loop3A_531 = arith.muli %parallel_loop3A_124, %parallel_loop3A_530 : i32
      %parallel_loop3A_532 = arith.constant 15 : i32
      %parallel_loop3A_533 = arith.addi %parallel_loop3A_531, %parallel_loop3A_532 : i32
      %parallel_loop3A_534 = arith.constant 16 : i32
      %parallel_loop3A_535 = arith.muli %parallel_loop3A_533, %parallel_loop3A_534 : i32
      %parallel_loop3A_536 = arith.index_cast %parallel_loop3A_535 : i32 to index
      %parallel_loop3A_537 = tpu.vector_load %arg7[%parallel_loop3A_536] {strides = array<i32>} : memref<32768xf32, #tpu.memory_space<vmem>>, vector<16xf32>,
      %parallel_loop3A_538 = arith.constant true
      %parallel_loop3A_539 = vector.broadcast %parallel_loop3A_538 : i1 to vector<16xi1>
      %parallel_loop3A_540 = tpu.scan <sum>, %parallel_loop3A_537 masked %parallel_loop3A_539 : vector<16xf32>, vector<16xi1> -> vector<16xf32>
      %parallel_loop3A_541 = vector.extract %parallel_loop3A_540[15] : f32 from vector<16xf32>
      %parallel_loop3A_542 = arith.constant 16 : i32
      %parallel_loop3A_543 = arith.muli %parallel_loop3A_533, %parallel_loop3A_542 : i32
      %parallel_loop3A_544 = arith.index_cast %parallel_loop3A_543 : i32 to index
      %parallel_loop3A_545 = tpu.vector_load %arg8[%parallel_loop3A_544] {strides = array<i32>} : memref<32768xf32, #tpu.memory_space<vmem>>, vector<16xf32>,
      %parallel_loop3A_546 = arith.constant true
      %parallel_loop3A_547 = vector.broadcast %parallel_loop3A_546 : i1 to vector<16xi1>
      %parallel_loop3A_548 = tpu.scan <sum>, %parallel_loop3A_545 masked %parallel_loop3A_547 : vector<16xf32>, vector<16xi1> -> vector<16xf32>
      %parallel_loop3A_549 = vector.extract %parallel_loop3A_548[15] : f32 from vector<16xf32>
      %parallel_loop3A_550 = arith.constant 15 : i32
      %parallel_loop3A_551 = vector.broadcast %parallel_loop3A_550 : i32 to vector<16xi32>
      %parallel_loop3A_552 = arith.cmpi eq, %iota3A, %parallel_loop3A_551 : vector<16xi32>
      %parallel_loop3A_553 = vector.broadcast %parallel_loop3A_541 : f32 to vector<16xf32>
      %parallel_loop3A_554 = arith.select %parallel_loop3A_552, %parallel_loop3A_553, %parallel_loop3A_527 : vector<16xi1>, vector<16xf32>
      %parallel_loop3A_555 = vector.broadcast %parallel_loop3A_549 : f32 to vector<16xf32>
      %parallel_loop3A_556 = arith.select %parallel_loop3A_552, %parallel_loop3A_555, %parallel_loop3A_529 : vector<16xi1>, vector<16xf32>
      %parallel_loop3A_557 = arith.constant 16 : i32
      %parallel_loop3A_558 = arith.muli %parallel_loop3A_124, %parallel_loop3A_557 : i32
      %parallel_loop3A_559 = arith.index_cast %parallel_loop3A_558 : i32 to index
      %parallel_loop3A_560 = tpu.vector_load %arg9[%parallel_loop3A_559] {strides = array<i32>} : memref<2048xf32, #tpu.memory_space<vmem>>, vector<16xf32>,
      tpu.vector_store %arg9[%parallel_loop3A_559], %parallel_loop3A_554 {strides = array<i32>} : memref<2048xf32, #tpu.memory_space<vmem>>, vector<16xf32>,
      %parallel_loop3A_561 = arith.constant 16 : i32
      %parallel_loop3A_562 = arith.muli %parallel_loop3A_124, %parallel_loop3A_561 : i32
      %parallel_loop3A_563 = arith.index_cast %parallel_loop3A_562 : i32 to index
      %parallel_loop3A_564 = tpu.vector_load %arg10[%parallel_loop3A_563] {strides = array<i32>} : memref<2048xf32, #tpu.memory_space<vmem>>, vector<16xf32>,
      tpu.vector_store %arg10[%parallel_loop3A_563], %parallel_loop3A_556 {strides = array<i32>} : memref<2048xf32, #tpu.memory_space<vmem>>, vector<16xf32>,
    } {sc.loop_unroll_factor = 4 : i64, sc.parallel_access}
    "tpu.region"() ({
      %run_scoped3A_124 = tpu.sem_alloc : memref<!tpu.dma_semaphore, #tpu.memory_space<semaphore_mem>>
      %dma_start3A_125 = arith.constant 0 : i32
      %dma_start3A_126 = tpu.memref_slice %arg11[%arg1, %dma_start3A_125] : memref<16x2048xf32, #tpu.memory_space<vmem_shared>> -> memref<1x2048xf32, #tpu.memory_space<vmem_shared>>
      %dma_start3A_127 = tpu.memref_squeeze %dma_start3A_126 : memref<1x2048xf32, #tpu.memory_space<vmem_shared>> -> memref<2048xf32, #tpu.memory_space<vmem_shared>>
      %dma_start3A_128 = arith.constant 0 : i32
      %dma_start3A_129 = tpu.memref_slice %arg11[%arg1, %dma_start3A_128] : memref<16x2048xf32, #tpu.memory_space<vmem_shared>> -> memref<1x2048xf32, #tpu.memory_space<vmem_shared>>
      %dma_start3A_130 = tpu.memref_squeeze %dma_start3A_129 : memref<1x2048xf32, #tpu.memory_space<vmem_shared>> -> memref<2048xf32, #tpu.memory_space<vmem_shared>>
      tpu.enqueue_dma source(%arg9 : memref<2048xf32, #tpu.memory_space<vmem>>) target(%dma_start3A_130 : memref<2048xf32, #tpu.memory_space<vmem_shared>>) target_semaphore(%run_scoped3A_124 : memref<!tpu.dma_semaphore, #tpu.memory_space<semaphore_mem>>)
      %dma_wait3A = arith.constant 0 : i32
      %dma_wait3A_131 = tpu.memref_slice %arg11[%arg1, %dma_wait3A] : memref<16x2048xf32, #tpu.memory_space<vmem_shared>> -> memref<1x2048xf32, #tpu.memory_space<vmem_shared>>
      %dma_wait3A_132 = tpu.memref_squeeze %dma_wait3A_131 : memref<1x2048xf32, #tpu.memory_space<vmem_shared>> -> memref<2048xf32, #tpu.memory_space<vmem_shared>>
      %dma_wait3A_133 = arith.constant 0 : i32
      %dma_wait3A_134 = tpu.memref_slice %arg11[%arg1, %dma_wait3A_133] : memref<16x2048xf32, #tpu.memory_space<vmem_shared>> -> memref<1x2048xf32, #tpu.memory_space<vmem_shared>>
      %dma_wait3A_135 = tpu.memref_squeeze %dma_wait3A_134 : memref<1x2048xf32, #tpu.memory_space<vmem_shared>> -> memref<2048xf32, #tpu.memory_space<vmem_shared>>
      tpu.wait_dma2 semaphore(%run_scoped3A_124 : memref<!tpu.dma_semaphore, #tpu.memory_space<semaphore_mem>>) src(%arg9 : memref<2048xf32, #tpu.memory_space<vmem>>) dst(%dma_wait3A_135 : memref<2048xf32, #tpu.memory_space<vmem_shared>>)
      tpu.yield
    }) : () -> ()
    "tpu.region"() ({
      %run_scoped3A_124 = tpu.sem_alloc : memref<!tpu.dma_semaphore, #tpu.memory_space<semaphore_mem>>
      %dma_start3A_125 = arith.constant 0 : i32
      %dma_start3A_126 = tpu.memref_slice %arg12[%arg1, %dma_start3A_125] : memref<16x2048xf32, #tpu.memory_space<vmem_shared>> -> memref<1x2048xf32, #tpu.memory_space<vmem_shared>>
      %dma_start3A_127 = tpu.memref_squeeze %dma_start3A_126 : memref<1x2048xf32, #tpu.memory_space<vmem_shared>> -> memref<2048xf32, #tpu.memory_space<vmem_shared>>
      %dma_start3A_128 = arith.constant 0 : i32
      %dma_start3A_129 = tpu.memref_slice %arg12[%arg1, %dma_start3A_128] : memref<16x2048xf32, #tpu.memory_space<vmem_shared>> -> memref<1x2048xf32, #tpu.memory_space<vmem_shared>>
      %dma_start3A_130 = tpu.memref_squeeze %dma_start3A_129 : memref<1x2048xf32, #tpu.memory_space<vmem_shared>> -> memref<2048xf32, #tpu.memory_space<vmem_shared>>
      tpu.enqueue_dma source(%arg10 : memref<2048xf32, #tpu.memory_space<vmem>>) target(%dma_start3A_130 : memref<2048xf32, #tpu.memory_space<vmem_shared>>) target_semaphore(%run_scoped3A_124 : memref<!tpu.dma_semaphore, #tpu.memory_space<semaphore_mem>>)
      %dma_wait3A = arith.constant 0 : i32
      %dma_wait3A_131 = tpu.memref_slice %arg12[%arg1, %dma_wait3A] : memref<16x2048xf32, #tpu.memory_space<vmem_shared>> -> memref<1x2048xf32, #tpu.memory_space<vmem_shared>>
      %dma_wait3A_132 = tpu.memref_squeeze %dma_wait3A_131 : memref<1x2048xf32, #tpu.memory_space<vmem_shared>> -> memref<2048xf32, #tpu.memory_space<vmem_shared>>
      %dma_wait3A_133 = arith.constant 0 : i32
      %dma_wait3A_134 = tpu.memref_slice %arg12[%arg1, %dma_wait3A_133] : memref<16x2048xf32, #tpu.memory_space<vmem_shared>> -> memref<1x2048xf32, #tpu.memory_space<vmem_shared>>
      %dma_wait3A_135 = tpu.memref_squeeze %dma_wait3A_134 : memref<1x2048xf32, #tpu.memory_space<vmem_shared>> -> memref<2048xf32, #tpu.memory_space<vmem_shared>>
      tpu.wait_dma2 semaphore(%run_scoped3A_124 : memref<!tpu.dma_semaphore, #tpu.memory_space<semaphore_mem>>) src(%arg10 : memref<2048xf32, #tpu.memory_space<vmem>>) dst(%dma_wait3A_135 : memref<2048xf32, #tpu.memory_space<vmem_shared>>)
      tpu.yield
    }) : () -> ()
    %barrier3A = arith.constant 0 : index
    tpu.barrier barrier_id(%barrier3A)
    %jit3A = arith.constant 4 : i32
    %div3A = arith.divsi %arg1, %jit3A : i32
    %sign3A = arith.constant 0 : i32
    %sign3A_47 = arith.cmpi sgt, %arg1, %sign3A : i32
    %sign3A_48 = arith.extui %sign3A_47 : i1 to i32
    %sign3A_49 = arith.constant 0 : i32
    %sign3A_50 = arith.cmpi slt, %arg1, %sign3A_49 : i32
    %sign3A_51 = arith.extui %sign3A_50 : i1 to i32
    %sign3A_52 = arith.subi %sign3A_48, %sign3A_51 : i32
    %sign3A_53 = arith.constant 0 : i32
    %sign3A_54 = arith.cmpi sgt, %jit3A, %sign3A_53 : i32
    %sign3A_55 = arith.extui %sign3A_54 : i1 to i32
    %sign3A_56 = arith.constant 0 : i32
    %sign3A_57 = arith.cmpi slt, %jit3A, %sign3A_56 : i32
    %sign3A_58 = arith.extui %sign3A_57 : i1 to i32
    %sign3A_59 = arith.subi %sign3A_55, %sign3A_58 : i32
    %ne3A = arith.cmpi ne, %sign3A_52, %sign3A_59 : i32
    %rem3A = arith.remsi %arg1, %jit3A : i32
    %ne3A_60 = arith.constant 0 : i32
    %ne3A_61 = arith.cmpi ne, %rem3A, %ne3A_60 : i32
    %and3A = arith.andi %ne3A, %ne3A_61 : i1
    %sub3A = arith.constant 1 : i32
    %sub3A_62 = arith.subi %div3A, %sub3A : i32
    %select_n3A = arith.select %and3A, %sub3A_62, %div3A : i32
    %mul3A_63 = arith.constant 4 : i32
    %mul3A_64 = arith.muli %arg0, %mul3A_63 : i32
    %add3A_65 = arith.addi %mul3A_64, %select_n3A : i32
    %jit3A_66 = arith.constant 4 : i32
    %eq3A = arith.constant 0 : i32
    %eq3A_67 = arith.cmpi eq, %jit3A_66, %eq3A : i32
    %jit3A_68 = arith.constant 1 : i32
    %select_n3A_69 = arith.select %eq3A_67, %jit3A_68, %jit3A_66 : i32
    %rem3A_70 = arith.remsi %arg1, %select_n3A_69 : i32
    %ne3A_71 = arith.constant 0 : i32
    %ne3A_72 = arith.cmpi ne, %rem3A_70, %ne3A_71 : i32
    %lt3A = arith.constant 0 : i32
    %lt3A_73 = arith.cmpi slt, %rem3A_70, %lt3A : i32
    %lt3A_74 = arith.constant 0 : i32
    %lt3A_75 = arith.cmpi slt, %select_n3A_69, %lt3A_74 : i32
    %ne3A_76 = arith.xori %lt3A_73, %lt3A_75 : i1
    %and3A_77 = arith.andi %ne3A_76, %ne3A_72 : i1
    %add3A_78 = arith.addi %rem3A_70, %select_n3A_69 : i32
    %select_n3A_79 = arith.select %and3A_77, %add3A_78, %rem3A_70 : i32
    %mul3A_80 = arith.constant 512 : i32
    %mul3A_81 = arith.muli %select_n3A_79, %mul3A_80 : i32
    %mul3A_82 = arith.constant 4 : i32
    %mul3A_83 = arith.muli %select_n3A, %mul3A_82 : i32
    %add3A_84 = arith.constant 0 : i32
    %add3A_85 = arith.addi %mul3A_83, %add3A_84 : i32
    %run_scoped3A = arith.constant 0 : i32
    "tpu.region"() ({
      %run_scoped3A_124 = tpu.sem_alloc : memref<!tpu.dma_semaphore, #tpu.memory_space<semaphore_mem>>
      %dma_start3A_125 = arith.constant 0 : i32
      %dma_start3A_126 = tpu.memref_slice %arg13[%run_scoped3A, %dma_start3A_125] : memref<4x512xf32, #tpu.memory_space<vmem>> -> memref<1x512xf32, #tpu.memory_space<vmem>>
      %dma_start3A_127 = tpu.memref_squeeze %dma_start3A_126 : memref<1x512xf32, #tpu.memory_space<vmem>> -> memref<512xf32, #tpu.memory_space<vmem>>
      %dma_start3A_128 = tpu.memref_slice %arg11[%add3A_85, %mul3A_81] : memref<16x2048xf32, #tpu.memory_space<vmem_shared>> -> memref<1x512xf32, #tpu.memory_space<vmem_shared>>
      %dma_start3A_129 = tpu.memref_squeeze %dma_start3A_128 : memref<1x512xf32, #tpu.memory_space<vmem_shared>> -> memref<512xf32, #tpu.memory_space<vmem_shared>>
      %dma_start3A_130 = arith.constant 0 : i32
      %dma_start3A_131 = tpu.memref_slice %arg13[%run_scoped3A, %dma_start3A_130] : memref<4x512xf32, #tpu.memory_space<vmem>> -> memref<1x512xf32, #tpu.memory_space<vmem>>
      %dma_start3A_132 = tpu.memref_squeeze %dma_start3A_131 : memref<1x512xf32, #tpu.memory_space<vmem>> -> memref<512xf32, #tpu.memory_space<vmem>>
      %dma_start3A_133 = tpu.memref_slice %arg11[%add3A_85, %mul3A_81] : memref<16x2048xf32, #tpu.memory_space<vmem_shared>> -> memref<1x512xf32, #tpu.memory_space<vmem_shared>>
      %dma_start3A_134 = tpu.memref_squeeze %dma_start3A_133 : memref<1x512xf32, #tpu.memory_space<vmem_shared>> -> memref<512xf32, #tpu.memory_space<vmem_shared>>
      tpu.enqueue_dma source(%dma_start3A_134 : memref<512xf32, #tpu.memory_space<vmem_shared>>) target(%dma_start3A_132 : memref<512xf32, #tpu.memory_space<vmem>>) target_semaphore(%run_scoped3A_124 : memref<!tpu.dma_semaphore, #tpu.memory_space<semaphore_mem>>)
      %dma_wait3A = arith.constant 0 : i32
      %dma_wait3A_135 = tpu.memref_slice %arg13[%run_scoped3A, %dma_wait3A] : memref<4x512xf32, #tpu.memory_space<vmem>> -> memref<1x512xf32, #tpu.memory_space<vmem>>
      %dma_wait3A_136 = tpu.memref_squeeze %dma_wait3A_135 : memref<1x512xf32, #tpu.memory_space<vmem>> -> memref<512xf32, #tpu.memory_space<vmem>>
      %dma_wait3A_137 = tpu.memref_slice %arg11[%add3A_85, %mul3A_81] : memref<16x2048xf32, #tpu.memory_space<vmem_shared>> -> memref<1x512xf32, #tpu.memory_space<vmem_shared>>
      %dma_wait3A_138 = tpu.memref_squeeze %dma_wait3A_137 : memref<1x512xf32, #tpu.memory_space<vmem_shared>> -> memref<512xf32, #tpu.memory_space<vmem_shared>>
      %dma_wait3A_139 = arith.constant 0 : i32
      %dma_wait3A_140 = tpu.memref_slice %arg13[%run_scoped3A, %dma_wait3A_139] : memref<4x512xf32, #tpu.memory_space<vmem>> -> memref<1x512xf32, #tpu.memory_space<vmem>>
      %dma_wait3A_141 = tpu.memref_squeeze %dma_wait3A_140 : memref<1x512xf32, #tpu.memory_space<vmem>> -> memref<512xf32, #tpu.memory_space<vmem>>
      %dma_wait3A_142 = tpu.memref_slice %arg11[%add3A_85, %mul3A_81] : memref<16x2048xf32, #tpu.memory_space<vmem_shared>> -> memref<1x512xf32, #tpu.memory_space<vmem_shared>>
      %dma_wait3A_143 = tpu.memref_squeeze %dma_wait3A_142 : memref<1x512xf32, #tpu.memory_space<vmem_shared>> -> memref<512xf32, #tpu.memory_space<vmem_shared>>
      tpu.wait_dma2 semaphore(%run_scoped3A_124 : memref<!tpu.dma_semaphore, #tpu.memory_space<semaphore_mem>>) src(%dma_wait3A_143 : memref<512xf32, #tpu.memory_space<vmem_shared>>) dst(%dma_wait3A_141 : memref<512xf32, #tpu.memory_space<vmem>>)
      tpu.yield
    }) : () -> ()
    %mul3A_86 = arith.constant 4 : i32
    %mul3A_87 = arith.muli %select_n3A, %mul3A_86 : i32
    %add3A_88 = arith.constant 0 : i32
    %add3A_89 = arith.addi %mul3A_87, %add3A_88 : i32
    %run_scoped3A_90 = arith.constant 0 : i32
    "tpu.region"() ({
      %run_scoped3A_124 = tpu.sem_alloc : memref<!tpu.dma_semaphore, #tpu.memory_space<semaphore_mem>>
      %dma_start3A_125 = arith.constant 0 : i32
      %dma_start3A_126 = tpu.memref_slice %arg14[%run_scoped3A_90, %dma_start3A_125] : memref<4x512xf32, #tpu.memory_space<vmem>> -> memref<1x512xf32, #tpu.memory_space<vmem>>
      %dma_start3A_127 = tpu.memref_squeeze %dma_start3A_126 : memref<1x512xf32, #tpu.memory_space<vmem>> -> memref<512xf32, #tpu.memory_space<vmem>>
      %dma_start3A_128 = tpu.memref_slice %arg12[%add3A_89, %mul3A_81] : memref<16x2048xf32, #tpu.memory_space<vmem_shared>> -> memref<1x512xf32, #tpu.memory_space<vmem_shared>>
      %dma_start3A_129 = tpu.memref_squeeze %dma_start3A_128 : memref<1x512xf32, #tpu.memory_space<vmem_shared>> -> memref<512xf32, #tpu.memory_space<vmem_shared>>
      %dma_start3A_130 = arith.constant 0 : i32
      %dma_start3A_131 = tpu.memref_slice %arg14[%run_scoped3A_90, %dma_start3A_130] : memref<4x512xf32, #tpu.memory_space<vmem>> -> memref<1x512xf32, #tpu.memory_space<vmem>>
      %dma_start3A_132 = tpu.memref_squeeze %dma_start3A_131 : memref<1x512xf32, #tpu.memory_space<vmem>> -> memref<512xf32, #tpu.memory_space<vmem>>
      %dma_start3A_133 = tpu.memref_slice %arg12[%add3A_89, %mul3A_81] : memref<16x2048xf32, #tpu.memory_space<vmem_shared>> -> memref<1x512xf32, #tpu.memory_space<vmem_shared>>
      %dma_start3A_134 = tpu.memref_squeeze %dma_start3A_133 : memref<1x512xf32, #tpu.memory_space<vmem_shared>> -> memref<512xf32, #tpu.memory_space<vmem_shared>>
      tpu.enqueue_dma source(%dma_start3A_134 : memref<512xf32, #tpu.memory_space<vmem_shared>>) target(%dma_start3A_132 : memref<512xf32, #tpu.memory_space<vmem>>) target_semaphore(%run_scoped3A_124 : memref<!tpu.dma_semaphore, #tpu.memory_space<semaphore_mem>>)
      %dma_wait3A = arith.constant 0 : i32
      %dma_wait3A_135 = tpu.memref_slice %arg14[%run_scoped3A_90, %dma_wait3A] : memref<4x512xf32, #tpu.memory_space<vmem>> -> memref<1x512xf32, #tpu.memory_space<vmem>>
      %dma_wait3A_136 = tpu.memref_squeeze %dma_wait3A_135 : memref<1x512xf32, #tpu.memory_space<vmem>> -> memref<512xf32, #tpu.memory_space<vmem>>
      %dma_wait3A_137 = tpu.memref_slice %arg12[%add3A_89, %mul3A_81] : memref<16x2048xf32, #tpu.memory_space<vmem_shared>> -> memref<1x512xf32, #tpu.memory_space<vmem_shared>>
      %dma_wait3A_138 = tpu.memref_squeeze %dma_wait3A_137 : memref<1x512xf32, #tpu.memory_space<vmem_shared>> -> memref<512xf32, #tpu.memory_space<vmem_shared>>
      %dma_wait3A_139 = arith.constant 0 : i32
      %dma_wait3A_140 = tpu.memref_slice %arg14[%run_scoped3A_90, %dma_wait3A_139] : memref<4x512xf32, #tpu.memory_space<vmem>> -> memref<1x512xf32, #tpu.memory_space<vmem>>
      %dma_wait3A_141 = tpu.memref_squeeze %dma_wait3A_140 : memref<1x512xf32, #tpu.memory_space<vmem>> -> memref<512xf32, #tpu.memory_space<vmem>>
      %dma_wait3A_142 = tpu.memref_slice %arg12[%add3A_89, %mul3A_81] : memref<16x2048xf32, #tpu.memory_space<vmem_shared>> -> memref<1x512xf32, #tpu.memory_space<vmem_shared>>
      %dma_wait3A_143 = tpu.memref_squeeze %dma_wait3A_142 : memref<1x512xf32, #tpu.memory_space<vmem_shared>> -> memref<512xf32, #tpu.memory_space<vmem_shared>>
      tpu.wait_dma2 semaphore(%run_scoped3A_124 : memref<!tpu.dma_semaphore, #tpu.memory_space<semaphore_mem>>) src(%dma_wait3A_143 : memref<512xf32, #tpu.memory_space<vmem_shared>>) dst(%dma_wait3A_141 : memref<512xf32, #tpu.memory_space<vmem>>)
      tpu.yield
    }) : () -> ()
    %mul3A_91 = arith.constant 4 : i32
    %mul3A_92 = arith.muli %select_n3A, %mul3A_91 : i32
    %add3A_93 = arith.constant 1 : i32
    %add3A_94 = arith.addi %mul3A_92, %add3A_93 : i32
    %run_scoped3A_95 = arith.constant 1 : i32
    "tpu.region"() ({
      %run_scoped3A_124 = tpu.sem_alloc : memref<!tpu.dma_semaphore, #tpu.memory_space<semaphore_mem>>
      %dma_start3A_125 = arith.constant 0 : i32
      %dma_start3A_126 = tpu.memref_slice %arg13[%run_scoped3A_95, %dma_start3A_125] : memref<4x512xf32, #tpu.memory_space<vmem>> -> memref<1x512xf32, #tpu.memory_space<vmem>>
      %dma_start3A_127 = tpu.memref_squeeze %dma_start3A_126 : memref<1x512xf32, #tpu.memory_space<vmem>> -> memref<512xf32, #tpu.memory_space<vmem>>
      %dma_start3A_128 = tpu.memref_slice %arg11[%add3A_94, %mul3A_81] : memref<16x2048xf32, #tpu.memory_space<vmem_shared>> -> memref<1x512xf32, #tpu.memory_space<vmem_shared>>
      %dma_start3A_129 = tpu.memref_squeeze %dma_start3A_128 : memref<1x512xf32, #tpu.memory_space<vmem_shared>> -> memref<512xf32, #tpu.memory_space<vmem_shared>>
      %dma_start3A_130 = arith.constant 0 : i32
      %dma_start3A_131 = tpu.memref_slice %arg13[%run_scoped3A_95, %dma_start3A_130] : memref<4x512xf32, #tpu.memory_space<vmem>> -> memref<1x512xf32, #tpu.memory_space<vmem>>
      %dma_start3A_132 = tpu.memref_squeeze %dma_start3A_131 : memref<1x512xf32, #tpu.memory_space<vmem>> -> memref<512xf32, #tpu.memory_space<vmem>>
      %dma_start3A_133 = tpu.memref_slice %arg11[%add3A_94, %mul3A_81] : memref<16x2048xf32, #tpu.memory_space<vmem_shared>> -> memref<1x512xf32, #tpu.memory_space<vmem_shared>>
      %dma_start3A_134 = tpu.memref_squeeze %dma_start3A_133 : memref<1x512xf32, #tpu.memory_space<vmem_shared>> -> memref<512xf32, #tpu.memory_space<vmem_shared>>
      tpu.enqueue_dma source(%dma_start3A_134 : memref<512xf32, #tpu.memory_space<vmem_shared>>) target(%dma_start3A_132 : memref<512xf32, #tpu.memory_space<vmem>>) target_semaphore(%run_scoped3A_124 : memref<!tpu.dma_semaphore, #tpu.memory_space<semaphore_mem>>)
      %dma_wait3A = arith.constant 0 : i32
      %dma_wait3A_135 = tpu.memref_slice %arg13[%run_scoped3A_95, %dma_wait3A] : memref<4x512xf32, #tpu.memory_space<vmem>> -> memref<1x512xf32, #tpu.memory_space<vmem>>
      %dma_wait3A_136 = tpu.memref_squeeze %dma_wait3A_135 : memref<1x512xf32, #tpu.memory_space<vmem>> -> memref<512xf32, #tpu.memory_space<vmem>>
      %dma_wait3A_137 = tpu.memref_slice %arg11[%add3A_94, %mul3A_81] : memref<16x2048xf32, #tpu.memory_space<vmem_shared>> -> memref<1x512xf32, #tpu.memory_space<vmem_shared>>
      %dma_wait3A_138 = tpu.memref_squeeze %dma_wait3A_137 : memref<1x512xf32, #tpu.memory_space<vmem_shared>> -> memref<512xf32, #tpu.memory_space<vmem_shared>>
      %dma_wait3A_139 = arith.constant 0 : i32
      %dma_wait3A_140 = tpu.memref_slice %arg13[%run_scoped3A_95, %dma_wait3A_139] : memref<4x512xf32, #tpu.memory_space<vmem>> -> memref<1x512xf32, #tpu.memory_space<vmem>>
      %dma_wait3A_141 = tpu.memref_squeeze %dma_wait3A_140 : memref<1x512xf32, #tpu.memory_space<vmem>> -> memref<512xf32, #tpu.memory_space<vmem>>
      %dma_wait3A_142 = tpu.memref_slice %arg11[%add3A_94, %mul3A_81] : memref<16x2048xf32, #tpu.memory_space<vmem_shared>> -> memref<1x512xf32, #tpu.memory_space<vmem_shared>>
      %dma_wait3A_143 = tpu.memref_squeeze %dma_wait3A_142 : memref<1x512xf32, #tpu.memory_space<vmem_shared>> -> memref<512xf32, #tpu.memory_space<vmem_shared>>
      tpu.wait_dma2 semaphore(%run_scoped3A_124 : memref<!tpu.dma_semaphore, #tpu.memory_space<semaphore_mem>>) src(%dma_wait3A_143 : memref<512xf32, #tpu.memory_space<vmem_shared>>) dst(%dma_wait3A_141 : memref<512xf32, #tpu.memory_space<vmem>>)
      tpu.yield
    }) : () -> ()
    %mul3A_96 = arith.constant 4 : i32
    %mul3A_97 = arith.muli %select_n3A, %mul3A_96 : i32
    %add3A_98 = arith.constant 1 : i32
    %add3A_99 = arith.addi %mul3A_97, %add3A_98 : i32
    %run_scoped3A_100 = arith.constant 1 : i32
    "tpu.region"() ({
      %run_scoped3A_124 = tpu.sem_alloc : memref<!tpu.dma_semaphore, #tpu.memory_space<semaphore_mem>>
      %dma_start3A_125 = arith.constant 0 : i32
      %dma_start3A_126 = tpu.memref_slice %arg14[%run_scoped3A_100, %dma_start3A_125] : memref<4x512xf32, #tpu.memory_space<vmem>> -> memref<1x512xf32, #tpu.memory_space<vmem>>
      %dma_start3A_127 = tpu.memref_squeeze %dma_start3A_126 : memref<1x512xf32, #tpu.memory_space<vmem>> -> memref<512xf32, #tpu.memory_space<vmem>>
      %dma_start3A_128 = tpu.memref_slice %arg12[%add3A_99, %mul3A_81] : memref<16x2048xf32, #tpu.memory_space<vmem_shared>> -> memref<1x512xf32, #tpu.memory_space<vmem_shared>>
      %dma_start3A_129 = tpu.memref_squeeze %dma_start3A_128 : memref<1x512xf32, #tpu.memory_space<vmem_shared>> -> memref<512xf32, #tpu.memory_space<vmem_shared>>
      %dma_start3A_130 = arith.constant 0 : i32
      %dma_start3A_131 = tpu.memref_slice %arg14[%run_scoped3A_100, %dma_start3A_130] : memref<4x512xf32, #tpu.memory_space<vmem>> -> memref<1x512xf32, #tpu.memory_space<vmem>>
      %dma_start3A_132 = tpu.memref_squeeze %dma_start3A_131 : memref<1x512xf32, #tpu.memory_space<vmem>> -> memref<512xf32, #tpu.memory_space<vmem>>
      %dma_start3A_133 = tpu.memref_slice %arg12[%add3A_99, %mul3A_81] : memref<16x2048xf32, #tpu.memory_space<vmem_shared>> -> memref<1x512xf32, #tpu.memory_space<vmem_shared>>
      %dma_start3A_134 = tpu.memref_squeeze %dma_start3A_133 : memref<1x512xf32, #tpu.memory_space<vmem_shared>> -> memref<512xf32, #tpu.memory_space<vmem_shared>>
      tpu.enqueue_dma source(%dma_start3A_134 : memref<512xf32, #tpu.memory_space<vmem_shared>>) target(%dma_start3A_132 : memref<512xf32, #tpu.memory_space<vmem>>) target_semaphore(%run_scoped3A_124 : memref<!tpu.dma_semaphore, #tpu.memory_space<semaphore_mem>>)
      %dma_wait3A = arith.constant 0 : i32
      %dma_wait3A_135 = tpu.memref_slice %arg14[%run_scoped3A_100, %dma_wait3A] : memref<4x512xf32, #tpu.memory_space<vmem>> -> memref<1x512xf32, #tpu.memory_space<vmem>>
      %dma_wait3A_136 = tpu.memref_squeeze %dma_wait3A_135 : memref<1x512xf32, #tpu.memory_space<vmem>> -> memref<512xf32, #tpu.memory_space<vmem>>
      %dma_wait3A_137 = tpu.memref_slice %arg12[%add3A_99, %mul3A_81] : memref<16x2048xf32, #tpu.memory_space<vmem_shared>> -> memref<1x512xf32, #tpu.memory_space<vmem_shared>>
      %dma_wait3A_138 = tpu.memref_squeeze %dma_wait3A_137 : memref<1x512xf32, #tpu.memory_space<vmem_shared>> -> memref<512xf32, #tpu.memory_space<vmem_shared>>
      %dma_wait3A_139 = arith.constant 0 : i32
      %dma_wait3A_140 = tpu.memref_slice %arg14[%run_scoped3A_100, %dma_wait3A_139] : memref<4x512xf32, #tpu.memory_space<vmem>> -> memref<1x512xf32, #tpu.memory_space<vmem>>
      %dma_wait3A_141 = tpu.memref_squeeze %dma_wait3A_140 : memref<1x512xf32, #tpu.memory_space<vmem>> -> memref<512xf32, #tpu.memory_space<vmem>>
      %dma_wait3A_142 = tpu.memref_slice %arg12[%add3A_99, %mul3A_81] : memref<16x2048xf32, #tpu.memory_space<vmem_shared>> -> memref<1x512xf32, #tpu.memory_space<vmem_shared>>
      %dma_wait3A_143 = tpu.memref_squeeze %dma_wait3A_142 : memref<1x512xf32, #tpu.memory_space<vmem_shared>> -> memref<512xf32, #tpu.memory_space<vmem_shared>>
      tpu.wait_dma2 semaphore(%run_scoped3A_124 : memref<!tpu.dma_semaphore, #tpu.memory_space<semaphore_mem>>) src(%dma_wait3A_143 : memref<512xf32, #tpu.memory_space<vmem_shared>>) dst(%dma_wait3A_141 : memref<512xf32, #tpu.memory_space<vmem>>)
      tpu.yield
    }) : () -> ()
    %mul3A_101 = arith.constant 4 : i32
    %mul3A_102 = arith.muli %select_n3A, %mul3A_101 : i32
    %add3A_103 = arith.constant 2 : i32
    %add3A_104 = arith.addi %mul3A_102, %add3A_103 : i32
    %run_scoped3A_105 = arith.constant 2 : i32
    "tpu.region"() ({
      %run_scoped3A_124 = tpu.sem_alloc : memref<!tpu.dma_semaphore, #tpu.memory_space<semaphore_mem>>
      %dma_start3A_125 = arith.constant 0 : i32
      %dma_start3A_126 = tpu.memref_slice %arg13[%run_scoped3A_105, %dma_start3A_125] : memref<4x512xf32, #tpu.memory_space<vmem>> -> memref<1x512xf32, #tpu.memory_space<vmem>>
      %dma_start3A_127 = tpu.memref_squeeze %dma_start3A_126 : memref<1x512xf32, #tpu.memory_space<vmem>> -> memref<512xf32, #tpu.memory_space<vmem>>
      %dma_start3A_128 = tpu.memref_slice %arg11[%add3A_104, %mul3A_81] : memref<16x2048xf32, #tpu.memory_space<vmem_shared>> -> memref<1x512xf32, #tpu.memory_space<vmem_shared>>
      %dma_start3A_129 = tpu.memref_squeeze %dma_start3A_128 : memref<1x512xf32, #tpu.memory_space<vmem_shared>> -> memref<512xf32, #tpu.memory_space<vmem_shared>>
      %dma_start3A_130 = arith.constant 0 : i32
      %dma_start3A_131 = tpu.memref_slice %arg13[%run_scoped3A_105, %dma_start3A_130] : memref<4x512xf32, #tpu.memory_space<vmem>> -> memref<1x512xf32, #tpu.memory_space<vmem>>
      %dma_start3A_132 = tpu.memref_squeeze %dma_start3A_131 : memref<1x512xf32, #tpu.memory_space<vmem>> -> memref<512xf32, #tpu.memory_space<vmem>>
      %dma_start3A_133 = tpu.memref_slice %arg11[%add3A_104, %mul3A_81] : memref<16x2048xf32, #tpu.memory_space<vmem_shared>> -> memref<1x512xf32, #tpu.memory_space<vmem_shared>>
      %dma_start3A_134 = tpu.memref_squeeze %dma_start3A_133 : memref<1x512xf32, #tpu.memory_space<vmem_shared>> -> memref<512xf32, #tpu.memory_space<vmem_shared>>
      tpu.enqueue_dma source(%dma_start3A_134 : memref<512xf32, #tpu.memory_space<vmem_shared>>) target(%dma_start3A_132 : memref<512xf32, #tpu.memory_space<vmem>>) target_semaphore(%run_scoped3A_124 : memref<!tpu.dma_semaphore, #tpu.memory_space<semaphore_mem>>)
      %dma_wait3A = arith.constant 0 : i32
      %dma_wait3A_135 = tpu.memref_slice %arg13[%run_scoped3A_105, %dma_wait3A] : memref<4x512xf32, #tpu.memory_space<vmem>> -> memref<1x512xf32, #tpu.memory_space<vmem>>
      %dma_wait3A_136 = tpu.memref_squeeze %dma_wait3A_135 : memref<1x512xf32, #tpu.memory_space<vmem>> -> memref<512xf32, #tpu.memory_space<vmem>>
      %dma_wait3A_137 = tpu.memref_slice %arg11[%add3A_104, %mul3A_81] : memref<16x2048xf32, #tpu.memory_space<vmem_shared>> -> memref<1x512xf32, #tpu.memory_space<vmem_shared>>
      %dma_wait3A_138 = tpu.memref_squeeze %dma_wait3A_137 : memref<1x512xf32, #tpu.memory_space<vmem_shared>> -> memref<512xf32, #tpu.memory_space<vmem_shared>>
      %dma_wait3A_139 = arith.constant 0 : i32
      %dma_wait3A_140 = tpu.memref_slice %arg13[%run_scoped3A_105, %dma_wait3A_139] : memref<4x512xf32, #tpu.memory_space<vmem>> -> memref<1x512xf32, #tpu.memory_space<vmem>>
      %dma_wait3A_141 = tpu.memref_squeeze %dma_wait3A_140 : memref<1x512xf32, #tpu.memory_space<vmem>> -> memref<512xf32, #tpu.memory_space<vmem>>
      %dma_wait3A_142 = tpu.memref_slice %arg11[%add3A_104, %mul3A_81] : memref<16x2048xf32, #tpu.memory_space<vmem_shared>> -> memref<1x512xf32, #tpu.memory_space<vmem_shared>>
      %dma_wait3A_143 = tpu.memref_squeeze %dma_wait3A_142 : memref<1x512xf32, #tpu.memory_space<vmem_shared>> -> memref<512xf32, #tpu.memory_space<vmem_shared>>
      tpu.wait_dma2 semaphore(%run_scoped3A_124 : memref<!tpu.dma_semaphore, #tpu.memory_space<semaphore_mem>>) src(%dma_wait3A_143 : memref<512xf32, #tpu.memory_space<vmem_shared>>) dst(%dma_wait3A_141 : memref<512xf32, #tpu.memory_space<vmem>>)
      tpu.yield
    }) : () -> ()
    %mul3A_106 = arith.constant 4 : i32
    %mul3A_107 = arith.muli %select_n3A, %mul3A_106 : i32
    %add3A_108 = arith.constant 2 : i32
    %add3A_109 = arith.addi %mul3A_107, %add3A_108 : i32
    %run_scoped3A_110 = arith.constant 2 : i32
    "tpu.region"() ({
      %run_scoped3A_124 = tpu.sem_alloc : memref<!tpu.dma_semaphore, #tpu.memory_space<semaphore_mem>>
      %dma_start3A_125 = arith.constant 0 : i32
      %dma_start3A_126 = tpu.memref_slice %arg14[%run_scoped3A_110, %dma_start3A_125] : memref<4x512xf32, #tpu.memory_space<vmem>> -> memref<1x512xf32, #tpu.memory_space<vmem>>
      %dma_start3A_127 = tpu.memref_squeeze %dma_start3A_126 : memref<1x512xf32, #tpu.memory_space<vmem>> -> memref<512xf32, #tpu.memory_space<vmem>>
      %dma_start3A_128 = tpu.memref_slice %arg12[%add3A_109, %mul3A_81] : memref<16x2048xf32, #tpu.memory_space<vmem_shared>> -> memref<1x512xf32, #tpu.memory_space<vmem_shared>>
      %dma_start3A_129 = tpu.memref_squeeze %dma_start3A_128 : memref<1x512xf32, #tpu.memory_space<vmem_shared>> -> memref<512xf32, #tpu.memory_space<vmem_shared>>
      %dma_start3A_130 = arith.constant 0 : i32
      %dma_start3A_131 = tpu.memref_slice %arg14[%run_scoped3A_110, %dma_start3A_130] : memref<4x512xf32, #tpu.memory_space<vmem>> -> memref<1x512xf32, #tpu.memory_space<vmem>>
      %dma_start3A_132 = tpu.memref_squeeze %dma_start3A_131 : memref<1x512xf32, #tpu.memory_space<vmem>> -> memref<512xf32, #tpu.memory_space<vmem>>
      %dma_start3A_133 = tpu.memref_slice %arg12[%add3A_109, %mul3A_81] : memref<16x2048xf32, #tpu.memory_space<vmem_shared>> -> memref<1x512xf32, #tpu.memory_space<vmem_shared>>
      %dma_start3A_134 = tpu.memref_squeeze %dma_start3A_133 : memref<1x512xf32, #tpu.memory_space<vmem_shared>> -> memref<512xf32, #tpu.memory_space<vmem_shared>>
      tpu.enqueue_dma source(%dma_start3A_134 : memref<512xf32, #tpu.memory_space<vmem_shared>>) target(%dma_start3A_132 : memref<512xf32, #tpu.memory_space<vmem>>) target_semaphore(%run_scoped3A_124 : memref<!tpu.dma_semaphore, #tpu.memory_space<semaphore_mem>>)
      %dma_wait3A = arith.constant 0 : i32
      %dma_wait3A_135 = tpu.memref_slice %arg14[%run_scoped3A_110, %dma_wait3A] : memref<4x512xf32, #tpu.memory_space<vmem>> -> memref<1x512xf32, #tpu.memory_space<vmem>>
      %dma_wait3A_136 = tpu.memref_squeeze %dma_wait3A_135 : memref<1x512xf32, #tpu.memory_space<vmem>> -> memref<512xf32, #tpu.memory_space<vmem>>
      %dma_wait3A_137 = tpu.memref_slice %arg12[%add3A_109, %mul3A_81] : memref<16x2048xf32, #tpu.memory_space<vmem_shared>> -> memref<1x512xf32, #tpu.memory_space<vmem_shared>>
      %dma_wait3A_138 = tpu.memref_squeeze %dma_wait3A_137 : memref<1x512xf32, #tpu.memory_space<vmem_shared>> -> memref<512xf32, #tpu.memory_space<vmem_shared>>
      %dma_wait3A_139 = arith.constant 0 : i32
      %dma_wait3A_140 = tpu.memref_slice %arg14[%run_scoped3A_110, %dma_wait3A_139] : memref<4x512xf32, #tpu.memory_space<vmem>> -> memref<1x512xf32, #tpu.memory_space<vmem>>
      %dma_wait3A_141 = tpu.memref_squeeze %dma_wait3A_140 : memref<1x512xf32, #tpu.memory_space<vmem>> -> memref<512xf32, #tpu.memory_space<vmem>>
      %dma_wait3A_142 = tpu.memref_slice %arg12[%add3A_109, %mul3A_81] : memref<16x2048xf32, #tpu.memory_space<vmem_shared>> -> memref<1x512xf32, #tpu.memory_space<vmem_shared>>
      %dma_wait3A_143 = tpu.memref_squeeze %dma_wait3A_142 : memref<1x512xf32, #tpu.memory_space<vmem_shared>> -> memref<512xf32, #tpu.memory_space<vmem_shared>>
      tpu.wait_dma2 semaphore(%run_scoped3A_124 : memref<!tpu.dma_semaphore, #tpu.memory_space<semaphore_mem>>) src(%dma_wait3A_143 : memref<512xf32, #tpu.memory_space<vmem_shared>>) dst(%dma_wait3A_141 : memref<512xf32, #tpu.memory_space<vmem>>)
      tpu.yield
    }) : () -> ()
    %mul3A_111 = arith.constant 4 : i32
    %mul3A_112 = arith.muli %select_n3A, %mul3A_111 : i32
    %add3A_113 = arith.constant 3 : i32
    %add3A_114 = arith.addi %mul3A_112, %add3A_113 : i32
    %run_scoped3A_115 = arith.constant 3 : i32
    "tpu.region"() ({
      %run_scoped3A_124 = tpu.sem_alloc : memref<!tpu.dma_semaphore, #tpu.memory_space<semaphore_mem>>
      %dma_start3A_125 = arith.constant 0 : i32
      %dma_start3A_126 = tpu.memref_slice %arg13[%run_scoped3A_115, %dma_start3A_125] : memref<4x512xf32, #tpu.memory_space<vmem>> -> memref<1x512xf32, #tpu.memory_space<vmem>>
      %dma_start3A_127 = tpu.memref_squeeze %dma_start3A_126 : memref<1x512xf32, #tpu.memory_space<vmem>> -> memref<512xf32, #tpu.memory_space<vmem>>
      %dma_start3A_128 = tpu.memref_slice %arg11[%add3A_114, %mul3A_81] : memref<16x2048xf32, #tpu.memory_space<vmem_shared>> -> memref<1x512xf32, #tpu.memory_space<vmem_shared>>
      %dma_start3A_129 = tpu.memref_squeeze %dma_start3A_128 : memref<1x512xf32, #tpu.memory_space<vmem_shared>> -> memref<512xf32, #tpu.memory_space<vmem_shared>>
      %dma_start3A_130 = arith.constant 0 : i32
      %dma_start3A_131 = tpu.memref_slice %arg13[%run_scoped3A_115, %dma_start3A_130] : memref<4x512xf32, #tpu.memory_space<vmem>> -> memref<1x512xf32, #tpu.memory_space<vmem>>
      %dma_start3A_132 = tpu.memref_squeeze %dma_start3A_131 : memref<1x512xf32, #tpu.memory_space<vmem>> -> memref<512xf32, #tpu.memory_space<vmem>>
      %dma_start3A_133 = tpu.memref_slice %arg11[%add3A_114, %mul3A_81] : memref<16x2048xf32, #tpu.memory_space<vmem_shared>> -> memref<1x512xf32, #tpu.memory_space<vmem_shared>>
      %dma_start3A_134 = tpu.memref_squeeze %dma_start3A_133 : memref<1x512xf32, #tpu.memory_space<vmem_shared>> -> memref<512xf32, #tpu.memory_space<vmem_shared>>
      tpu.enqueue_dma source(%dma_start3A_134 : memref<512xf32, #tpu.memory_space<vmem_shared>>) target(%dma_start3A_132 : memref<512xf32, #tpu.memory_space<vmem>>) target_semaphore(%run_scoped3A_124 : memref<!tpu.dma_semaphore, #tpu.memory_space<semaphore_mem>>)
      %dma_wait3A = arith.constant 0 : i32
      %dma_wait3A_135 = tpu.memref_slice %arg13[%run_scoped3A_115, %dma_wait3A] : memref<4x512xf32, #tpu.memory_space<vmem>> -> memref<1x512xf32, #tpu.memory_space<vmem>>
      %dma_wait3A_136 = tpu.memref_squeeze %dma_wait3A_135 : memref<1x512xf32, #tpu.memory_space<vmem>> -> memref<512xf32, #tpu.memory_space<vmem>>
      %dma_wait3A_137 = tpu.memref_slice %arg11[%add3A_114, %mul3A_81] : memref<16x2048xf32, #tpu.memory_space<vmem_shared>> -> memref<1x512xf32, #tpu.memory_space<vmem_shared>>
      %dma_wait3A_138 = tpu.memref_squeeze %dma_wait3A_137 : memref<1x512xf32, #tpu.memory_space<vmem_shared>> -> memref<512xf32, #tpu.memory_space<vmem_shared>>
      %dma_wait3A_139 = arith.constant 0 : i32
      %dma_wait3A_140 = tpu.memref_slice %arg13[%run_scoped3A_115, %dma_wait3A_139] : memref<4x512xf32, #tpu.memory_space<vmem>> -> memref<1x512xf32, #tpu.memory_space<vmem>>
      %dma_wait3A_141 = tpu.memref_squeeze %dma_wait3A_140 : memref<1x512xf32, #tpu.memory_space<vmem>> -> memref<512xf32, #tpu.memory_space<vmem>>
      %dma_wait3A_142 = tpu.memref_slice %arg11[%add3A_114, %mul3A_81] : memref<16x2048xf32, #tpu.memory_space<vmem_shared>> -> memref<1x512xf32, #tpu.memory_space<vmem_shared>>
      %dma_wait3A_143 = tpu.memref_squeeze %dma_wait3A_142 : memref<1x512xf32, #tpu.memory_space<vmem_shared>> -> memref<512xf32, #tpu.memory_space<vmem_shared>>
      tpu.wait_dma2 semaphore(%run_scoped3A_124 : memref<!tpu.dma_semaphore, #tpu.memory_space<semaphore_mem>>) src(%dma_wait3A_143 : memref<512xf32, #tpu.memory_space<vmem_shared>>) dst(%dma_wait3A_141 : memref<512xf32, #tpu.memory_space<vmem>>)
      tpu.yield
    }) : () -> ()
    %mul3A_116 = arith.constant 4 : i32
    %mul3A_117 = arith.muli %select_n3A, %mul3A_116 : i32
    %add3A_118 = arith.constant 3 : i32
    %add3A_119 = arith.addi %mul3A_117, %add3A_118 : i32
    %run_scoped3A_120 = arith.constant 3 : i32
    "tpu.region"() ({
      %run_scoped3A_124 = tpu.sem_alloc : memref<!tpu.dma_semaphore, #tpu.memory_space<semaphore_mem>>
      %dma_start3A_125 = arith.constant 0 : i32
      %dma_start3A_126 = tpu.memref_slice %arg14[%run_scoped3A_120, %dma_start3A_125] : memref<4x512xf32, #tpu.memory_space<vmem>> -> memref<1x512xf32, #tpu.memory_space<vmem>>
      %dma_start3A_127 = tpu.memref_squeeze %dma_start3A_126 : memref<1x512xf32, #tpu.memory_space<vmem>> -> memref<512xf32, #tpu.memory_space<vmem>>
      %dma_start3A_128 = tpu.memref_slice %arg12[%add3A_119, %mul3A_81] : memref<16x2048xf32, #tpu.memory_space<vmem_shared>> -> memref<1x512xf32, #tpu.memory_space<vmem_shared>>
      %dma_start3A_129 = tpu.memref_squeeze %dma_start3A_128 : memref<1x512xf32, #tpu.memory_space<vmem_shared>> -> memref<512xf32, #tpu.memory_space<vmem_shared>>
      %dma_start3A_130 = arith.constant 0 : i32
      %dma_start3A_131 = tpu.memref_slice %arg14[%run_scoped3A_120, %dma_start3A_130] : memref<4x512xf32, #tpu.memory_space<vmem>> -> memref<1x512xf32, #tpu.memory_space<vmem>>
      %dma_start3A_132 = tpu.memref_squeeze %dma_start3A_131 : memref<1x512xf32, #tpu.memory_space<vmem>> -> memref<512xf32, #tpu.memory_space<vmem>>
      %dma_start3A_133 = tpu.memref_slice %arg12[%add3A_119, %mul3A_81] : memref<16x2048xf32, #tpu.memory_space<vmem_shared>> -> memref<1x512xf32, #tpu.memory_space<vmem_shared>>
      %dma_start3A_134 = tpu.memref_squeeze %dma_start3A_133 : memref<1x512xf32, #tpu.memory_space<vmem_shared>> -> memref<512xf32, #tpu.memory_space<vmem_shared>>
      tpu.enqueue_dma source(%dma_start3A_134 : memref<512xf32, #tpu.memory_space<vmem_shared>>) target(%dma_start3A_132 : memref<512xf32, #tpu.memory_space<vmem>>) target_semaphore(%run_scoped3A_124 : memref<!tpu.dma_semaphore, #tpu.memory_space<semaphore_mem>>)
      %dma_wait3A = arith.constant 0 : i32
      %dma_wait3A_135 = tpu.memref_slice %arg14[%run_scoped3A_120, %dma_wait3A] : memref<4x512xf32, #tpu.memory_space<vmem>> -> memref<1x512xf32, #tpu.memory_space<vmem>>
      %dma_wait3A_136 = tpu.memref_squeeze %dma_wait3A_135 : memref<1x512xf32, #tpu.memory_space<vmem>> -> memref<512xf32, #tpu.memory_space<vmem>>
      %dma_wait3A_137 = tpu.memref_slice %arg12[%add3A_119, %mul3A_81] : memref<16x2048xf32, #tpu.memory_space<vmem_shared>> -> memref<1x512xf32, #tpu.memory_space<vmem_shared>>
      %dma_wait3A_138 = tpu.memref_squeeze %dma_wait3A_137 : memref<1x512xf32, #tpu.memory_space<vmem_shared>> -> memref<512xf32, #tpu.memory_space<vmem_shared>>
      %dma_wait3A_139 = arith.constant 0 : i32
      %dma_wait3A_140 = tpu.memref_slice %arg14[%run_scoped3A_120, %dma_wait3A_139] : memref<4x512xf32, #tpu.memory_space<vmem>> -> memref<1x512xf32, #tpu.memory_space<vmem>>
      %dma_wait3A_141 = tpu.memref_squeeze %dma_wait3A_140 : memref<1x512xf32, #tpu.memory_space<vmem>> -> memref<512xf32, #tpu.memory_space<vmem>>
      %dma_wait3A_142 = tpu.memref_slice %arg12[%add3A_119, %mul3A_81] : memref<16x2048xf32, #tpu.memory_space<vmem_shared>> -> memref<1x512xf32, #tpu.memory_space<vmem_shared>>
      %dma_wait3A_143 = tpu.memref_squeeze %dma_wait3A_142 : memref<1x512xf32, #tpu.memory_space<vmem_shared>> -> memref<512xf32, #tpu.memory_space<vmem_shared>>
      tpu.wait_dma2 semaphore(%run_scoped3A_124 : memref<!tpu.dma_semaphore, #tpu.memory_space<semaphore_mem>>) src(%dma_wait3A_143 : memref<512xf32, #tpu.memory_space<vmem_shared>>) dst(%dma_wait3A_141 : memref<512xf32, #tpu.memory_space<vmem>>)
      tpu.yield
    }) : () -> ()
    %parallel_loop3A_121 = arith.constant 0 : i32
    %parallel_loop3A_122 = arith.constant 32 : i32
    %parallel_loop3A_123 = arith.constant 1 : i32
    scf.for %parallel_loop3A_124 = %parallel_loop3A_121 to %parallel_loop3A_122 step %parallel_loop3A_123  : i32 {
      %parallel_loop3A_125 = arith.constant 16 : i32
      %parallel_loop3A_126 = arith.muli %parallel_loop3A_124, %parallel_loop3A_125 : i32
      %parallel_loop3A_127 = arith.constant 0.000000e+00 : f32
      %parallel_loop3A_128 = vector.broadcast %parallel_loop3A_127 : f32 to vector<16xf32>
      %parallel_loop3A_129 = arith.constant 0.000000e+00 : f32
      %parallel_loop3A_130 = vector.broadcast %parallel_loop3A_129 : f32 to vector<16xf32>
      %parallel_loop3A_131 = arith.constant 0 : i32
      %parallel_loop3A_132 = arith.index_cast %parallel_loop3A_131 : i32 to index
      %parallel_loop3A_133 = arith.index_cast %parallel_loop3A_126 : i32 to index
      %parallel_loop3A_134 = tpu.vector_load %arg13[%parallel_loop3A_132, %parallel_loop3A_133] {strides = array<i32>} : memref<4x512xf32, #tpu.memory_space<vmem>>, vector<16xf32>,
      %parallel_loop3A_135 = arith.constant 0 : i32
      %parallel_loop3A_136 = arith.index_cast %parallel_loop3A_135 : i32 to index
      %parallel_loop3A_137 = arith.index_cast %parallel_loop3A_126 : i32 to index
      %parallel_loop3A_138 = tpu.vector_load %arg14[%parallel_loop3A_136, %parallel_loop3A_137] {strides = array<i32>} : memref<4x512xf32, #tpu.memory_space<vmem>>, vector<16xf32>,
      %parallel_loop3A_139 = arith.constant 1.000000e+00 : f32
      %parallel_loop3A_140 = vector.broadcast %parallel_loop3A_139 : f32 to vector<16xf32>
      %parallel_loop3A_141 = arith.maximumf %parallel_loop3A_138, %parallel_loop3A_140 : vector<16xf32>
      %parallel_loop3A_142 = arith.divf %parallel_loop3A_134, %parallel_loop3A_141 : vector<16xf32>
      %parallel_loop3A_143 = arith.addf %parallel_loop3A_128, %parallel_loop3A_142 : vector<16xf32>
      %parallel_loop3A_144 = arith.constant 0.000000e+00 : f32
      %parallel_loop3A_145 = vector.broadcast %parallel_loop3A_144 : f32 to vector<16xf32>
      %parallel_loop3A_146 = arith.cmpf ogt, %parallel_loop3A_138, %parallel_loop3A_145 : vector<16xf32>
      %parallel_loop3A_147 = arith.constant 1.000000e+00 : f32
      %parallel_loop3A_148 = arith.constant 0.000000e+00 : f32
      %parallel_loop3A_149 = vector.broadcast %parallel_loop3A_147 : f32 to vector<16xf32>
      %parallel_loop3A_150 = vector.broadcast %parallel_loop3A_148 : f32 to vector<16xf32>
      %parallel_loop3A_151 = arith.select %parallel_loop3A_146, %parallel_loop3A_149, %parallel_loop3A_150 : vector<16xi1>, vector<16xf32>
      %parallel_loop3A_152 = arith.addf %parallel_loop3A_130, %parallel_loop3A_151 : vector<16xf32>
      %parallel_loop3A_153 = arith.constant 1 : i32
      %parallel_loop3A_154 = arith.index_cast %parallel_loop3A_153 : i32 to index
      %parallel_loop3A_155 = arith.index_cast %parallel_loop3A_126 : i32 to index
      %parallel_loop3A_156 = tpu.vector_load %arg13[%parallel_loop3A_154, %parallel_loop3A_155] {strides = array<i32>} : memref<4x512xf32, #tpu.memory_space<vmem>>, vector<16xf32>,
      %parallel_loop3A_157 = arith.constant 1 : i32
      %parallel_loop3A_158 = arith.index_cast %parallel_loop3A_157 : i32 to index
      %parallel_loop3A_159 = arith.index_cast %parallel_loop3A_126 : i32 to index
      %parallel_loop3A_160 = tpu.vector_load %arg14[%parallel_loop3A_158, %parallel_loop3A_159] {strides = array<i32>} : memref<4x512xf32, #tpu.memory_space<vmem>>, vector<16xf32>,
      %parallel_loop3A_161 = arith.constant 1.000000e+00 : f32
      %parallel_loop3A_162 = vector.broadcast %parallel_loop3A_161 : f32 to vector<16xf32>
      %parallel_loop3A_163 = arith.maximumf %parallel_loop3A_160, %parallel_loop3A_162 : vector<16xf32>
      %parallel_loop3A_164 = arith.divf %parallel_loop3A_156, %parallel_loop3A_163 : vector<16xf32>
      %parallel_loop3A_165 = arith.addf %parallel_loop3A_143, %parallel_loop3A_164 : vector<16xf32>
      %parallel_loop3A_166 = arith.constant 0.000000e+00 : f32
      %parallel_loop3A_167 = vector.broadcast %parallel_loop3A_166 : f32 to vector<16xf32>
      %parallel_loop3A_168 = arith.cmpf ogt, %parallel_loop3A_160, %parallel_loop3A_167 : vector<16xf32>
      %parallel_loop3A_169 = arith.constant 1.000000e+00 : f32
      %parallel_loop3A_170 = arith.constant 0.000000e+00 : f32
      %parallel_loop3A_171 = vector.broadcast %parallel_loop3A_169 : f32 to vector<16xf32>
      %parallel_loop3A_172 = vector.broadcast %parallel_loop3A_170 : f32 to vector<16xf32>
      %parallel_loop3A_173 = arith.select %parallel_loop3A_168, %parallel_loop3A_171, %parallel_loop3A_172 : vector<16xi1>, vector<16xf32>
      %parallel_loop3A_174 = arith.addf %parallel_loop3A_152, %parallel_loop3A_173 : vector<16xf32>
      %parallel_loop3A_175 = arith.constant 2 : i32
      %parallel_loop3A_176 = arith.index_cast %parallel_loop3A_175 : i32 to index
      %parallel_loop3A_177 = arith.index_cast %parallel_loop3A_126 : i32 to index
      %parallel_loop3A_178 = tpu.vector_load %arg13[%parallel_loop3A_176, %parallel_loop3A_177] {strides = array<i32>} : memref<4x512xf32, #tpu.memory_space<vmem>>, vector<16xf32>,
      %parallel_loop3A_179 = arith.constant 2 : i32
      %parallel_loop3A_180 = arith.index_cast %parallel_loop3A_179 : i32 to index
      %parallel_loop3A_181 = arith.index_cast %parallel_loop3A_126 : i32 to index
      %parallel_loop3A_182 = tpu.vector_load %arg14[%parallel_loop3A_180, %parallel_loop3A_181] {strides = array<i32>} : memref<4x512xf32, #tpu.memory_space<vmem>>, vector<16xf32>,
      %parallel_loop3A_183 = arith.constant 1.000000e+00 : f32
      %parallel_loop3A_184 = vector.broadcast %parallel_loop3A_183 : f32 to vector<16xf32>
      %parallel_loop3A_185 = arith.maximumf %parallel_loop3A_182, %parallel_loop3A_184 : vector<16xf32>
      %parallel_loop3A_186 = arith.divf %parallel_loop3A_178, %parallel_loop3A_185 : vector<16xf32>
      %parallel_loop3A_187 = arith.addf %parallel_loop3A_165, %parallel_loop3A_186 : vector<16xf32>
      %parallel_loop3A_188 = arith.constant 0.000000e+00 : f32
      %parallel_loop3A_189 = vector.broadcast %parallel_loop3A_188 : f32 to vector<16xf32>
      %parallel_loop3A_190 = arith.cmpf ogt, %parallel_loop3A_182, %parallel_loop3A_189 : vector<16xf32>
      %parallel_loop3A_191 = arith.constant 1.000000e+00 : f32
      %parallel_loop3A_192 = arith.constant 0.000000e+00 : f32
      %parallel_loop3A_193 = vector.broadcast %parallel_loop3A_191 : f32 to vector<16xf32>
      %parallel_loop3A_194 = vector.broadcast %parallel_loop3A_192 : f32 to vector<16xf32>
      %parallel_loop3A_195 = arith.select %parallel_loop3A_190, %parallel_loop3A_193, %parallel_loop3A_194 : vector<16xi1>, vector<16xf32>
      %parallel_loop3A_196 = arith.addf %parallel_loop3A_174, %parallel_loop3A_195 : vector<16xf32>
      %parallel_loop3A_197 = arith.constant 3 : i32
      %parallel_loop3A_198 = arith.index_cast %parallel_loop3A_197 : i32 to index
      %parallel_loop3A_199 = arith.index_cast %parallel_loop3A_126 : i32 to index
      %parallel_loop3A_200 = tpu.vector_load %arg13[%parallel_loop3A_198, %parallel_loop3A_199] {strides = array<i32>} : memref<4x512xf32, #tpu.memory_space<vmem>>, vector<16xf32>,
      %parallel_loop3A_201 = arith.constant 3 : i32
      %parallel_loop3A_202 = arith.index_cast %parallel_loop3A_201 : i32 to index
      %parallel_loop3A_203 = arith.index_cast %parallel_loop3A_126 : i32 to index
      %parallel_loop3A_204 = tpu.vector_load %arg14[%parallel_loop3A_202, %parallel_loop3A_203] {strides = array<i32>} : memref<4x512xf32, #tpu.memory_space<vmem>>, vector<16xf32>,
      %parallel_loop3A_205 = arith.constant 1.000000e+00 : f32
      %parallel_loop3A_206 = vector.broadcast %parallel_loop3A_205 : f32 to vector<16xf32>
      %parallel_loop3A_207 = arith.maximumf %parallel_loop3A_204, %parallel_loop3A_206 : vector<16xf32>
      %parallel_loop3A_208 = arith.divf %parallel_loop3A_200, %parallel_loop3A_207 : vector<16xf32>
      %parallel_loop3A_209 = arith.addf %parallel_loop3A_187, %parallel_loop3A_208 : vector<16xf32>
      %parallel_loop3A_210 = arith.constant 0.000000e+00 : f32
      %parallel_loop3A_211 = vector.broadcast %parallel_loop3A_210 : f32 to vector<16xf32>
      %parallel_loop3A_212 = arith.cmpf ogt, %parallel_loop3A_204, %parallel_loop3A_211 : vector<16xf32>
      %parallel_loop3A_213 = arith.constant 1.000000e+00 : f32
      %parallel_loop3A_214 = arith.constant 0.000000e+00 : f32
      %parallel_loop3A_215 = vector.broadcast %parallel_loop3A_213 : f32 to vector<16xf32>
      %parallel_loop3A_216 = vector.broadcast %parallel_loop3A_214 : f32 to vector<16xf32>
      %parallel_loop3A_217 = arith.select %parallel_loop3A_212, %parallel_loop3A_215, %parallel_loop3A_216 : vector<16xi1>, vector<16xf32>
      %parallel_loop3A_218 = arith.addf %parallel_loop3A_196, %parallel_loop3A_217 : vector<16xf32>
      %parallel_loop3A_219 = arith.constant 1.000000e+00 : f32
      %parallel_loop3A_220 = vector.broadcast %parallel_loop3A_219 : f32 to vector<16xf32>
      %parallel_loop3A_221 = arith.maximumf %parallel_loop3A_218, %parallel_loop3A_220 : vector<16xf32>
      %parallel_loop3A_222 = arith.divf %parallel_loop3A_209, %parallel_loop3A_221 : vector<16xf32>
      %parallel_loop3A_223 = arith.index_cast %parallel_loop3A_126 : i32 to index
      %parallel_loop3A_224 = tpu.vector_load %arg15[%parallel_loop3A_223] {strides = array<i32>} : memref<512xf32, #tpu.memory_space<vmem>>, vector<16xf32>,
      tpu.vector_store %arg15[%parallel_loop3A_223], %parallel_loop3A_222 {strides = array<i32>} : memref<512xf32, #tpu.memory_space<vmem>>, vector<16xf32>,
    } {sc.loop_unroll_factor = 4 : i64, sc.parallel_access}
    "tpu.region"() ({
      %run_scoped3A_124 = tpu.sem_alloc : memref<!tpu.dma_semaphore, #tpu.memory_space<semaphore_mem>>
      %dma_start3A_125 = tpu.memref_slice %arg4[%add3A_65, %mul3A_81] : memref<8x2048xf32, #tpu.memory_space<hbm>> -> memref<1x512xf32, #tpu.memory_space<hbm>>
      %dma_start3A_126 = tpu.memref_squeeze %dma_start3A_125 : memref<1x512xf32, #tpu.memory_space<hbm>> -> memref<512xf32, #tpu.memory_space<hbm>>
      %dma_start3A_127 = tpu.memref_slice %arg4[%add3A_65, %mul3A_81] : memref<8x2048xf32, #tpu.memory_space<hbm>> -> memref<1x512xf32, #tpu.memory_space<hbm>>
      %dma_start3A_128 = tpu.memref_squeeze %dma_start3A_127 : memref<1x512xf32, #tpu.memory_space<hbm>> -> memref<512xf32, #tpu.memory_space<hbm>>
      tpu.enqueue_dma source(%arg15 : memref<512xf32, #tpu.memory_space<vmem>>) target(%dma_start3A_128 : memref<512xf32, #tpu.memory_space<hbm>>) target_semaphore(%run_scoped3A_124 : memref<!tpu.dma_semaphore, #tpu.memory_space<semaphore_mem>>)
      %dma_wait3A = tpu.memref_slice %arg4[%add3A_65, %mul3A_81] : memref<8x2048xf32, #tpu.memory_space<hbm>> -> memref<1x512xf32, #tpu.memory_space<hbm>>
      %dma_wait3A_129 = tpu.memref_squeeze %dma_wait3A : memref<1x512xf32, #tpu.memory_space<hbm>> -> memref<512xf32, #tpu.memory_space<hbm>>
      %dma_wait3A_130 = tpu.memref_slice %arg4[%add3A_65, %mul3A_81] : memref<8x2048xf32, #tpu.memory_space<hbm>> -> memref<1x512xf32, #tpu.memory_space<hbm>>
      %dma_wait3A_131 = tpu.memref_squeeze %dma_wait3A_130 : memref<1x512xf32, #tpu.memory_space<hbm>> -> memref<512xf32, #tpu.memory_space<hbm>>
      tpu.wait_dma2 semaphore(%run_scoped3A_124 : memref<!tpu.dma_semaphore, #tpu.memory_space<semaphore_mem>>) src(%arg15 : memref<512xf32, #tpu.memory_space<vmem>>) dst(%dma_wait3A_131 : memref<512xf32, #tpu.memory_space<hbm>>)
      tpu.yield
    }) : () -> ()
    return
  }
}

</mosaic_0001>

<sc_bundles>
// kernel: kernel.3.cloned.1.call-start
scs
__scs_entry_jumppad:
0x0: {  	(pc) =	sbr.rel $0x88, $3  }
0x1: {  	(tag) =	ssettag $0x0;
	lr =	simm.s32 $0x1  }
0x2: {  	[smem:$0x3F9F] =	sst lr;
	_ =	strace $0xD0000000  }
0x3: {  	_ = 	snop  }
0x4: {  	_ = 	snop  }
0x5: {  	_ = 	snop  }
0x6: {  	_ = 	snop  }
0x7: {  	_ = 	snop  }
__scs_overlays_trampoline_lowered:
0x8: {  	[smem:$0x3FAE] =	sst s0  }
0x9: {  	[smem:$0x3FAF] =	sst s1  }
0xa: {  	[smem:$0x3FB0] =	sst s2  }
0xb: {  	[smem:$0x3FB1] =	sst s3  }
0xc: {  	[smem:$0x3FB2] =	sst s4  }
0xd: {  	[smem:$0x3FB3] =	sst s5  }
0xe: {  	[smem:$0x3FB4] =	sst s6  }
0xf: {  	[smem:$0x3FB5] =	sst s7  }
0x10: {  	[smem:$0x3FB6] =	sst s8  }
0x11: {  	[smem:$0x3FB7] =	sst s9;
	s0 =	simm.s32 @!p0 $0x0  }
0x12: {  	s1 =	sld [smem:$0x3F9D];
	s0 =	simm.s32 @p0 $0x1  }
0x13: {  	[smem:$0x3FB8] =	sst s0;
	s0 =	simm.s32 @!p1 $0x0  }
0x14: {  	s2 =	sld [smem:$0x3F9C];
	s0 =	simm.s32 @p1 $0x1  }
0x15: {  	[smem:$0x3FB9] =	sst s0;
	s0 =	simm.s32 @!p2 $0x0  }
0x16: {  	s3 =	sld [smem:$0x3FDB];
	s0 =	simm.s32 @p2 $0x1  }
0x17: {  	s4 =	simm.s32 $0x1BF5;
	[smem:$0x3FBB] =	sst s0  }
0x18: {  	s0 =	sld [smem:$0x3F9E];
	_ =	swait.ge [sflag:s4], $0x0  }
0x19: {  	s7 =	sld [smem:$0x3F9F]  }
0x1a: {  	s8 =	sadd.s32 $0xFFFFE003, lr  }
0x1b: {  	s9 =	sadd.s32 $0xFFFFFEF7, lr;
	s5 =	simm.s32 $0xFFFFFFFF;
	p2 =	slt.u32 s8, $0xFFFFF086  }
0x1c: {  	p1 =	slt.u32 s9, $0xF7A;
	s5 =	simm.s32 @!p2 $0x0  }
0x1d: {  	s5 =	simm.s32 @p1 $0x1;
	p0 =	seq.s32 s7, s2  }
0x1e: {  	s7 =	smul.u32 @!p0 $0xF7A, s2;
	p2 =	seq.s32 @!p0 s5, $0x0  }
0x1f: {  	s9 =	smul.u32 $0xF7A, s1;
	s8 =	simm.s32 @!p0 $0x1BF5;
	p2 =	por !p2, p0  }
0x20: {  	[sflag:s8] =	ssyncset.s32 @!p0 $0xFFFFF086;
	s6 =	sadd.s32 @!p0 s3, s7;
	s7 =	simm.s32 @!p0 $0x108  }
0x21: {  	s3 =	sadd.s32 s3, s9;
	s6 =	sadd.s32 @!p0 $0x88, s6;
	s7 =	simm.s32 @p2 $0x1082  }
0x22: {  	[simem:s7], [sflag:s8] =	dma.local @!p0 [hbm:s6], $0xF7A  }
0x23: {  	s9 =	sor.u32 $0xD0000000, s2;
	s6 =	simm.s32 $0x108;
	_ =	swait.ge @!p0 [sflag:s8], $0x0  }
0x24: {  	s3 =	sadd.s32 $0x88, s3;
	s6 =	simm.s32 @!p1 $0x1082;
	[sflag:s4] =	ssyncset.s32 $0xFFFFF086  }
0x25: {  	[simem:s6], [sflag:s4] =	dma.local [hbm:s3], $0xF7A  }
0x26: {  	[smem:$0x3F9F] =	sst s1;
	(tag) =	ssettag s2;
	_ =	strace s9  }
0x27: {  	s1 =	sld [smem:$0x3FAF]  }
0x28: {  	s2 =	sld [smem:$0x3FB0]  }
0x29: {  	s4 =	sld [smem:$0x3FB2]  }
0x2a: {  	p0 =	seq.s32 s5, $0x0;
	s5 =	sld [smem:$0x3FB3]  }
0x2b: {  	s6 =	sld [smem:$0x3FB4]  }
0x2c: {  	s7 =	sld [smem:$0x3FB5]  }
0x2d: {  	s3 =	simm.s32 $0x108;
	s8 =	sld [smem:$0x3FB6]  }
0x2e: {  	s3 =	simm.s32 @!p0 $0x1082;
	s9 =	sld [smem:$0x3FB7]  }
0x2f: {  	lr =	sadd.s32 s0, s3;
	s0 =	sld [smem:$0x3FAE]  }
0x30: {  	s3 =	sld [smem:$0x3FB1]  }
0x31: {  	[smem:$0x3FBA] =	sst s10  }
0x32: {  	s10 =	sld [smem:$0x3FB8];
	_ =	sdelay $0x3  }
0x33: {  	p0 =	seq.s32 s10, $0x1;
	s10 =	sld [smem:$0x3FBA];
	_ =	sdelay $0x3  }
0x34: {  	[smem:$0x3FBA] =	sst s10  }
0x35: {  	s10 =	sld [smem:$0x3FB9];
	_ =	sdelay $0x3  }
0x36: {  	p1 =	seq.s32 s10, $0x1;
	s10 =	sld [smem:$0x3FBA];
	_ =	sdelay $0x3  }
0x37: {  	[smem:$0x3FBA] =	sst s10  }
0x38: {  	s10 =	sld [smem:$0x3FBB]  }
0x39: {  	_ = 	snop;
	(pc) =	sbr.ind lr, $3  }
0x3a: {  	_ = 	snop  }
0x3b: {  	_ = 	snop  }
0x3c: {  	p2 =	seq.s32 s10, $0x1;
	s10 =	sld [smem:$0x3FBA]  }
0x3d: {  	_ =	shalt  }
0x3e: {  	_ =	shalt  }
0x3f: {  	_ =	shalt  }
0x40: {  	_ =	shalt  }
0x41: {  	_ =	shalt  }
0x42: {  	_ =	shalt  }
0x43: {  	_ =	shalt  }
0x44: {  	_ =	shalt  }
0x45: {  	_ =	shalt  }
0x46: {  	_ =	shalt  }
0x47: {  	_ =	shalt  }
0x48: {  	_ =	shalt  }
0x49: {  	_ =	shalt  }
0x4a: {  	_ =	shalt  }
0x4b: {  	_ =	shalt  }
0x4c: {  	_ =	shalt  }
0x4d: {  	_ =	shalt  }
0x4e: {  	_ =	shalt  }
0x4f: {  	_ =	shalt  }
0x50: {  	_ =	shalt  }
0x51: {  	_ =	shalt  }
0x52: {  	_ =	shalt  }
0x53: {  	_ =	shalt  }
0x54: {  	_ =	shalt  }
0x55: {  	_ =	shalt  }
0x56: {  	_ =	shalt  }
0x57: {  	_ =	shalt  }
0x58: {  	_ =	shalt  }
0x59: {  	_ =	shalt  }
0x5a: {  	_ =	shalt  }
0x5b: {  	_ =	shalt  }
0x5c: {  	_ =	shalt  }
0x5d: {  	_ =	shalt  }
0x5e: {  	_ =	shalt  }
0x5f: {  	_ =	shalt  }
0x60: {  	_ =	shalt  }
0x61: {  	_ =	shalt  }
0x62: {  	_ =	shalt  }
0x63: {  	_ =	shalt  }
0x64: {  	_ =	shalt  }
0x65: {  	_ =	shalt  }
0x66: {  	_ =	shalt  }
0x67: {  	_ =	shalt  }
0x68: {  	_ =	shalt  }
0x69: {  	_ =	shalt  }
0x6a: {  	_ =	shalt  }
0x6b: {  	_ =	shalt  }
0x6c: {  	_ =	shalt  }
0x6d: {  	_ =	shalt  }
0x6e: {  	_ =	shalt  }
0x6f: {  	_ =	shalt  }
0x70: {  	_ =	shalt  }
0x71: {  	_ =	shalt  }
0x72: {  	_ =	shalt  }
0x73: {  	_ =	shalt  }
0x74: {  	_ =	shalt  }
0x75: {  	_ =	shalt  }
0x76: {  	_ =	shalt  }
0x77: {  	_ =	shalt  }
0x78: {  	_ =	shalt  }
0x79: {  	_ =	shalt  }
0x7a: {  	_ =	shalt  }
0x7b: {  	_ =	shalt  }
0x7c: {  	_ =	shalt  }
0x7d: {  	_ =	shalt  }
0x7e: {  	_ =	shalt  }
0x7f: {  	_ =	shalt  }
0x80: {  	_ =	shalt  }
0x81: {  	_ =	shalt  }
0x82: {  	_ =	shalt  }
0x83: {  	_ =	shalt  }
0x84: {  	_ =	shalt  }
0x85: {  	_ =	shalt  }
0x86: {  	_ =	shalt  }
0x87: {  	_ =	shalt  }
.Lfunc_end0:
.L_simem_size_0:
called_computation_lowered:
.L_overlay_start_0:
0x88: {  	s2 =	sld [smem:$0x3FD9]  }
0x89: {  	s3 =	sld [smem:$0x3FFE];
	_ =	sdelay $0x1  }
0x8a: {  	s1 =	srdreg.scid  }
0x8b: {  	s0 =	sand.u32 $0x1, s1  }
0x8c: {  	s18 =	sshll.u32 s0, $0xA;
	s2 =	sadd.s32 s3, s2  }
0x8d: {  	s2 =	sadd.s32 s2, s18  }
0x8e: {  	[smem:$0x3FC6] =	sst s2  }
0x8f: {  	_ = 	snop  }
0x90: {  	s2 =	sld [smem:$0x3FC9]  }
0x91: {  	s19 =	sld [smem:$0x3FC8]  }
0x92: {  	s4 =	sld [smem:$0x3FD0];
	(tm) =	ssettm $0x1  }
0x93: {  	s5 =	sld [smem:$0x3FFB];
	_ =	sdelay $0x3  }
0x94: {  	_ =	strace s5  }
0x95: {  	s5 =	sld [smem:$0x3FFC];
	_ =	sdelay $0x3  }
0x96: {  	_ =	strace s5  }
0x97: {  	s5 =	sld [smem:$0x3FFD];
	_ =	sdelay $0x3  }
0x98: {  	_ =	strace s5  }
0x99: {  	_ =	strace $0x8FFFFFFF  }
0x9a: {  	s20 =	sld [smem:$0x3FDB];
	_ =	sdelay $0x1  }
0x9b: {  	s6 =	simm.s32 $_scs_section_size  }
0x9c: {  	s7 =	simm.s32 $_size__tile_overlayer_lowered;
	s8 =	simm.s32 $_tile_overlayer_lowered  }
0x9d: {  	s23 =	simm.s32 $0x1BFF;
	s22 =	sshll.u32 s8, $0x1;
	s5 =	sadd.s32 s6, s20  }
0x9e: {  	s9 =	simm.s32 $0x0;
	s21 =	sshll.u32 s7, $0x1;
	s7 =	sadd.s32 s22, s5  }
0x9f: {  	[timem:s9], [sflag:s23] =	dma.local [hbm:s7], s21  }
0xa0: {  	_ =	swait.ge [sflag:s23], s21  }
0xa1: {  	s6 =	ssub.s32 $0x0, s21;
	[sflag:s23] =	ssyncset.done $0x0  }
0xa2: {  	[sflag:s23] =	ssyncadd.s32 s6;
	_ =	sdelay $0x1  }
0xa3: {  	s24 =	simm.s32 $0x1B8B  }
0xa4: {  	_ =	swait.ge [sflag:s24], $0x1  }
0xa5: {  	[sflag:s24] =	ssyncset.done $0x0  }
0xa6: {  	s25 =	simm.s32 $0x1B8E;
	[sflag:s24] =	ssyncadd.s32 $0xFFFFFFFF  }
0xa7: {  	s26 =	simm.s32 $execute0_lowered;
	[smem:$0x3FD2] =	sst s25  }
0xa8: {  	s6 =	sshll.u32 s26, $0x1;
	_ =	strace $0x80000046;
	[dreg:$0x1] =	wrdreg $0xFFFFFFFF  }
0xa9: {  	s28 =	simm.s32 $_size_execute0_lowered;
	s5 =	sadd.s32 s5, s6;
	[dreg:$0x0] =	wrdreg $0x0  }
0xaa: {  	s6 =	sshll.u32 s28, $0x1;
	[dreg:$0x2] =	wrdreg s5  }
0xab: {  	[dreg:$0x3] =	wrdreg s6  }
0xac: {  	[dreg:$0x4] =	wrdreg $0xC0  }
0xad: {  	_ =	task [dreg:s9], $0x5FFFF  }
0xae: {  	[dreg:$0x1] =	wrdreg $0xFFFFFFFF  }
0xaf: {  	[dreg:$0x0] =	wrdreg $0x60  }
0xb0: {  	[dreg:$0x2] =	wrdreg s2  }
0xb1: {  	[dreg:$0x3] =	wrdreg s19  }
0xb2: {  	[dreg:$0x4] =	wrdreg s4  }
0xb3: {  	[dreg:$0x5] =	wrdreg $0x190000  }
0xb4: {  	[dreg:$0x6] =	wrdreg $0x198000  }
0xb5: {  	[dreg:$0x7] =	wrdreg $0x9  }
0xb6: {  	_ =	task.clear_ibuf [dreg:s9], $0x8FFFF;
	_ =	strace $0x90000046  }
0xb7: {  	s29 =	simm.s32 $0x9;
	_ =	strace $0x80000048  }
0xb8: {  	_ =	swait.ge [sflag:s29], $0x1  }
0xb9: {  	[sflag:s29] =	ssyncadd.s32 $0xFFFFFFFF  }
0xba: {  	_ =	strace $0x90000048  }
0xbb: {  	_ =	sfence  }
0xbc: {  	s30 =	sld [smem:$0x0];
	_ =	sdelay $0x2  }
0xbd: {  	s31 =	sshll.u32 s1, $0xD;
	s1 =	sshrl.u32 s1, $0x2  }
0xbe: {  	s3 =	sand.u32 $0x4000, s31;
	s1 =	sadd.s32 s1, s30  }
0xbf: {  	s0 =	sor.u32 s3, s0;
	s1 =	sshll.u32 s1, $0x11  }
0xc0: {  	s0 =	sor.u32 s1, s0  }
0xc1: {  	s0 =	sadd.s32 $0x8F2B, s0  }
0xc2: {  	[sflag:s0] =	ssyncadd.remote.s32 $0x1  }
0xc3: {  	_ =	sfence.sel $0xFFFF  }
0xc4: {  	[dreg:$0x0] =	wrdreg $0xFFFFFFFF;
	(pc) =	sbr.abs _section_cstart, $3  }
0xc5: {  	[dreg:$0x1] =	wrdreg $0xFFFFFFFF  }
0xc6: {  	_ =	task.clear_ibuf [dreg:s9], $0x2FFFF;
	_ =	strace $0x9FFFFFFF  }
0xc7: {  	(tm) =	ssettm $0x7FFFFFFF  }
tec
execute0_lowered:
.L_overlay_start_1:
0x0: {  	(tag) =	ssettag $0x1  }
0x1: {  	s2 =	rddreg [dreg:$0x0]  }
0x2: {  	s1 =	rddreg [dreg:$0x1]  }
0x3: {  	s0 =	rddreg [dreg:$0x2]  }
0x4: {  	s3 =	rddreg [dreg:$0x3]  }
0x5: {  	s4 =	rddreg [dreg:$0x4];
	s5 =	srdreg.scid  }
0x6: {  	s9 =	simm.s32 $0x0;
	s12 =	stileid.u32;
	s6 =	sand.u32 $0x1, s5  }
0x7: {  	s8 =	sshll.u32 s12, $0x12;
	[smem:$0x7FF] =	sst s9;
	s28 =	sshll.u32 s12, $0xB  }
0x8: {  	s10 =	sshll.u32 s12, $0x7;
	s14 =	sshll.u32 s12, $0xC;
	s12 =	sshll.u32 s12, $0x5  }
0x9: {  	s7 =	ssub.s32 $0x2, s6;
	s5 =	sshll.u32 s6, $0x16;
	_ =	strace $0x80000047  }
0xa: {  	s11 =	sor.u32 s28, s10;
	s9 =	sand.u32 $0x3000, s14;
	s6 =	sshll.u32 s6, $0x9  }
0xb: {  	s12 =	sand.u32 $0x180, s12;
	s25 =	sshrl.u32 s7, $0x1;
	s13 =	sor.u32 s8, s5  }
0xc: {  	s5 =	smov.u32 s1;
	s10 =	sand.u32 $0x4380, s11;
	s15 =	sor.u32 $0x4000, s13  }
0xd: {  	s11 =	sand.u32 $0x4200, s11;
	s16 =	sadd.s32 s10, s3;
	[dreg:$0x8] =	wrdreg s15  }
0xe: {  	s8 =	sshrl.u32 s13, $0x3;
	s17 =	sadd.s32 s10, s4;
	[dreg:$0x9] =	wrdreg s16  }
0xf: {  	s6 =	sor.u32 s6, s12;
	s26 =	sadd.s32 s2, s8;
	[dreg:$0xa] =	wrdreg s17  }
0x10: {  	s7 =	ssub.s32 s7, s25;
	s8 =	sadd.s32 s5, s8;
	[dreg:$0x6] =	wrdreg s26  }
0x11: {  	s11 =	sor.u32 s9, s11;
	s23 =	smax.u32 s7, $0x1;
	[dreg:$0x7] =	wrdreg s8  }
0x12: {  	s6 =	sor.u32 s9, s6;
	s18 =	sadd.s32 s11, s3;
	[dreg:$0x14] =	wrdreg s23  }
0x13: {  	s14 =	sadd.s32 s11, s4;
	s22 =	sshrl.u32 s6, $0x3;
	[dreg:$0xb] =	wrdreg s18  }
0x14: {  	s0 =	sadd.s32 s0, s22;
	[dreg:$0xc] =	wrdreg s14  }
0x15: {  	s19 =	sor.u32 $0x80, s11;
	s24 =	sadd.s32 $0x400, s18;
	[dreg:$0x13] =	wrdreg s0  }
0x16: {  	s20 =	sor.u32 $0x100, s11;
	s25 =	sadd.s32 $0x800, s18;
	[dreg:$0x15] =	wrdreg s24  }
0x17: {  	s21 =	sor.u32 $0x180, s11;
	s26 =	sadd.s32 $0xC00, s18;
	[dreg:$0x16] =	wrdreg s25  }
0x18: {  	s15 =	sadd.s32 s19, s3;
	s28 =	sadd.s32 $0x400, s14;
	[dreg:$0x17] =	wrdreg s26  }
0x19: {  	s17 =	sadd.s32 s20, s3;
	s1 =	sadd.s32 $0x800, s14;
	[dreg:$0x18] =	wrdreg s28  }
0x1a: {  	s9 =	sadd.s32 s21, s3;
	s3 =	sadd.s32 $0xC00, s14;
	[dreg:$0x19] =	wrdreg s1  }
0x1b: {  	[dreg:$0x1a] =	wrdreg s3  }
0x1c: {  	s16 =	sadd.s32 s19, s4;
	[dreg:$0xd] =	wrdreg s15  }
0x1d: {  	[dreg:$0xe] =	wrdreg s16  }
0x1e: {  	s12 =	sadd.s32 s20, s4;
	[dreg:$0xf] =	wrdreg s17  }
0x1f: {  	[dreg:$0x10] =	wrdreg s12  }
0x20: {  	s4 =	sadd.s32 s21, s4;
	[dreg:$0x11] =	wrdreg s9  }
0x21: {  	s6 =	sadd.s32 $0x400, s15;
	[dreg:$0x12] =	wrdreg s4  }
0x22: {  	s7 =	sadd.s32 $0x800, s15;
	[dreg:$0x1b] =	wrdreg s6  }
0x23: {  	s10 =	sadd.s32 $0xC00, s15;
	[dreg:$0x1c] =	wrdreg s7  }
0x24: {  	s11 =	sadd.s32 $0x400, s16;
	[dreg:$0x1d] =	wrdreg s10  }
0x25: {  	s8 =	smov.u32 s13;
	s13 =	sadd.s32 $0x800, s16;
	[dreg:$0x1e] =	wrdreg s11  }
0x26: {  	s14 =	sadd.s32 $0xC00, s16;
	[dreg:$0x1f] =	wrdreg s13  }
0x27: {  	s15 =	sadd.s32 $0x400, s17;
	[smem:$0x7F1] =	sst s14  }
0x28: {  	s16 =	sadd.s32 $0x800, s17;
	[smem:$0x7F2] =	sst s15  }
0x29: {  	s18 =	sadd.s32 $0xC00, s17;
	[smem:$0x7F3] =	sst s16  }
0x2a: {  	s19 =	sadd.s32 $0x400, s12;
	[smem:$0x7F4] =	sst s18  }
0x2b: {  	s20 =	sadd.s32 $0x800, s12;
	[smem:$0x7F5] =	sst s19  }
0x2c: {  	s21 =	sadd.s32 $0xC00, s12;
	[smem:$0x7F6] =	sst s20  }
0x2d: {  	s22 =	sadd.s32 $0x400, s9;
	[smem:$0x7F7] =	sst s21  }
0x2e: {  	s23 =	sadd.s32 $0x800, s9;
	[smem:$0x7F8] =	sst s22  }
0x2f: {  	s24 =	sadd.s32 $0xC00, s9;
	[smem:$0x7F9] =	sst s23  }
0x30: {  	s29 =	simm.s32 $0x1;
	s25 =	sadd.s32 $0x400, s4;
	[smem:$0x7FA] =	sst s24  }
0x31: {  	s30 =	simm.s32 $0x8000;
	s26 =	sadd.s32 $0x800, s4;
	[smem:$0x7FB] =	sst s25  }
0x32: {  	s31 =	simm.s32 $0x10000;
	s28 =	sadd.s32 $0xC00, s4;
	[smem:$0x7FC] =	sst s26  }
0x33: {  	v31 =	vimm.f32 $0.0e+00;
	v1 =	vlaneseq.u32;
	v2 =	vimm.f32 $1.000000000e+00;
	s0 =	simm.s32 $0x2;
	s3 =	simm.s32 $0x0;
	[smem:$0x7FD] =	sst s28  }
.LBB2_1:
0x34: {  	[smem:$0x7F0] =	sst s3  }
0x35: {  	s1 =	simm.s32 $0x0;
	s26 =	rddreg [dreg:$0x6]  }
0x36: {  	[tilespmem:s1], [sflag:$0x1] =	stream.linear.gather [hbm4b:s26+s1], $0x2000, $0x38;
	[tilespmem:$0x1B200] =	vst v63  }
0x37: {  	s28 =	rddreg [dreg:$0x7];
	s4 =	simm.s32 $0x4000;
	s3 =	simm.s32 $0x8040  }
0x38: {  	[tilespmem:s4], [sflag:$0x1] =	stream.linear.gather [hbm4b:s28+s1], $0x2000, $0x38;
	[tilespmem:$0x1B200] =	vst v63  }
0x39: {  	[tilespmem:s3+$0x30] =	vst v31  }
0x3a: {  	[tilespmem:s3+$0xFFFFFFF0] =	vst v31  }
0x3b: {  	[tilespmem:s3+$0xFFFFFFC0] =	vst v31  }
0x3c: {  	[tilespmem:s3+$0xFFFFFFE0] =	vst v31  }
0x3d: {  	[tilespmem:s3+$0x10] =	vst v31  }
0x3e: {  	[tilespmem:s3+$0x20] =	vst v31  }
0x3f: {  	[tilespmem:s3+$0x0] =	vst v31  }
0x40: {  	s4 =	simm.s32 $0x10040;
	[tilespmem:s3+$0xFFFFFFD0] =	vst v31  }
0x41: {  	[tilespmem:s4+$0xFFFFFFC0] =	vst v31  }
0x42: {  	[tilespmem:s4+$0x30] =	vst v31  }
0x43: {  	[tilespmem:s4+$0x20] =	vst v31  }
0x44: {  	[tilespmem:s4+$0x10] =	vst v31  }
0x45: {  	[tilespmem:s4+$0xFFFFFFE0] =	vst v31  }
0x46: {  	[tilespmem:s4+$0x0] =	vst v31  }
0x47: {  	s6 =	simm.s32 $0x0;
	[tilespmem:s4+$0xFFFFFFF0] =	vst v31  }
.LBB2_2:
0x48: {  	s6 =	sadd.s32 $0x8, s6;
	[tilespmem:s4+$0xFFFFFFD0] =	vst v31;
	s3 =	sadd.s32 $0x80, s3;
	s4 =	sadd.s32 $0x80, s4  }
0x49: {  	[tilespmem:s3+$0x30] =	vst v31;
	p0 =	slt.u32 s6, $0x7F8  }
0x4a: {  	[tilespmem:s3+$0xFFFFFFF0] =	vst v31  }
0x4b: {  	[tilespmem:s3+$0xFFFFFFC0] =	vst v31  }
0x4c: {  	[tilespmem:s4+$0xFFFFFFC0] =	vst v31  }
0x4d: {  	[tilespmem:s4+$0x30] =	vst v31  }
0x4e: {  	[tilespmem:s3+$0xFFFFFFE0] =	vst v31  }
0x4f: {  	[tilespmem:s3+$0x10] =	vst v31  }
0x50: {  	[tilespmem:s3+$0x20] =	vst v31  }
0x51: {  	[tilespmem:s4+$0x20] =	vst v31  }
0x52: {  	[tilespmem:s4+$0x10] =	vst v31  }
.Ltmp0:
0x53: {  	[tilespmem:s4+$0xFFFFFFE0] =	vst v31;
	(pc) =	sbr.rel @p0 .LBB2_2-.Ltmp0, $4  }
0x54: {  	[tilespmem:s3+$0x0] =	vst v31  }
0x55: {  	[tilespmem:s4+$0x0] =	vst v31  }
0x56: {  	[tilespmem:s4+$0xFFFFFFF0] =	vst v31  }
0x57: {  	s9 =	simm.s32 $0x0;
	[tilespmem:s3+$0xFFFFFFD0] =	vst v31  }
0x58: {  	[tilespmem:s4+$0xFFFFFFD0] =	vst v31;
	s10 =	simm.s32 $0x0  }
.LBB2_4:
0x59: {  	s19 =	sshll.u32 s10, $0xE  }
0x5a: {  	s3 =	sor.u32 s19, s8  }
0x5b: {  	s3 =	sshrl.u32 s3, $0x3  }
0x5c: {  	s3 =	sor.u32 $0x400, s3  }
0x5d: {  	s1 =	simm.s32 $0x2000;
	s4 =	sadd.s32 s2, s3  }
0x5e: {  	[tilespmem:s1], [sflag:$0x2] =	stream.linear.gather [hbm4b:s4+s9], $0x2000, $0x38;
	[tilespmem:$0x1B200] =	vst v63  }
0x5f: {  	s7 =	simm.s32 $0x6000;
	s3 =	sadd.s32 s5, s3  }
0x60: {  	[tilespmem:s7], [sflag:$0x2] =	stream.linear.gather [hbm4b:s3+s9], $0x2000, $0x38;
	[tilespmem:$0x1B200] =	vst v63  }
0x61: {  	_ =	swait.ge [sflag:s29], $0x2000  }
0x62: {  	[sflag:s29] =	ssyncset.done $0x0  }
0x63: {  	[sflag:s29] =	ssyncadd.s32 $0xFFFFE000  }
0x64: {  	s11 =	sand.u32 $0xFFFFF000, s9;
	_ =	swait.ge [sflag:s29], $0x2000  }
0x65: {  	s3 =	sadd.s32 $0x0, s11;
	[sflag:s29] =	ssyncset.done $0x0  }
0x66: {  	s12 =	sor.u32 $0xC70, s3;
	[sflag:s29] =	ssyncadd.s32 $0xFFFFE000  }
0x67: {  	s6 =	sor.u32 $0x400, s3;
	v3 =	vld [tilespmem:s12+$0x4000]  }
0x68: {  	v4 =	vld [tilespmem:s6+$0x4000]  }
0x69: {  	s7 =	sor.u32 $0x410, s3;
	v5 =	vld [tilespmem:s12+$0x0]  }
0x6a: {  	s13 =	sor.u32 $0x420, s3;
	v6 =	vld [tilespmem:s7+$0x4000]  }
0x6b: {  	v11 =	vld [tilespmem:s13+$0x4000]  }
0x6c: {  	v12 =	vld [tilespmem:s6+$0x0]  }
0x6d: {  	s14 =	sor.u32 $0x430, s3;
	v13 =	vld [tilespmem:s7+$0x0]  }
0x6e: {  	s15 =	sor.u32 $0x440, s3;
	v14 =	vld [tilespmem:s14+$0x4000]  }
0x6f: {  	v15 =	vld [tilespmem:s15+$0x4000]  }
0x70: {  	v16 =	vld [tilespmem:s13+$0x0]  }
0x71: {  	s16 =	sor.u32 $0x450, s3;
	v17 =	vld [tilespmem:s14+$0x0]  }
0x72: {  	s17 =	sor.u32 $0x460, s3;
	v18 =	vld [tilespmem:s16+$0x4000]  }
0x73: {  	v19 =	vld [tilespmem:s17+$0x4000]  }
0x74: {  	v20 =	vld [tilespmem:s15+$0x0]  }
0x75: {  	s18 =	sor.u32 $0x470, s3;
	v21 =	vld [tilespmem:s16+$0x0]  }
0x76: {  	s20 =	sor.u32 $0xC00, s3;
	v22 =	vld [tilespmem:s18+$0x4000]  }
0x77: {  	v23 =	vld [tilespmem:s20+$0x4000]  }
0x78: {  	v24 =	vld [tilespmem:s17+$0x0]  }
0x79: {  	s21 =	sor.u32 $0xC10, s3;
	v25 =	vld [tilespmem:s18+$0x0]  }
0x7a: {  	s22 =	sor.u32 $0xC20, s3;
	v26 =	vld [tilespmem:s21+$0x4000]  }
0x7b: {  	v27 =	vld [tilespmem:s22+$0x4000]  }
0x7c: {  	v28 =	vld [tilespmem:s20+$0x0]  }
0x7d: {  	s23 =	sor.u32 $0xC30, s3;
	v29 =	vld [tilespmem:s21+$0x0]  }
0x7e: {  	s24 =	sor.u32 $0xC40, s3;
	v30 =	vld [tilespmem:s23+$0x4000]  }
0x7f: {  	v31 =	vld [tilespmem:s24+$0x4000]  }
0x80: {  	v32 =	vld [tilespmem:s22+$0x0]  }
0x81: {  	v33 =	vld [tilespmem:s23+$0x0]  }
0x82: {  	s25 =	sor.u32 $0xC50, s3;
	v34 =	vld [tilespmem:s24+$0x0]  }
0x83: {  	s26 =	sand.u32 $0x1000, s9;
	s28 =	sand.u32 $0x380, s9;
	s3 =	sor.u32 $0xC60, s3;
	v35 =	vld [tilespmem:s25+$0x4000]  }
0x84: {  	s11 =	sor.u32 s28, s26;
	v36 =	vld [tilespmem:s3+$0x4000]  }
0x85: {  	v37 =	vld [tilespmem:s11+$0x4000]  }
0x86: {  	v38 =	vld [tilespmem:s11+$0x4010]  }
0x87: {  	v39 =	vld [tilespmem:s11+$0x4020]  }
0x88: {  	v40 =	vld [tilespmem:s11+$0x4030]  }
0x89: {  	v41 =	vld [tilespmem:s11+$0x4040]  }
0x8a: {  	v42 =	vld [tilespmem:s11+$0x4050]  }
0x8b: {  	v43 =	vld [tilespmem:s11+$0x4060]  }
0x8c: {  	v44 =	vld [tilespmem:s11+$0x4070]  }
0x8d: {  	v10 =	vld [tilespmem:s11+$0x4800]  }
0x8e: {  	v9 =	vld [tilespmem:s11+$0x4810]  }
0x8f: {  	v8 =	vld [tilespmem:s11+$0x4820]  }
0x90: {  	v7 =	vld [tilespmem:s11+$0x4830]  }
0x91: {  	v61 =	vld [tilespmem:s11+$0x4840]  }
0x92: {  	v62 =	vld [tilespmem:s11+$0x4850]  }
0x93: {  	v63 =	vld [tilespmem:s11+$0x4860]  }
0x94: {  	v47 =	vld [tilespmem:s11+$0x0];
	vm0 =	vgt.s32 v3, $0xFFFFFFFF;
	v3 =	vshll.u32 v3, $0x4  }
0x95: {  	v48 =	vld [tilespmem:s11+$0x10];
	vm1 =	vgt.s32 v6, $0xFFFFFFFF;
	v60 =	vshll.u32 v6, $0x4;
	v3 =	vor.u32 v1, v3  }
0x96: {  	v50 =	vld [tilespmem:s11+$0x20];
	v45 =	vor.u32 v1, v60  }
0x97: {  	v51 =	vld [tilespmem:s11+$0x30]  }
0x98: {  	v53 =	vld [tilespmem:s11+$0x40];
	vm2 =	vgt.s32 v11, $0xFFFFFFFF;
	v11 =	vshll.u32 v11, $0x4  }
0x99: {  	v54 =	vld [tilespmem:s11+$0x50];
	v11 =	vor.u32 v1, v11  }
0x9a: {  	[tilespmem:v3+s30+$0x0] =	vst.idx.add.f32.msk vm0, v5  }
0x9b: {  	vm15 =	vgt.s32 v15, $0xFFFFFFFF;
	[tilespmem:v45+s30+$0x0] =	vst.idx.add.f32.msk vm1, v13;
	v13 =	vshll.u32 v15, $0x4  }
0x9c: {  	vm13 =	vgt.s32 v4, $0xFFFFFFFF;
	[tilespmem:v3+s31+$0x0] =	vst.idx.add.f32.msk vm0, v2;
	v3 =	vshll.u32 v4, $0x4;
	v13 =	vor.u32 v1, v13  }
0x9d: {  	v57 =	vld [tilespmem:s11+$0x800];
	v3 =	vor.u32 v1, v3  }
0x9e: {  	[tilespmem:v11+s30+$0x0] =	vst.idx.add.f32.msk vm2, v16  }
0x9f: {  	vm4 =	vgt.s32 v18, $0xFFFFFFFF;
	[tilespmem:v45+s31+$0x0] =	vst.idx.add.f32.msk vm1, v2;
	v45 =	vshll.u32 v18, $0x4  }
0xa0: {  	[tilespmem:v11+s31+$0x0] =	vst.idx.add.f32.msk vm2, v2;
	v11 =	vor.u32 v1, v45  }
0xa1: {  	[tilespmem:v13+s30+$0x0] =	vst.idx.add.f32.msk vm15, v20  }
0xa2: {  	vm14 =	vgt.s32 v14, $0xFFFFFFFF;
	[tilespmem:v3+s30+$0x0] =	vst.idx.add.f32.msk vm13, v12;
	v12 =	vshll.u32 v14, $0x4  }
0xa3: {  	vm6 =	vgt.s32 v22, $0xFFFFFFFF;
	[tilespmem:v13+s31+$0x0] =	vst.idx.add.f32.msk vm15, v2;
	v13 =	vshll.u32 v22, $0x4;
	v12 =	vor.u32 v1, v12  }
0xa4: {  	v58 =	vld [tilespmem:s11+$0x810];
	v13 =	vor.u32 v1, v13  }
0xa5: {  	[tilespmem:v11+s30+$0x0] =	vst.idx.add.f32.msk vm4, v21  }
0xa6: {  	[tilespmem:v3+s31+$0x0] =	vst.idx.add.f32.msk vm13, v2  }
0xa7: {  	[tilespmem:v11+s31+$0x0] =	vst.idx.add.f32.msk vm4, v2  }
0xa8: {  	vm7 =	vgt.s32 v23, $0xFFFFFFFF;
	v46 =	vshll.u32 v23, $0x4;
	[tilespmem:v12+s30+$0x0] =	vst.idx.add.f32.msk vm14, v17  }
0xa9: {  	v11 =	vor.u32 v1, v46;
	[tilespmem:v13+s30+$0x0] =	vst.idx.add.f32.msk vm6, v25  }
0xaa: {  	vm5 =	vgt.s32 v19, $0xFFFFFFFF;
	[tilespmem:v12+s31+$0x0] =	vst.idx.add.f32.msk vm14, v2;
	v12 =	vshll.u32 v19, $0x4  }
0xab: {  	vm13 =	vgt.s32 v27, $0xFFFFFFFF;
	[tilespmem:v13+s31+$0x0] =	vst.idx.add.f32.msk vm6, v2;
	v13 =	vshll.u32 v27, $0x4;
	v12 =	vor.u32 v1, v12  }
0xac: {  	v59 =	vld [tilespmem:s11+$0x820];
	v13 =	vor.u32 v1, v13  }
0xad: {  	v60 =	vld [tilespmem:s11+$0x840]  }
0xae: {  	[tilespmem:v11+s30+$0x0] =	vst.idx.add.f32.msk vm7, v28  }
0xaf: {  	[tilespmem:v11+s31+$0x0] =	vst.idx.add.f32.msk vm7, v2  }
0xb0: {  	v49 =	vshll.u32 v30, $0x4;
	vm14 =	vgt.s32 v30, $0xFFFFFFFF;
	[tilespmem:v12+s30+$0x0] =	vst.idx.add.f32.msk vm5, v24  }
0xb1: {  	v11 =	vor.u32 v1, v49;
	[tilespmem:v13+s30+$0x0] =	vst.idx.add.f32.msk vm13, v32  }
0xb2: {  	vm12 =	vgt.s32 v26, $0xFFFFFFFF;
	[tilespmem:v12+s31+$0x0] =	vst.idx.add.f32.msk vm5, v2;
	v12 =	vshll.u32 v26, $0x4  }
0xb3: {  	vm4 =	vgt.s32 v35, $0xFFFFFFFF;
	[tilespmem:v13+s31+$0x0] =	vst.idx.add.f32.msk vm13, v2;
	v13 =	vshll.u32 v35, $0x4;
	v12 =	vor.u32 v1, v12  }
0xb4: {  	v14 =	vld [tilespmem:s25+$0x0];
	v13 =	vor.u32 v1, v13  }
0xb5: {  	v15 =	vld [tilespmem:s3+$0x0]  }
0xb6: {  	[tilespmem:v11+s30+$0x0] =	vst.idx.add.f32.msk vm14, v33  }
0xb7: {  	v52 =	vshll.u32 v36, $0x4;
	[tilespmem:v11+s31+$0x0] =	vst.idx.add.f32.msk vm14, v2;
	vm5 =	vgt.s32 v36, $0xFFFFFFFF  }
0xb8: {  	v11 =	vor.u32 v1, v52;
	[tilespmem:v12+s30+$0x0] =	vst.idx.add.f32.msk vm12, v29  }
0xb9: {  	[tilespmem:v13+s30+$0x0] =	vst.idx.add.f32.msk vm4, v14  }
0xba: {  	vm15 =	vgt.s32 v31, $0xFFFFFFFF;
	[tilespmem:v12+s31+$0x0] =	vst.idx.add.f32.msk vm12, v2;
	v12 =	vshll.u32 v31, $0x4  }
0xbb: {  	vm7 =	vgt.s32 v38, $0xFFFFFFFF;
	[tilespmem:v13+s31+$0x0] =	vst.idx.add.f32.msk vm4, v2;
	v13 =	vshll.u32 v38, $0x4;
	v12 =	vor.u32 v1, v12  }
0xbc: {  	v3 =	vld [tilespmem:s11+$0x4870];
	v13 =	vor.u32 v1, v13  }
0xbd: {  	[tilespmem:v11+s30+$0x0] =	vst.idx.add.f32.msk vm5, v15  }
0xbe: {  	v55 =	vshll.u32 v39, $0x4;
	v14 =	vld [tilespmem:s11+$0x60];
	vm12 =	vgt.s32 v39, $0xFFFFFFFF  }
0xbf: {  	[tilespmem:v11+s31+$0x0] =	vst.idx.add.f32.msk vm5, v2;
	v11 =	vor.u32 v1, v55  }
0xc0: {  	[tilespmem:v12+s30+$0x0] =	vst.idx.add.f32.msk vm15, v34  }
0xc1: {  	[tilespmem:v13+s30+$0x0] =	vst.idx.add.f32.msk vm7, v48  }
0xc2: {  	vm6 =	vgt.s32 v37, $0xFFFFFFFF;
	[tilespmem:v12+s31+$0x0] =	vst.idx.add.f32.msk vm15, v2;
	v12 =	vshll.u32 v37, $0x4  }
0xc3: {  	vm14 =	vgt.s32 v41, $0xFFFFFFFF;
	[tilespmem:v13+s31+$0x0] =	vst.idx.add.f32.msk vm7, v2;
	v13 =	vshll.u32 v41, $0x4;
	v12 =	vor.u32 v1, v12  }
0xc4: {  	v56 =	vshll.u32 v42, $0x4;
	[tilespmem:v11+s30+$0x0] =	vst.idx.add.f32.msk vm12, v50;
	vm15 =	vgt.s32 v42, $0xFFFFFFFF;
	v13 =	vor.u32 v1, v13  }
0xc5: {  	[tilespmem:v11+s31+$0x0] =	vst.idx.add.f32.msk vm12, v2;
	v11 =	vor.u32 v1, v56;
	vm7 =	vgt.s32 v9, $0xFFFFFFFF;
	v9 =	vshll.u32 v9, $0x4  }
0xc6: {  	v15 =	vld [tilespmem:s11+$0x70];
	v9 =	vor.u32 v1, v9  }
0xc7: {  	v34 =	vld [tilespmem:s11+$0x870];
	vm12 =	vgt.s32 v8, $0xFFFFFFFF;
	v8 =	vshll.u32 v8, $0x4  }
0xc8: {  	v8 =	vor.u32 v1, v8;
	[tilespmem:v12+s30+$0x0] =	vst.idx.add.f32.msk vm6, v47  }
0xc9: {  	[tilespmem:v13+s30+$0x0] =	vst.idx.add.f32.msk vm14, v53  }
0xca: {  	[tilespmem:v11+s30+$0x0] =	vst.idx.add.f32.msk vm15, v54  }
0xcb: {  	[tilespmem:v9+s30+$0x0] =	vst.idx.add.f32.msk vm7, v58  }
0xcc: {  	vm13 =	vgt.s32 v40, $0xFFFFFFFF;
	[tilespmem:v12+s31+$0x0] =	vst.idx.add.f32.msk vm6, v2;
	v12 =	vshll.u32 v40, $0x4  }
0xcd: {  	[tilespmem:v8+s30+$0x0] =	vst.idx.add.f32.msk vm12, v59;
	v12 =	vor.u32 v1, v12  }
0xce: {  	[tilespmem:v13+s31+$0x0] =	vst.idx.add.f32.msk vm14, v2  }
0xcf: {  	v6 =	vshll.u32 v61, $0x4;
	[tilespmem:v11+s31+$0x0] =	vst.idx.add.f32.msk vm15, v2  }
0xd0: {  	vm5 =	vgt.s32 v44, $0xFFFFFFFF;
	v13 =	vshll.u32 v44, $0x4;
	vm6 =	vgt.s32 v10, $0xFFFFFFFF;
	[tilespmem:v9+s31+$0x0] =	vst.idx.add.f32.msk vm7, v2  }
0xd1: {  	v10 =	vshll.u32 v10, $0x4;
	vm14 =	vgt.s32 v61, $0xFFFFFFFF;
	v61 =	vld [tilespmem:s11+$0x850];
	v13 =	vor.u32 v1, v13  }
0xd2: {  	v10 =	vor.u32 v1, v10;
	[tilespmem:v12+s30+$0x0] =	vst.idx.add.f32.msk vm13, v51  }
0xd3: {  	v6 =	vor.u32 v1, v6;
	vm4 =	vgt.s32 v43, $0xFFFFFFFF;
	[tilespmem:v12+s31+$0x0] =	vst.idx.add.f32.msk vm13, v2;
	v12 =	vshll.u32 v43, $0x4  }
0xd4: {  	[tilespmem:v8+s31+$0x0] =	vst.idx.add.f32.msk vm12, v2;
	v12 =	vor.u32 v1, v12  }
0xd5: {  	v5 =	vshll.u32 v62, $0x4;
	vm15 =	vgt.s32 v62, $0xFFFFFFFF;
	v62 =	vld [tilespmem:s11+$0x860]  }
0xd6: {  	[tilespmem:v13+s30+$0x0] =	vst.idx.add.f32.msk vm5, v15  }
0xd7: {  	v5 =	vor.u32 v1, v5;
	[tilespmem:v10+s30+$0x0] =	vst.idx.add.f32.msk vm6, v57  }
0xd8: {  	[tilespmem:v6+s30+$0x0] =	vst.idx.add.f32.msk vm14, v60  }
0xd9: {  	[tilespmem:v12+s30+$0x0] =	vst.idx.add.f32.msk vm4, v14  }
0xda: {  	vm13 =	vgt.s32 v7, $0xFFFFFFFF;
	v7 =	vshll.u32 v7, $0x4;
	[tilespmem:v12+s31+$0x0] =	vst.idx.add.f32.msk vm4, v2  }
0xdb: {  	v7 =	vor.u32 v1, v7;
	v12 =	vld [tilespmem:s11+$0x830]  }
0xdc: {  	vm9 =	vgt.s32 v63, $0xFFFFFFFF;
	v4 =	vshll.u32 v63, $0x4;
	[tilespmem:v5+s30+$0x0] =	vst.idx.add.f32.msk vm15, v61  }
0xdd: {  	[tilespmem:v13+s31+$0x0] =	vst.idx.add.f32.msk vm5, v2;
	v13 =	vor.u32 v1, v4  }
0xde: {  	[tilespmem:v10+s31+$0x0] =	vst.idx.add.f32.msk vm6, v2  }
0xdf: {  	v63 =	vshll.u32 v3, $0x4;
	vm10 =	vgt.s32 v3, $0xFFFFFFFF;
	[tilespmem:v6+s31+$0x0] =	vst.idx.add.f32.msk vm14, v2  }
0xe0: {  	[tilespmem:v7+s30+$0x0] =	vst.idx.add.f32.msk vm13, v12;
	v12 =	vor.u32 v1, v63  }
0xe1: {  	[tilespmem:v5+s31+$0x0] =	vst.idx.add.f32.msk vm15, v2  }
0xe2: {  	[tilespmem:v13+s30+$0x0] =	vst.idx.add.f32.msk vm9, v62  }
0xe3: {  	s20 =	simm.s32 $0x0;
	s21 =	simm.s32 $0x200;
	s22 =	simm.s32 $0x0;
	[tilespmem:v7+s31+$0x0] =	vst.idx.add.f32.msk vm13, v2  }
.LBB2_5:
0xe4: {  	s3 =	sand.u32 $0xFFFFF000, s21;
	[tilespmem:v13+s31+$0x0] =	vst.idx.add.f32.msk vm9, v2;
	s22 =	sadd.s32 $0x80, s22  }
0xe5: {  	[tilespmem:v12+s30+$0x0] =	vst.idx.add.f32.msk vm10, v34;
	s24 =	sadd.s32 s3, s22  }
0xe6: {  	[tilespmem:v12+s31+$0x0] =	vst.idx.add.f32.msk vm10, v2;
	s1 =	sor.u32 $0xC70, s24  }
0xe7: {  	s26 =	sor.u32 $0x400, s24;
	v3 =	vld [tilespmem:s1+$0x4000]  }
0xe8: {  	s28 =	sor.u32 $0x410, s24;
	v4 =	vld [tilespmem:s26+$0x4000]  }
0xe9: {  	s7 =	sor.u32 $0x420, s24;
	v5 =	vld [tilespmem:s28+$0x4000]  }
0xea: {  	s4 =	sor.u32 $0x430, s24;
	v6 =	vld [tilespmem:s7+$0x4000]  }
0xeb: {  	s3 =	sor.u32 $0x440, s24;
	v7 =	vld [tilespmem:s4+$0x4000]  }
0xec: {  	v8 =	vld [tilespmem:s3+$0x4000]  }
0xed: {  	s18 =	sor.u32 $0x450, s24;
	v9 =	vld [tilespmem:s1+$0x0]  }
0xee: {  	s14 =	sor.u32 $0x460, s24;
	v11 =	vld [tilespmem:s18+$0x4000]  }
0xef: {  	s17 =	sor.u32 $0x470, s24;
	v12 =	vld [tilespmem:s14+$0x4000]  }
0xf0: {  	s25 =	sor.u32 $0xC00, s24;
	v13 =	vld [tilespmem:s17+$0x4000]  }
0xf1: {  	s23 =	sor.u32 $0xC30, s24;
	v14 =	vld [tilespmem:s25+$0x4000]  }
0xf2: {  	s12 =	sor.u32 $0xC40, s24;
	v16 =	vld [tilespmem:s23+$0x4000]  }
0xf3: {  	s6 =	sand.u32 $0x1000, s21;
	s11 =	sand.u32 $0x380, s22;
	s16 =	sor.u32 $0xC50, s24;
	v17 =	vld [tilespmem:s12+$0x4000]  }
0xf4: {  	s13 =	sor.u32 $0xC10, s24;
	s15 =	sor.u32 $0xC20, s24;
	s24 =	sor.u32 $0xC60, s24;
	v18 =	vld [tilespmem:s16+$0x4000]  }
0xf5: {  	s11 =	sor.u32 s11, s6;
	v19 =	vld [tilespmem:s24+$0x4000]  }
0xf6: {  	v20 =	vld [tilespmem:s11+$0x4000]  }
0xf7: {  	v21 =	vld [tilespmem:s11+$0x4020]  }
0xf8: {  	v23 =	vld [tilespmem:s11+$0x4030]  }
0xf9: {  	v24 =	vld [tilespmem:s11+$0x4040]  }
0xfa: {  	v25 =	vld [tilespmem:s11+$0x4050]  }
0xfb: {  	v0 =	vimm.s32 $0x0;
	v27 =	vld [tilespmem:s11+$0x4070];
	vm1 =	vgt.s32 v4, $0xFFFFFFFF  }
0xfc: {  	v28 =	vld [tilespmem:s11+$0x4800];
	v0 =	vsel vm1, $0xFFFFFFFF, v0  }
0xfd: {  	v29 =	vld [tilespmem:s11+$0x4810];
	vm5 =	vgt.s32 v5, $0xFFFFFFFF;
	[tilespmem:$0x1FF00] =	vst v0;
	v0 =	vimm.s32 $0x0  }
0xfe: {  	v30 =	vld [tilespmem:s11+$0x4820];
	v0 =	vsel vm5, $0xFFFFFFFF, v0  }
0xff: {  	v32 =	vld [tilespmem:s11+$0x4840];
	vm6 =	vgt.s32 v6, $0xFFFFFFFF;
	[tilespmem:$0x1FF10] =	vst v0;
	v0 =	vimm.s32 $0x0  }
0x100: {  	v33 =	vld [tilespmem:s11+$0x4850];
	v0 =	vsel vm6, $0xFFFFFFFF, v0  }
0x101: {  	v63 =	vld [tilespmem:s11+$0x4860];
	vm7 =	vgt.s32 v7, $0xFFFFFFFF;
	[tilespmem:$0x1FF20] =	vst v0;
	v0 =	vimm.s32 $0x0  }
0x102: {  	v35 =	vld [tilespmem:s11+$0x4870];
	vm0 =	vgt.s32 v3, $0xFFFFFFFF;
	v0 =	vsel vm7, $0xFFFFFFFF, v0  }
0x103: {  	v36 =	vld [tilespmem:s26+$0x0];
	v3 =	vshll.u32 v3, $0x4;
	vm12 =	vgt.s32 v8, $0xFFFFFFFF;
	[tilespmem:$0x1FF30] =	vst v0;
	v0 =	vimm.s32 $0x0  }
0x104: {  	v37 =	vld [tilespmem:s28+$0x0];
	v4 =	vshll.u32 v4, $0x4;
	v54 =	vshll.u32 v5, $0x4;
	v0 =	vsel vm12, $0xFFFFFFFF, v0  }
0x105: {  	v38 =	vld [tilespmem:s7+$0x0];
	v55 =	vshll.u32 v6, $0x4;
	vm13 =	vgt.s32 v11, $0xFFFFFFFF;
	[tilespmem:$0x1FF40] =	vst v0;
	v0 =	vimm.s32 $0x0  }
0x106: {  	v39 =	vld [tilespmem:s4+$0x0];
	v56 =	vshll.u32 v7, $0x4;
	v57 =	vshll.u32 v8, $0x4;
	v0 =	vsel vm13, $0xFFFFFFFF, v0  }
0x107: {  	v40 =	vld [tilespmem:s3+$0x0];
	v58 =	vshll.u32 v11, $0x4;
	vm14 =	vgt.s32 v12, $0xFFFFFFFF;
	[tilespmem:$0x1FF50] =	vst v0;
	v0 =	vimm.s32 $0x0  }
0x108: {  	v59 =	vshll.u32 v12, $0x4;
	v12 =	vld [tilespmem:s13+$0x4000];
	vm15 =	vgt.s32 v13, $0xFFFFFFFF;
	v0 =	vsel vm14, $0xFFFFFFFF, v0  }
0x109: {  	v41 =	vld [tilespmem:s14+$0x0];
	v60 =	vshll.u32 v13, $0x4;
	vm4 =	vgt.s32 v14, $0xFFFFFFFF;
	[tilespmem:$0x1FF60] =	vst v0;
	v0 =	vimm.s32 $0x0  }
0x10a: {  	v13 =	vld [tilespmem:s15+$0x4000];
	v61 =	vshll.u32 v14, $0x4;
	v62 =	vshll.u32 v20, $0x4;
	v0 =	vsel vm15, $0xFFFFFFFF, v0  }
0x10b: {  	v42 =	vld [tilespmem:s17+$0x0];
	vm11 =	vgt.s32 v25, $0xFFFFFFFF;
	vm2 =	vgt.s32 v32, $0xFFFFFFFF;
	[tilespmem:$0x1FF70] =	vst v0;
	v0 =	vimm.s32 $0x0  }
0x10c: {  	v43 =	vld [tilespmem:s25+$0x0];
	vm9 =	vgt.s32 v63, $0xFFFFFFFF;
	v10 =	vor.u32 v1, v3;
	v0 =	vsel vm4, $0xFFFFFFFF, v0  }
0x10d: {  	v44 =	vld [tilespmem:s13+$0x0];
	v3 =	vor.u32 v1, v4;
	vm5 =	vgt.s32 v12, $0xFFFFFFFF;
	[tilespmem:$0x1FF80] =	vst v0;
	v0 =	vimm.s32 $0x0  }
0x10e: {  	v45 =	vld [tilespmem:s15+$0x0];
	v4 =	vor.u32 v1, v54;
	v5 =	vor.u32 v1, v55;
	v0 =	vsel vm5, $0xFFFFFFFF, v0  }
0x10f: {  	v46 =	vld [tilespmem:s23+$0x0];
	v12 =	vshll.u32 v12, $0x4;
	vm6 =	vgt.s32 v13, $0xFFFFFFFF;
	[tilespmem:$0x1FF90] =	vst v0;
	v0 =	vimm.s32 $0x0  }
0x110: {  	v47 =	vld [tilespmem:s12+$0x0];
	v6 =	vor.u32 v1, v56;
	v14 =	vor.u32 v1, v12;
	v0 =	vsel vm6, $0xFFFFFFFF, v0  }
0x111: {  	v48 =	vld [tilespmem:s16+$0x0];
	v12 =	vshll.u32 v13, $0x4;
	vm7 =	vgt.s32 v16, $0xFFFFFFFF;
	[tilespmem:$0x1FFA0] =	vst v0;
	v0 =	vimm.s32 $0x0  }
0x112: {  	v49 =	vld [tilespmem:s24+$0x0];
	v7 =	vor.u32 v1, v57;
	v15 =	vor.u32 v1, v12;
	v0 =	vsel vm7, $0xFFFFFFFF, v0  }
0x113: {  	v50 =	vld [tilespmem:s11+$0x0];
	v12 =	vshll.u32 v16, $0x4;
	vm12 =	vgt.s32 v17, $0xFFFFFFFF;
	[tilespmem:$0x1FFB0] =	vst v0;
	v0 =	vimm.s32 $0x0  }
0x114: {  	v51 =	vld [tilespmem:s11+$0x10];
	v8 =	vor.u32 v1, v58;
	v16 =	vor.u32 v1, v12;
	v0 =	vsel vm12, $0xFFFFFFFF, v0  }
0x115: {  	v13 =	vld [tilespmem:s11+$0x4010];
	v12 =	vshll.u32 v17, $0x4;
	vm13 =	vgt.s32 v18, $0xFFFFFFFF;
	[tilespmem:$0x1FFC0] =	vst v0;
	v0 =	vimm.s32 $0x0  }
0x116: {  	v52 =	vld [tilespmem:s11+$0x20];
	v11 =	vor.u32 v1, v61;
	v17 =	vor.u32 v1, v12;
	v0 =	vsel vm13, $0xFFFFFFFF, v0  }
0x117: {  	v53 =	vld [tilespmem:s11+$0x30];
	v12 =	vshll.u32 v18, $0x4;
	vm14 =	vgt.s32 v19, $0xFFFFFFFF;
	[tilespmem:$0x1FFD0] =	vst v0;
	v0 =	vimm.s32 $0x0  }
0x118: {  	v34 =	vld [tilespmem:s11+$0x870];
	v18 =	vor.u32 v1, v12;
	v12 =	vshll.u32 v19, $0x4;
	v0 =	vsel vm14, $0xFFFFFFFF, v0  }
0x119: {  	v54 =	vld [tilespmem:s11+$0x40];
	v22 =	vor.u32 v1, v12;
	vm15 =	vgt.s32 v20, $0xFFFFFFFF;
	[tilespmem:$0x1FFE0] =	vst v0;
	v0 =	vimm.s32 $0x0  }
0x11a: {  	v12 =	vshll.u32 v13, $0x4;
	v0 =	vsel vm15, $0xFFFFFFFF, v0;
	vm15 =	vgt.s32 v13, $0xFFFFFFFF;
	v13 =	vld [tilespmem:s11+$0x4060]  }
0x11b: {  	[tilespmem:v10+s30+$0x0] =	vst.idx.add.f32.msk vm0, v9;
	v9 =	vor.u32 v1, v59;
	v20 =	vor.u32 v1, v12;
	v12 =	vshll.u32 v21, $0x4  }
0x11c: {  	v55 =	vld [tilespmem:s11+$0x50];
	vm14 =	vgt.s32 v21, $0xFFFFFFFF;
	v21 =	vor.u32 v1, v12;
	v12 =	vshll.u32 v23, $0x4  }
0x11d: {  	v56 =	vld [tilespmem:s11+$0x60];
	vm13 =	vgt.s32 v23, $0xFFFFFFFF;
	v23 =	vor.u32 v1, v12;
	v12 =	vshll.u32 v24, $0x4  }
0x11e: {  	v57 =	vld [tilespmem:s11+$0x70];
	vm12 =	vgt.s32 v24, $0xFFFFFFFF;
	v24 =	vor.u32 v1, v12;
	v12 =	vshll.u32 v25, $0x4  }
0x11f: {  	v25 =	vor.u32 v1, v12;
	vm8 =	vgt.s32 v13, $0xFFFFFFFF;
	v12 =	vshll.u32 v13, $0x4;
	v13 =	vld [tilespmem:s11+$0x4830]  }
0x120: {  	[tilespmem:v10+s31+$0x0] =	vst.idx.add.f32.msk vm0, v2;
	v10 =	vor.u32 v1, v60;
	v26 =	vor.u32 v1, v12;
	v12 =	vshll.u32 v27, $0x4  }
0x121: {  	v58 =	vld [tilespmem:s11+$0x800];
	vm7 =	vgt.s32 v27, $0xFFFFFFFF;
	v27 =	vor.u32 v1, v12;
	v12 =	vshll.u32 v28, $0x4  }
0x122: {  	v61 =	vld [tilespmem:s11+$0x830];
	vm6 =	vgt.s32 v28, $0xFFFFFFFF;
	v28 =	vor.u32 v1, v12;
	v12 =	vshll.u32 v29, $0x4  }
0x123: {  	v59 =	vld [tilespmem:s11+$0x810];
	vm5 =	vgt.s32 v29, $0xFFFFFFFF;
	v29 =	vor.u32 v1, v12;
	v12 =	vshll.u32 v30, $0x4  }
0x124: {  	v60 =	vld [tilespmem:s11+$0x820];
	vm4 =	vgt.s32 v30, $0xFFFFFFFF;
	v30 =	vor.u32 v1, v12;
	v12 =	vshll.u32 v13, $0x4  }
0x125: {  	v19 =	vor.u32 v1, v62;
	v62 =	vld [tilespmem:s11+$0x840];
	v31 =	vor.u32 v1, v12;
	v12 =	vshll.u32 v32, $0x4  }
0x126: {  	vm10 =	vgt.s32 v35, $0xFFFFFFFF;
	[tilespmem:$0x1FFF0] =	vst v0;
	v0 =	vld [tilespmem:s11+$0x860];
	v32 =	vor.u32 v1, v12;
	v12 =	vshll.u32 v33, $0x4  }
0x127: {  	vm1 =	vgt.s32 v33, $0xFFFFFFFF;
	v33 =	vor.u32 v1, v12;
	v12 =	vshll.u32 v63, $0x4;
	v63 =	vld [tilespmem:s11+$0x850]  }
0x128: {  	vm3 =	vgt.s32 v13, $0xFFFFFFFF;
	v13 =	vor.u32 v1, v12;
	v12 =	vshll.u32 v35, $0x4;
	v35 =	vld [tilespmem:s18+$0x0];
	[tilespmem:$0x1FEF0] =	vst v1  }
0x129: {  	v12 =	vor.u32 v1, v12;
	v1 =	vld [tilespmem:$0x1FF00];
	_ =	sdelay $0x4  }
0x12a: {  	vm0 =	vnez.u8 v1;
	_ =	sdelay $0x4  }
0x12b: {  	v1 =	vld [tilespmem:$0x1FEF0]  }
0x12c: {  	[tilespmem:v3+s30+$0x0] =	vst.idx.add.f32.msk vm0, v36  }
0x12d: {  	[tilespmem:v3+s31+$0x0] =	vst.idx.add.f32.msk vm0, v2  }
0x12e: {  	v3 =	vld [tilespmem:$0x1FF10];
	_ =	sdelay $0x4  }
0x12f: {  	vm0 =	vnez.u8 v3;
	_ =	sdelay $0x1  }
0x130: {  	v3 =	vld [tilespmem:$0x1FF20];
	_ =	sdelay $0x3  }
0x131: {  	[tilespmem:v4+s30+$0x0] =	vst.idx.add.f32.msk vm0, v37  }
0x132: {  	[tilespmem:v4+s31+$0x0] =	vst.idx.add.f32.msk vm0, v2;
	vm0 =	vnez.u8 v3;
	_ =	sdelay $0x1  }
0x133: {  	v3 =	vld [tilespmem:$0x1FF30];
	_ =	sdelay $0x3  }
0x134: {  	[tilespmem:v5+s30+$0x0] =	vst.idx.add.f32.msk vm0, v38  }
0x135: {  	[tilespmem:v5+s31+$0x0] =	vst.idx.add.f32.msk vm0, v2;
	vm0 =	vnez.u8 v3;
	_ =	sdelay $0x1  }
0x136: {  	v3 =	vld [tilespmem:$0x1FF40];
	_ =	sdelay $0x3  }
0x137: {  	[tilespmem:v6+s30+$0x0] =	vst.idx.add.f32.msk vm0, v39  }
0x138: {  	[tilespmem:v6+s31+$0x0] =	vst.idx.add.f32.msk vm0, v2;
	vm0 =	vnez.u8 v3;
	_ =	sdelay $0x1  }
0x139: {  	v3 =	vld [tilespmem:$0x1FF50];
	_ =	sdelay $0x3  }
0x13a: {  	[tilespmem:v7+s30+$0x0] =	vst.idx.add.f32.msk vm0, v40  }
0x13b: {  	[tilespmem:v7+s31+$0x0] =	vst.idx.add.f32.msk vm0, v2;
	vm0 =	vnez.u8 v3;
	_ =	sdelay $0x1  }
0x13c: {  	v3 =	vld [tilespmem:$0x1FF60];
	_ =	sdelay $0x3  }
0x13d: {  	[tilespmem:v8+s30+$0x0] =	vst.idx.add.f32.msk vm0, v35  }
0x13e: {  	[tilespmem:v8+s31+$0x0] =	vst.idx.add.f32.msk vm0, v2;
	vm0 =	vnez.u8 v3;
	_ =	sdelay $0x1  }
0x13f: {  	v3 =	vld [tilespmem:$0x1FF70];
	_ =	sdelay $0x3  }
0x140: {  	[tilespmem:v9+s30+$0x0] =	vst.idx.add.f32.msk vm0, v41  }
0x141: {  	[tilespmem:v9+s31+$0x0] =	vst.idx.add.f32.msk vm0, v2;
	vm0 =	vnez.u8 v3;
	_ =	sdelay $0x1  }
0x142: {  	v3 =	vld [tilespmem:$0x1FF80];
	_ =	sdelay $0x3  }
0x143: {  	[tilespmem:v10+s30+$0x0] =	vst.idx.add.f32.msk vm0, v42  }
0x144: {  	[tilespmem:v10+s31+$0x0] =	vst.idx.add.f32.msk vm0, v2;
	vm0 =	vnez.u8 v3;
	_ =	sdelay $0x1  }
0x145: {  	v3 =	vld [tilespmem:$0x1FF90];
	_ =	sdelay $0x3  }
0x146: {  	[tilespmem:v11+s30+$0x0] =	vst.idx.add.f32.msk vm0, v43  }
0x147: {  	[tilespmem:v11+s31+$0x0] =	vst.idx.add.f32.msk vm0, v2;
	vm0 =	vnez.u8 v3;
	_ =	sdelay $0x1  }
0x148: {  	v3 =	vld [tilespmem:$0x1FFA0];
	_ =	sdelay $0x1  }
0x149: {  	[tilespmem:v20+s30+$0x0] =	vst.idx.add.f32.msk vm15, v51  }
0x14a: {  	[tilespmem:v21+s30+$0x0] =	vst.idx.add.f32.msk vm14, v52  }
0x14b: {  	[tilespmem:v14+s30+$0x0] =	vst.idx.add.f32.msk vm0, v44  }
0x14c: {  	[tilespmem:v14+s31+$0x0] =	vst.idx.add.f32.msk vm0, v2;
	vm0 =	vnez.u8 v3  }
0x14d: {  	[tilespmem:v23+s30+$0x0] =	vst.idx.add.f32.msk vm13, v53  }
0x14e: {  	v3 =	vld [tilespmem:$0x1FFB0]  }
0x14f: {  	[tilespmem:v24+s30+$0x0] =	vst.idx.add.f32.msk vm12, v54  }
0x150: {  	[tilespmem:v25+s30+$0x0] =	vst.idx.add.f32.msk vm11, v55  }
0x151: {  	[tilespmem:v26+s30+$0x0] =	vst.idx.add.f32.msk vm8, v56  }
0x152: {  	[tilespmem:v15+s30+$0x0] =	vst.idx.add.f32.msk vm0, v45  }
0x153: {  	[tilespmem:v15+s31+$0x0] =	vst.idx.add.f32.msk vm0, v2;
	vm0 =	vnez.u8 v3  }
0x154: {  	[tilespmem:v27+s30+$0x0] =	vst.idx.add.f32.msk vm7, v57  }
0x155: {  	v3 =	vld [tilespmem:$0x1FFC0]  }
0x156: {  	[tilespmem:v28+s30+$0x0] =	vst.idx.add.f32.msk vm6, v58  }
0x157: {  	[tilespmem:v29+s30+$0x0] =	vst.idx.add.f32.msk vm5, v59  }
0x158: {  	[tilespmem:v30+s30+$0x0] =	vst.idx.add.f32.msk vm4, v60  }
0x159: {  	[tilespmem:v16+s30+$0x0] =	vst.idx.add.f32.msk vm0, v46  }
0x15a: {  	[tilespmem:v16+s31+$0x0] =	vst.idx.add.f32.msk vm0, v2;
	vm0 =	vnez.u8 v3  }
0x15b: {  	[tilespmem:v31+s30+$0x0] =	vst.idx.add.f32.msk vm3, v61  }
0x15c: {  	v3 =	vld [tilespmem:$0x1FFD0]  }
0x15d: {  	[tilespmem:v32+s30+$0x0] =	vst.idx.add.f32.msk vm2, v62  }
0x15e: {  	[tilespmem:v33+s30+$0x0] =	vst.idx.add.f32.msk vm1, v63  }
0x15f: {  	[tilespmem:v13+s30+$0x0] =	vst.idx.add.f32.msk vm9, v0  }
0x160: {  	[tilespmem:v17+s30+$0x0] =	vst.idx.add.f32.msk vm0, v47  }
0x161: {  	[tilespmem:v17+s31+$0x0] =	vst.idx.add.f32.msk vm0, v2;
	vm0 =	vnez.u8 v3  }
0x162: {  	[tilespmem:v20+s31+$0x0] =	vst.idx.add.f32.msk vm15, v2  }
0x163: {  	v3 =	vld [tilespmem:$0x1FFE0]  }
0x164: {  	[tilespmem:v21+s31+$0x0] =	vst.idx.add.f32.msk vm14, v2  }
0x165: {  	[tilespmem:v23+s31+$0x0] =	vst.idx.add.f32.msk vm13, v2  }
0x166: {  	[tilespmem:v24+s31+$0x0] =	vst.idx.add.f32.msk vm12, v2  }
0x167: {  	[tilespmem:v18+s30+$0x0] =	vst.idx.add.f32.msk vm0, v48  }
0x168: {  	[tilespmem:v18+s31+$0x0] =	vst.idx.add.f32.msk vm0, v2;
	vm0 =	vnez.u8 v3  }
0x169: {  	[tilespmem:v25+s31+$0x0] =	vst.idx.add.f32.msk vm11, v2  }
0x16a: {  	v3 =	vld [tilespmem:$0x1FFF0]  }
0x16b: {  	[tilespmem:v26+s31+$0x0] =	vst.idx.add.f32.msk vm8, v2  }
0x16c: {  	[tilespmem:v27+s31+$0x0] =	vst.idx.add.f32.msk vm7, v2  }
0x16d: {  	[tilespmem:v28+s31+$0x0] =	vst.idx.add.f32.msk vm6, v2  }
0x16e: {  	[tilespmem:v22+s30+$0x0] =	vst.idx.add.f32.msk vm0, v49  }
0x16f: {  	[tilespmem:v22+s31+$0x0] =	vst.idx.add.f32.msk vm0, v2;
	vm0 =	vnez.u8 v3  }
0x170: {  	s20 =	sadd.s32 $0x20, s20;
	[tilespmem:v29+s31+$0x0] =	vst.idx.add.f32.msk vm5, v2  }
0x171: {  	p0 =	slt.u32 s20, $0x1E0;
	[tilespmem:v30+s31+$0x0] =	vst.idx.add.f32.msk vm4, v2  }
.Ltmp1:
0x172: {  	[tilespmem:v31+s31+$0x0] =	vst.idx.add.f32.msk vm3, v2;
	(pc) =	sbr.rel @p0 .LBB2_5-.Ltmp1, $4  }
0x173: {  	[tilespmem:v32+s31+$0x0] =	vst.idx.add.f32.msk vm2, v2  }
0x174: {  	[tilespmem:v33+s31+$0x0] =	vst.idx.add.f32.msk vm1, v2  }
0x175: {  	[tilespmem:v19+s30+$0x0] =	vst.idx.add.f32.msk vm0, v50  }
0x176: {  	s21 =	sadd.s32 $0x200, s21;
	[tilespmem:v19+s31+$0x0] =	vst.idx.add.f32.msk vm0, v2  }
0x177: {  	_ =	sdelay $0x4  }
0x178: {  	[tilespmem:v13+s31+$0x0] =	vst.idx.add.f32.msk vm9, v2  }
0x179: {  	p0 =	seq.s32 s10, $0xF;
	s1 =	rddreg [dreg:$0x8]  }
0x17a: {  	s1 =	sadd.s32 @!p0 s19, s1  }
0x17b: {  	[tilespmem:v12+s30+$0x0] =	vst.idx.add.f32.msk vm10, v34;
	s1 =	sshrl.u32 @!p0 s1, $0x3  }
0x17c: {  	s4 =	simm.s32 @!p0 $0x0;
	[tilespmem:v12+s31+$0x0] =	vst.idx.add.f32.msk vm10, v2;
	s3 =	sadd.s32 @!p0 s2, s1  }
0x17d: {  	[tilespmem:s4], [sflag:$0x1] =	stream.linear.gather @!p0 [hbm4b:s3+s4], $0x2000, $0x38;
	[tilespmem:$0x1B200] =	vst v63  }
0x17e: {  	s1 =	sadd.s32 @!p0 s5, s1;
	s3 =	simm.s32 @!p0 $0x4000  }
0x17f: {  	[tilespmem:s3], [sflag:$0x1] =	stream.linear.gather @!p0 [hbm4b:s1+s4], $0x2000, $0x38;
	[tilespmem:$0x1B200] =	vst v63  }
0x180: {  	_ =	swait.ge [sflag:s0], $0x2000  }
0x181: {  	[sflag:s0] =	ssyncset.done $0x0  }
0x182: {  	s19 =	simm.s32 $0x0;
	[sflag:s0] =	ssyncadd.s32 $0xFFFFE000  }
0x183: {  	s24 =	sand.u32 $0xFFFFF000, s19;
	_ =	swait.ge [sflag:s0], $0x2000  }
0x184: {  	s1 =	sadd.s32 $0x0, s24;
	[sflag:s0] =	ssyncset.done $0x0  }
0x185: {  	s25 =	sor.u32 $0x2C70, s1;
	[sflag:s0] =	ssyncadd.s32 $0xFFFFE000  }
0x186: {  	s26 =	sor.u32 $0x2400, s1;
	v0 =	vld [tilespmem:s25+$0x4000]  }
0x187: {  	s6 =	sor.u32 $0x2410, s1;
	v14 =	vld [tilespmem:s26+$0x4000]  }
0x188: {  	s7 =	sor.u32 $0x2420, s1;
	v15 =	vld [tilespmem:s6+$0x4000]  }
0x189: {  	s12 =	sor.u32 $0x2430, s1;
	v16 =	vld [tilespmem:s7+$0x4000]  }
0x18a: {  	s13 =	sor.u32 $0x2440, s1;
	v17 =	vld [tilespmem:s12+$0x4000]  }
0x18b: {  	v18 =	vld [tilespmem:s13+$0x4000]  }
0x18c: {  	s14 =	sor.u32 $0x2450, s1;
	v3 =	vld [tilespmem:s25+$0x0]  }
0x18d: {  	s28 =	sor.u32 $0x2460, s1;
	v19 =	vld [tilespmem:s14+$0x4000]  }
0x18e: {  	s15 =	sor.u32 $0x2470, s1;
	v20 =	vld [tilespmem:s28+$0x4000]  }
0x18f: {  	s16 =	sor.u32 $0x2C00, s1;
	v21 =	vld [tilespmem:s15+$0x4000]  }
0x190: {  	s18 =	sor.u32 $0x2C20, s1;
	v22 =	vld [tilespmem:s16+$0x4000]  }
0x191: {  	s20 =	sor.u32 $0x2C30, s1;
	v23 =	vld [tilespmem:s18+$0x4000]  }
0x192: {  	s21 =	sor.u32 $0x2C40, s1;
	v24 =	vld [tilespmem:s20+$0x4000]  }
0x193: {  	s11 =	sand.u32 $0x1000, s19;
	s22 =	sor.u32 $0x2C50, s1;
	v25 =	vld [tilespmem:s21+$0x4000]  }
0x194: {  	s23 =	sand.u32 $0x380, s19;
	s17 =	sor.u32 $0x2C10, s1;
	s1 =	sor.u32 $0x2C60, s1;
	v26 =	vld [tilespmem:s22+$0x4000]  }
0x195: {  	s11 =	sor.u32 s23, s11;
	v27 =	vld [tilespmem:s1+$0x4000]  }
0x196: {  	v28 =	vld [tilespmem:s11+$0x6000]  }
0x197: {  	v29 =	vld [tilespmem:s11+$0x6010]  }
0x198: {  	v30 =	vld [tilespmem:s11+$0x6020]  }
0x199: {  	v31 =	vld [tilespmem:s11+$0x6030]  }
0x19a: {  	v32 =	vld [tilespmem:s11+$0x6040]  }
0x19b: {  	v13 =	vld [tilespmem:s11+$0x6050]  }
0x19c: {  	v12 =	vld [tilespmem:s11+$0x6060]  }
0x19d: {  	v11 =	vld [tilespmem:s11+$0x6070]  }
0x19e: {  	v10 =	vld [tilespmem:s11+$0x6800]  }
0x19f: {  	v9 =	vld [tilespmem:s11+$0x6810]  }
0x1a0: {  	v8 =	vld [tilespmem:s11+$0x6820]  }
0x1a1: {  	v7 =	vld [tilespmem:s11+$0x6830]  }
0x1a2: {  	v6 =	vld [tilespmem:s11+$0x6840]  }
0x1a3: {  	v5 =	vld [tilespmem:s11+$0x6850]  }
0x1a4: {  	v4 =	vld [tilespmem:s11+$0x6860]  }
0x1a5: {  	v33 =	vld [tilespmem:s26+$0x0]  }
0x1a6: {  	v51 =	vld [tilespmem:s6+$0x0]  }
0x1a7: {  	v35 =	vld [tilespmem:s7+$0x0]  }
0x1a8: {  	v36 =	vld [tilespmem:s12+$0x0]  }
0x1a9: {  	v37 =	vld [tilespmem:s13+$0x0]  }
0x1aa: {  	v38 =	vld [tilespmem:s14+$0x0]  }
0x1ab: {  	v39 =	vld [tilespmem:s28+$0x0]  }
0x1ac: {  	v40 =	vld [tilespmem:s15+$0x0]  }
0x1ad: {  	v41 =	vld [tilespmem:s16+$0x0]  }
0x1ae: {  	v42 =	vld [tilespmem:s17+$0x0]  }
0x1af: {  	v43 =	vld [tilespmem:s18+$0x0]  }
0x1b0: {  	v44 =	vld [tilespmem:s20+$0x0]  }
0x1b1: {  	v52 =	vld [tilespmem:s22+$0x0]  }
0x1b2: {  	v53 =	vld [tilespmem:s1+$0x0]  }
0x1b3: {  	v54 =	vld [tilespmem:s11+$0x2000]  }
0x1b4: {  	v55 =	vld [tilespmem:s11+$0x2020]  }
0x1b5: {  	v56 =	vld [tilespmem:s11+$0x2030]  }
0x1b6: {  	v57 =	vld [tilespmem:s11+$0x2040];
	vm0 =	vgt.s32 v0, $0xFFFFFFFF;
	v0 =	vshll.u32 v0, $0x4  }
0x1b7: {  	v58 =	vld [tilespmem:s11+$0x2060];
	vm13 =	vgt.s32 v14, $0xFFFFFFFF;
	v14 =	vshll.u32 v14, $0x4;
	v0 =	vor.u32 v1, v0  }
0x1b8: {  	v59 =	vld [tilespmem:s11+$0x2070];
	vm1 =	vgt.s32 v15, $0xFFFFFFFF;
	v15 =	vshll.u32 v15, $0x4;
	v14 =	vor.u32 v1, v14  }
0x1b9: {  	v60 =	vld [tilespmem:s11+$0x2830];
	vm2 =	vgt.s32 v16, $0xFFFFFFFF;
	v16 =	vshll.u32 v16, $0x4;
	v15 =	vor.u32 v1, v15  }
0x1ba: {  	v61 =	vld [tilespmem:s11+$0x2840];
	v16 =	vor.u32 v1, v16  }
0x1bb: {  	v62 =	vld [tilespmem:s11+$0x2850]  }
0x1bc: {  	[tilespmem:v0+s30+$0x0] =	vst.idx.add.f32.msk vm0, v3  }
0x1bd: {  	[tilespmem:v14+s30+$0x0] =	vst.idx.add.f32.msk vm13, v33  }
0x1be: {  	[tilespmem:v15+s30+$0x0] =	vst.idx.add.f32.msk vm1, v51  }
0x1bf: {  	[tilespmem:v16+s30+$0x0] =	vst.idx.add.f32.msk vm2, v35  }
0x1c0: {  	[tilespmem:v0+s31+$0x0] =	vst.idx.add.f32.msk vm0, v2  }
0x1c1: {  	v0 =	vld [tilespmem:s17+$0x4000]  }
0x1c2: {  	vm14 =	vgt.s32 v17, $0xFFFFFFFF;
	[tilespmem:v14+s31+$0x0] =	vst.idx.add.f32.msk vm13, v2;
	v14 =	vshll.u32 v17, $0x4  }
0x1c3: {  	vm15 =	vgt.s32 v18, $0xFFFFFFFF;
	[tilespmem:v15+s31+$0x0] =	vst.idx.add.f32.msk vm1, v2;
	v15 =	vshll.u32 v18, $0x4;
	v14 =	vor.u32 v1, v14  }
0x1c4: {  	vm4 =	vgt.s32 v19, $0xFFFFFFFF;
	[tilespmem:v16+s31+$0x0] =	vst.idx.add.f32.msk vm2, v2;
	v16 =	vshll.u32 v19, $0x4;
	v15 =	vor.u32 v1, v15  }
0x1c5: {  	v63 =	vld [tilespmem:s11+$0x2860];
	v16 =	vor.u32 v1, v16  }
0x1c6: {  	v34 =	vld [tilespmem:s11+$0x2870]  }
0x1c7: {  	v3 =	vld [tilespmem:s11+$0x6870]  }
0x1c8: {  	[tilespmem:v14+s30+$0x0] =	vst.idx.add.f32.msk vm14, v36  }
0x1c9: {  	vm12 =	vgt.s32 v0, $0xFFFFFFFF;
	v0 =	vshll.u32 v0, $0x4;
	[tilespmem:v15+s30+$0x0] =	vst.idx.add.f32.msk vm15, v37  }
0x1ca: {  	[tilespmem:v16+s30+$0x0] =	vst.idx.add.f32.msk vm4, v38;
	v0 =	vor.u32 v1, v0  }
0x1cb: {  	vm5 =	vgt.s32 v20, $0xFFFFFFFF;
	[tilespmem:v14+s31+$0x0] =	vst.idx.add.f32.msk vm14, v2;
	v14 =	vshll.u32 v20, $0x4  }
0x1cc: {  	vm6 =	vgt.s32 v21, $0xFFFFFFFF;
	[tilespmem:v15+s31+$0x0] =	vst.idx.add.f32.msk vm15, v2;
	v15 =	vshll.u32 v21, $0x4;
	v14 =	vor.u32 v1, v14  }
0x1cd: {  	vm7 =	vgt.s32 v22, $0xFFFFFFFF;
	[tilespmem:v16+s31+$0x0] =	vst.idx.add.f32.msk vm4, v2;
	v16 =	vshll.u32 v22, $0x4;
	v15 =	vor.u32 v1, v15  }
0x1ce: {  	v17 =	vld [tilespmem:s21+$0x0];
	v16 =	vor.u32 v1, v16  }
0x1cf: {  	[tilespmem:v0+s30+$0x0] =	vst.idx.add.f32.msk vm12, v42  }
0x1d0: {  	[tilespmem:v0+s31+$0x0] =	vst.idx.add.f32.msk vm12, v2  }
0x1d1: {  	[tilespmem:v14+s30+$0x0] =	vst.idx.add.f32.msk vm5, v39  }
0x1d2: {  	vm15 =	vgt.s32 v25, $0xFFFFFFFF;
	v0 =	vshll.u32 v25, $0x4;
	[tilespmem:v15+s30+$0x0] =	vst.idx.add.f32.msk vm6, v40  }
0x1d3: {  	[tilespmem:v16+s30+$0x0] =	vst.idx.add.f32.msk vm7, v41;
	v0 =	vor.u32 v1, v0  }
0x1d4: {  	[tilespmem:v14+s31+$0x0] =	vst.idx.add.f32.msk vm5, v2  }
0x1d5: {  	vm13 =	vgt.s32 v23, $0xFFFFFFFF;
	[tilespmem:v15+s31+$0x0] =	vst.idx.add.f32.msk vm6, v2;
	v15 =	vshll.u32 v23, $0x4  }
0x1d6: {  	vm14 =	vgt.s32 v24, $0xFFFFFFFF;
	[tilespmem:v16+s31+$0x0] =	vst.idx.add.f32.msk vm7, v2;
	v16 =	vshll.u32 v24, $0x4;
	v15 =	vor.u32 v1, v15  }
0x1d7: {  	v14 =	vld [tilespmem:s11+$0x2010];
	v16 =	vor.u32 v1, v16  }
0x1d8: {  	[tilespmem:v0+s30+$0x0] =	vst.idx.add.f32.msk vm15, v17  }
0x1d9: {  	vm6 =	vgt.s32 v28, $0xFFFFFFFF;
	[tilespmem:v0+s31+$0x0] =	vst.idx.add.f32.msk vm15, v2;
	v0 =	vshll.u32 v28, $0x4  }
0x1da: {  	v17 =	vld [tilespmem:s11+$0x2050];
	vm15 =	vgt.s32 v13, $0xFFFFFFFF;
	v13 =	vshll.u32 v13, $0x4;
	v0 =	vor.u32 v1, v0  }
0x1db: {  	[tilespmem:v15+s30+$0x0] =	vst.idx.add.f32.msk vm13, v43;
	v13 =	vor.u32 v1, v13  }
0x1dc: {  	[tilespmem:v16+s30+$0x0] =	vst.idx.add.f32.msk vm14, v44  }
0x1dd: {  	[tilespmem:v15+s31+$0x0] =	vst.idx.add.f32.msk vm13, v2  }
0x1de: {  	vm4 =	vgt.s32 v26, $0xFFFFFFFF;
	v15 =	vshll.u32 v26, $0x4;
	[tilespmem:v16+s31+$0x0] =	vst.idx.add.f32.msk vm14, v2  }
0x1df: {  	vm5 =	vgt.s32 v27, $0xFFFFFFFF;
	v16 =	vshll.u32 v27, $0x4;
	v15 =	vor.u32 v1, v15;
	[tilespmem:v0+s30+$0x0] =	vst.idx.add.f32.msk vm6, v54  }
0x1e0: {  	v16 =	vor.u32 v1, v16;
	[tilespmem:v13+s30+$0x0] =	vst.idx.add.f32.msk vm15, v17  }
0x1e1: {  	[tilespmem:v0+s31+$0x0] =	vst.idx.add.f32.msk vm6, v2  }
0x1e2: {  	vm13 =	vgt.s32 v31, $0xFFFFFFFF;
	v0 =	vshll.u32 v31, $0x4;
	[tilespmem:v13+s31+$0x0] =	vst.idx.add.f32.msk vm15, v2  }
0x1e3: {  	v13 =	vld [tilespmem:s11+$0x2820];
	v0 =	vor.u32 v1, v0  }
0x1e4: {  	vm15 =	vgt.s32 v5, $0xFFFFFFFF;
	v5 =	vshll.u32 v5, $0x4;
	[tilespmem:v15+s30+$0x0] =	vst.idx.add.f32.msk vm4, v52  }
0x1e5: {  	[tilespmem:v16+s30+$0x0] =	vst.idx.add.f32.msk vm5, v53;
	v5 =	vor.u32 v1, v5  }
0x1e6: {  	[tilespmem:v15+s31+$0x0] =	vst.idx.add.f32.msk vm4, v2  }
0x1e7: {  	vm7 =	vgt.s32 v29, $0xFFFFFFFF;
	v15 =	vshll.u32 v29, $0x4;
	[tilespmem:v16+s31+$0x0] =	vst.idx.add.f32.msk vm5, v2  }
0x1e8: {  	v15 =	vor.u32 v1, v15;
	[tilespmem:v0+s30+$0x0] =	vst.idx.add.f32.msk vm13, v56  }
0x1e9: {  	vm4 =	vgt.s32 v12, $0xFFFFFFFF;
	[tilespmem:v0+s31+$0x0] =	vst.idx.add.f32.msk vm13, v2;
	v0 =	vshll.u32 v12, $0x4  }
0x1ea: {  	[tilespmem:v5+s30+$0x0] =	vst.idx.add.f32.msk vm15, v62;
	v0 =	vor.u32 v1, v0  }
0x1eb: {  	vm12 =	vgt.s32 v30, $0xFFFFFFFF;
	v16 =	vshll.u32 v30, $0x4;
	v12 =	vld [tilespmem:s11+$0x2810]  }
0x1ec: {  	vm5 =	vgt.s32 v11, $0xFFFFFFFF;
	v11 =	vshll.u32 v11, $0x4;
	v16 =	vor.u32 v1, v16;
	[tilespmem:v5+s31+$0x0] =	vst.idx.add.f32.msk vm15, v2  }
0x1ed: {  	v11 =	vor.u32 v1, v11;
	[tilespmem:v15+s30+$0x0] =	vst.idx.add.f32.msk vm7, v14  }
0x1ee: {  	vm14 =	vgt.s32 v32, $0xFFFFFFFF;
	v14 =	vshll.u32 v32, $0x4;
	[tilespmem:v15+s31+$0x0] =	vst.idx.add.f32.msk vm7, v2  }
0x1ef: {  	v14 =	vor.u32 v1, v14;
	[tilespmem:v0+s30+$0x0] =	vst.idx.add.f32.msk vm4, v58  }
0x1f0: {  	vm7 =	vgt.s32 v9, $0xFFFFFFFF;
	[tilespmem:v0+s31+$0x0] =	vst.idx.add.f32.msk vm4, v2;
	v0 =	vshll.u32 v9, $0x4  }
0x1f1: {  	[tilespmem:v16+s30+$0x0] =	vst.idx.add.f32.msk vm12, v55;
	v0 =	vor.u32 v1, v0  }
0x1f2: {  	[tilespmem:v11+s30+$0x0] =	vst.idx.add.f32.msk vm5, v59  }
0x1f3: {  	v15 =	vld [tilespmem:s11+$0x2800]  }
0x1f4: {  	vm13 =	vgt.s32 v7, $0xFFFFFFFF;
	v7 =	vshll.u32 v7, $0x4;
	[tilespmem:v14+s30+$0x0] =	vst.idx.add.f32.msk vm14, v57  }
0x1f5: {  	vm6 =	vgt.s32 v10, $0xFFFFFFFF;
	v10 =	vshll.u32 v10, $0x4;
	v7 =	vor.u32 v1, v7;
	[tilespmem:v14+s31+$0x0] =	vst.idx.add.f32.msk vm14, v2  }
0x1f6: {  	v10 =	vor.u32 v1, v10;
	[tilespmem:v0+s30+$0x0] =	vst.idx.add.f32.msk vm7, v12  }
0x1f7: {  	vm14 =	vgt.s32 v6, $0xFFFFFFFF;
	[tilespmem:v0+s31+$0x0] =	vst.idx.add.f32.msk vm7, v2;
	v0 =	vshll.u32 v6, $0x4  }
0x1f8: {  	[tilespmem:v16+s31+$0x0] =	vst.idx.add.f32.msk vm12, v2;
	v0 =	vor.u32 v1, v0  }
0x1f9: {  	[tilespmem:v11+s31+$0x0] =	vst.idx.add.f32.msk vm5, v2;
	vm12 =	vgt.s32 v8, $0xFFFFFFFF;
	v8 =	vshll.u32 v8, $0x4  }
0x1fa: {  	v8 =	vor.u32 v1, v8;
	[tilespmem:v7+s30+$0x0] =	vst.idx.add.f32.msk vm13, v60  }
0x1fb: {  	[tilespmem:v10+s30+$0x0] =	vst.idx.add.f32.msk vm6, v15  }
0x1fc: {  	vm9 =	vgt.s32 v4, $0xFFFFFFFF;
	v4 =	vshll.u32 v4, $0x4;
	[tilespmem:v7+s31+$0x0] =	vst.idx.add.f32.msk vm13, v2  }
0x1fd: {  	v15 =	vor.u32 v1, v4;
	[tilespmem:v0+s30+$0x0] =	vst.idx.add.f32.msk vm14, v61  }
0x1fe: {  	vm11 =	vgt.s32 v3, $0xFFFFFFFF;
	[tilespmem:v0+s31+$0x0] =	vst.idx.add.f32.msk vm14, v2;
	v0 =	vshll.u32 v3, $0x4  }
0x1ff: {  	[tilespmem:v8+s30+$0x0] =	vst.idx.add.f32.msk vm12, v13;
	v13 =	vor.u32 v1, v0  }
0x200: {  	[tilespmem:v10+s31+$0x0] =	vst.idx.add.f32.msk vm6, v2  }
0x201: {  	[tilespmem:v8+s31+$0x0] =	vst.idx.add.f32.msk vm12, v2  }
0x202: {  	s20 =	simm.s32 $0x0;
	s21 =	simm.s32 $0x200;
	[tilespmem:v15+s30+$0x0] =	vst.idx.add.f32.msk vm9, v63  }
.LBB2_7:
0x203: {  	s1 =	sand.u32 $0xFFFFF000, s21;
	[tilespmem:v15+s31+$0x0] =	vst.idx.add.f32.msk vm9, v2;
	s19 =	sadd.s32 $0x80, s19  }
0x204: {  	[tilespmem:v13+s30+$0x0] =	vst.idx.add.f32.msk vm11, v34;
	s1 =	sadd.s32 s1, s19  }
0x205: {  	[tilespmem:v13+s31+$0x0] =	vst.idx.add.f32.msk vm11, v2;
	s28 =	sor.u32 $0x2C70, s1  }
0x206: {  	s25 =	sor.u32 $0x2400, s1;
	v0 =	vld [tilespmem:s28+$0x4000]  }
0x207: {  	s26 =	sor.u32 $0x2410, s1;
	v3 =	vld [tilespmem:s25+$0x4000]  }
0x208: {  	s7 =	sor.u32 $0x2420, s1;
	v4 =	vld [tilespmem:s26+$0x4000]  }
0x209: {  	s4 =	sor.u32 $0x2430, s1;
	v5 =	vld [tilespmem:s7+$0x4000]  }
0x20a: {  	s3 =	sor.u32 $0x2440, s1;
	v6 =	vld [tilespmem:s4+$0x4000]  }
0x20b: {  	v7 =	vld [tilespmem:s3+$0x4000]  }
0x20c: {  	s18 =	sor.u32 $0x2450, s1;
	v57 =	vld [tilespmem:s28+$0x0]  }
0x20d: {  	s14 =	sor.u32 $0x2460, s1;
	v58 =	vld [tilespmem:s18+$0x4000]  }
0x20e: {  	s17 =	sor.u32 $0x2470, s1;
	v59 =	vld [tilespmem:s14+$0x4000]  }
0x20f: {  	s13 =	sor.u32 $0x2C10, s1;
	v60 =	vld [tilespmem:s17+$0x4000]  }
0x210: {  	s16 =	sor.u32 $0x2C20, s1;
	v13 =	vld [tilespmem:s13+$0x4000]  }
0x211: {  	s22 =	sor.u32 $0x2C30, s1;
	v14 =	vld [tilespmem:s16+$0x4000]  }
0x212: {  	s6 =	sand.u32 $0x1000, s21;
	s11 =	sand.u32 $0x380, s19;
	s24 =	sor.u32 $0x2C50, s1;
	v15 =	vld [tilespmem:s22+$0x4000]  }
0x213: {  	s11 =	sor.u32 s11, s6;
	v18 =	vld [tilespmem:s24+$0x4000]  }
0x214: {  	v19 =	vld [tilespmem:s11+$0x6000]  }
0x215: {  	v20 =	vld [tilespmem:s11+$0x6010];
	vm0 =	vgt.s32 v0, $0xFFFFFFFF;
	v0 =	vshll.u32 v0, $0x4  }
0x216: {  	v21 =	vld [tilespmem:s11+$0x6020];
	v0 =	vor.u32 v1, v0  }
0x217: {  	v24 =	vld [tilespmem:s11+$0x6040]  }
0x218: {  	v25 =	vld [tilespmem:s11+$0x6050]  }
0x219: {  	v27 =	vld [tilespmem:s11+$0x6070]  }
0x21a: {  	v29 =	vld [tilespmem:s11+$0x6810]  }
0x21b: {  	v12 =	vimm.s32 $0x0;
	vm12 =	vgt.s32 v7, $0xFFFFFFFF;
	[tilespmem:v0+s30+$0x0] =	vst.idx.add.f32.msk vm0, v57  }
0x21c: {  	s15 =	sor.u32 $0x2C00, s1;
	vm14 =	vgt.s32 v59, $0xFFFFFFFF;
	v12 =	vsel vm12, $0xFFFFFFFF, v12;
	[tilespmem:v0+s31+$0x0] =	vst.idx.add.f32.msk vm0, v2;
	v0 =	vimm.s32 $0x0  }
0x21d: {  	v9 =	vimm.s32 $0x0;
	vm5 =	vgt.s32 v4, $0xFFFFFFFF;
	[tilespmem:$0x1FE30] =	vst v12;
	v12 =	vld [tilespmem:s15+$0x4000];
	v0 =	vsel vm14, $0xFFFFFFFF, v0  }
0x21e: {  	v30 =	vld [tilespmem:s11+$0x6820];
	v9 =	vsel vm5, $0xFFFFFFFF, v9;
	[tilespmem:$0x1FE50] =	vst v0;
	v0 =	vshll.u32 v59, $0x4  }
0x21f: {  	v32 =	vld [tilespmem:s11+$0x6840];
	vm15 =	vgt.s32 v60, $0xFFFFFFFF;
	[tilespmem:$0x1FE00] =	vst v9;
	v9 =	vor.u32 v1, v0;
	v0 =	vimm.s32 $0x0  }
0x220: {  	v10 =	vimm.s32 $0x0;
	v63 =	vld [tilespmem:s11+$0x6860];
	vm6 =	vgt.s32 v5, $0xFFFFFFFF;
	v0 =	vsel vm15, $0xFFFFFFFF, v0  }
0x221: {  	v8 =	vimm.s32 $0x0;
	v35 =	vld [tilespmem:s11+$0x6870];
	v10 =	vsel vm6, $0xFFFFFFFF, v10;
	[tilespmem:$0x1FE60] =	vst v0;
	v0 =	vshll.u32 v60, $0x4  }
0x222: {  	v36 =	vld [tilespmem:s25+$0x0];
	[tilespmem:$0x1FE10] =	vst v10;
	vm4 =	vgt.s32 v12, $0xFFFFFFFF;
	v10 =	vor.u32 v1, v0;
	v0 =	vimm.s32 $0x0  }
0x223: {  	v11 =	vimm.s32 $0x0;
	v37 =	vld [tilespmem:s26+$0x0];
	vm7 =	vgt.s32 v6, $0xFFFFFFFF;
	v0 =	vsel vm4, $0xFFFFFFFF, v0  }
0x224: {  	v61 =	vimm.s32 $0x0;
	s12 =	sor.u32 $0x2C40, s1;
	v38 =	vld [tilespmem:s7+$0x0];
	v11 =	vsel vm7, $0xFFFFFFFF, v11;
	[tilespmem:$0x1FE70] =	vst v0;
	v0 =	vshll.u32 v12, $0x4  }
0x225: {  	v16 =	vimm.s32 $0x0;
	vm1 =	vgt.s32 v3, $0xFFFFFFFF;
	[tilespmem:$0x1FE20] =	vst v11;
	v11 =	vor.u32 v1, v0;
	v0 =	vld [tilespmem:s12+$0x4000]  }
0x226: {  	v39 =	vld [tilespmem:s4+$0x0];
	vm13 =	vgt.s32 v58, $0xFFFFFFFF;
	v8 =	vsel vm1, $0xFFFFFFFF, v8;
	vm5 =	vgt.s32 v13, $0xFFFFFFFF  }
0x227: {  	v40 =	vld [tilespmem:s3+$0x0];
	vm6 =	vgt.s32 v14, $0xFFFFFFFF;
	vm7 =	vgt.s32 v15, $0xFFFFFFFF;
	v12 =	vimm.s32 $0x0  }
0x228: {  	s23 =	sor.u32 $0x2C60, s1;
	v41 =	vld [tilespmem:s17+$0x0];
	v15 =	vshll.u32 v15, $0x4;
	[tilespmem:$0x1FDF0] =	vst v8;
	v8 =	vsel vm13, $0xFFFFFFFF, v61;
	v12 =	vsel vm5, $0xFFFFFFFF, v12  }
0x229: {  	v16 =	vsel vm6, $0xFFFFFFFF, v16;
	vm13 =	vgt.s32 v18, $0xFFFFFFFF;
	[tilespmem:$0x1FE80] =	vst v12;
	v12 =	vshll.u32 v13, $0x4;
	v13 =	vld [tilespmem:s23+$0x4000]  }
0x22a: {  	v42 =	vld [tilespmem:s15+$0x0];
	[tilespmem:$0x1FE90] =	vst v16;
	v16 =	vimm.s32 $0x0;
	vm12 =	vgt.s32 v0, $0xFFFFFFFF;
	v0 =	vshll.u32 v0, $0x4  }
0x22b: {  	v43 =	vld [tilespmem:s13+$0x0];
	v16 =	vsel vm7, $0xFFFFFFFF, v16;
	v17 =	vor.u32 v1, v0;
	v0 =	vimm.s32 $0x0  }
0x22c: {  	v44 =	vld [tilespmem:s16+$0x0];
	[tilespmem:$0x1FEA0] =	vst v16;
	v16 =	vor.u32 v1, v15;
	v15 =	vimm.s32 $0x0;
	v0 =	vsel vm13, $0xFFFFFFFF, v0  }
0x22d: {  	v45 =	vld [tilespmem:s22+$0x0];
	v15 =	vsel vm12, $0xFFFFFFFF, v15;
	[tilespmem:$0x1FEC0] =	vst v0;
	v0 =	vshll.u32 v18, $0x4  }
0x22e: {  	v46 =	vld [tilespmem:s12+$0x0];
	vm14 =	vgt.s32 v13, $0xFFFFFFFF;
	v18 =	vor.u32 v1, v0;
	v0 =	vimm.s32 $0x0  }
0x22f: {  	v47 =	vld [tilespmem:s24+$0x0];
	[tilespmem:$0x1FEB0] =	vst v15;
	v0 =	vsel vm14, $0xFFFFFFFF, v0  }
0x230: {  	vm15 =	vgt.s32 v19, $0xFFFFFFFF;
	v15 =	vld [tilespmem:s11+$0x6030];
	[tilespmem:$0x1FED0] =	vst v0;
	v0 =	vshll.u32 v13, $0x4;
	v13 =	vimm.s32 $0x0  }
0x231: {  	v48 =	vld [tilespmem:s23+$0x0];
	v13 =	vsel vm15, $0xFFFFFFFF, v13  }
0x232: {  	v49 =	vld [tilespmem:s11+$0x2000];
	vm14 =	vgt.s32 v21, $0xFFFFFFFF;
	[tilespmem:$0x1FEE0] =	vst v13;
	v13 =	vshll.u32 v19, $0x4  }
0x233: {  	v22 =	vor.u32 v1, v0;
	v0 =	vshll.u32 v20, $0x4;
	v19 =	vor.u32 v1, v13;
	v13 =	vld [tilespmem:s11+$0x6060]  }
0x234: {  	v50 =	vld [tilespmem:s11+$0x2010];
	vm15 =	vgt.s32 v20, $0xFFFFFFFF;
	v20 =	vor.u32 v1, v0;
	v0 =	vshll.u32 v21, $0x4  }
0x235: {  	vm13 =	vgt.s32 v15, $0xFFFFFFFF;
	v21 =	vor.u32 v1, v0;
	v0 =	vshll.u32 v15, $0x4;
	v15 =	vld [tilespmem:s11+$0x6800]  }
0x236: {  	v51 =	vld [tilespmem:s11+$0x2020];
	vm10 =	vgt.s32 v25, $0xFFFFFFFF;
	v23 =	vor.u32 v1, v0;
	v0 =	vshll.u32 v24, $0x4  }
0x237: {  	v52 =	vld [tilespmem:s11+$0x2030];
	vm12 =	vgt.s32 v24, $0xFFFFFFFF;
	v24 =	vor.u32 v1, v0;
	v0 =	vshll.u32 v25, $0x4  }
0x238: {  	v25 =	vor.u32 v1, v0;
	vm8 =	vgt.s32 v13, $0xFFFFFFFF;
	v0 =	vshll.u32 v13, $0x4;
	v13 =	vld [tilespmem:s11+$0x6830]  }
0x239: {  	v53 =	vld [tilespmem:s11+$0x2040];
	vm7 =	vgt.s32 v27, $0xFFFFFFFF;
	v26 =	vor.u32 v1, v0;
	v0 =	vshll.u32 v27, $0x4  }
0x23a: {  	vm6 =	vgt.s32 v15, $0xFFFFFFFF;
	v27 =	vor.u32 v1, v0;
	v0 =	vshll.u32 v15, $0x4;
	v15 =	vld [tilespmem:s11+$0x6850]  }
0x23b: {  	v54 =	vld [tilespmem:s11+$0x2050];
	v28 =	vor.u32 v1, v0;
	v0 =	vshll.u32 v29, $0x4  }
0x23c: {  	v55 =	vld [tilespmem:s11+$0x2060];
	vm5 =	vgt.s32 v29, $0xFFFFFFFF;
	v29 =	vor.u32 v1, v0;
	v0 =	vshll.u32 v30, $0x4  }
0x23d: {  	v56 =	vld [tilespmem:s11+$0x2070];
	vm4 =	vgt.s32 v30, $0xFFFFFFFF;
	v30 =	vor.u32 v1, v0;
	v0 =	vshll.u32 v13, $0x4  }
0x23e: {  	v34 =	vld [tilespmem:s11+$0x2870];
	v62 =	vshll.u32 v58, $0x4;
	v31 =	vor.u32 v1, v0;
	v0 =	vshll.u32 v32, $0x4  }
0x23f: {  	vm2 =	vgt.s32 v32, $0xFFFFFFFF;
	v58 =	vld [tilespmem:s11+$0x2810];
	v32 =	vor.u32 v1, v0;
	v0 =	vshll.u32 v15, $0x4  }
0x240: {  	v61 =	vld [tilespmem:s11+$0x2840];
	[tilespmem:$0x1FE40] =	vst v8;
	v8 =	vor.u32 v1, v62;
	v33 =	vor.u32 v1, v0;
	v0 =	vshll.u32 v63, $0x4  }
0x241: {  	v62 =	vld [tilespmem:s11+$0x2850];
	vm1 =	vgt.s32 v15, $0xFFFFFFFF;
	v15 =	vor.u32 v1, v0;
	v0 =	vshll.u32 v35, $0x4  }
0x242: {  	vm3 =	vgt.s32 v13, $0xFFFFFFFF;
	v13 =	vor.u32 v1, v0;
	v0 =	vld [tilespmem:s14+$0x0]  }
0x243: {  	v57 =	vld [tilespmem:s11+$0x2800]  }
0x244: {  	v59 =	vld [tilespmem:s11+$0x2820]  }
0x245: {  	v60 =	vld [tilespmem:s11+$0x2830]  }
0x246: {  	vm9 =	vgt.s32 v63, $0xFFFFFFFF;
	v63 =	vld [tilespmem:s11+$0x2860]  }
0x247: {  	vm11 =	vgt.s32 v35, $0xFFFFFFFF;
	v35 =	vld [tilespmem:s18+$0x0];
	[tilespmem:$0x1FEF0] =	vst v0  }
0x248: {  	v0 =	vld [tilespmem:$0x1FDF0];
	_ =	sdelay $0x4  }
0x249: {  	v3 =	vshll.u32 v3, $0x4;
	vm0 =	vnez.u8 v0  }
0x24a: {  	v3 =	vor.u32 v1, v3;
	_ =	sdelay $0x3  }
0x24b: {  	v0 =	vld [tilespmem:$0x1FEF0]  }
0x24c: {  	[tilespmem:v3+s30+$0x0] =	vst.idx.add.f32.msk vm0, v36  }
0x24d: {  	[tilespmem:v3+s31+$0x0] =	vst.idx.add.f32.msk vm0, v2  }
0x24e: {  	v3 =	vld [tilespmem:$0x1FE00];
	_ =	sdelay $0x4  }
0x24f: {  	v4 =	vshll.u32 v4, $0x4;
	vm0 =	vnez.u8 v3  }
0x250: {  	v4 =	vor.u32 v1, v4  }
0x251: {  	v3 =	vld [tilespmem:$0x1FE10];
	_ =	sdelay $0x3  }
0x252: {  	[tilespmem:v4+s30+$0x0] =	vst.idx.add.f32.msk vm0, v37  }
0x253: {  	v5 =	vshll.u32 v5, $0x4;
	[tilespmem:v4+s31+$0x0] =	vst.idx.add.f32.msk vm0, v2;
	vm0 =	vnez.u8 v3  }
0x254: {  	v5 =	vor.u32 v1, v5  }
0x255: {  	v3 =	vld [tilespmem:$0x1FE20];
	_ =	sdelay $0x3  }
0x256: {  	[tilespmem:v5+s30+$0x0] =	vst.idx.add.f32.msk vm0, v38  }
0x257: {  	v6 =	vshll.u32 v6, $0x4;
	[tilespmem:v5+s31+$0x0] =	vst.idx.add.f32.msk vm0, v2;
	vm0 =	vnez.u8 v3  }
0x258: {  	v6 =	vor.u32 v1, v6  }
0x259: {  	v3 =	vld [tilespmem:$0x1FE30];
	_ =	sdelay $0x3  }
0x25a: {  	[tilespmem:v6+s30+$0x0] =	vst.idx.add.f32.msk vm0, v39  }
0x25b: {  	v7 =	vshll.u32 v7, $0x4;
	[tilespmem:v6+s31+$0x0] =	vst.idx.add.f32.msk vm0, v2;
	vm0 =	vnez.u8 v3  }
0x25c: {  	v7 =	vor.u32 v1, v7  }
0x25d: {  	v3 =	vld [tilespmem:$0x1FE40];
	_ =	sdelay $0x3  }
0x25e: {  	[tilespmem:v7+s30+$0x0] =	vst.idx.add.f32.msk vm0, v40  }
0x25f: {  	[tilespmem:v7+s31+$0x0] =	vst.idx.add.f32.msk vm0, v2;
	vm0 =	vnez.u8 v3;
	_ =	sdelay $0x1  }
0x260: {  	v3 =	vld [tilespmem:$0x1FE50];
	_ =	sdelay $0x3  }
0x261: {  	[tilespmem:v8+s30+$0x0] =	vst.idx.add.f32.msk vm0, v35  }
0x262: {  	[tilespmem:v8+s31+$0x0] =	vst.idx.add.f32.msk vm0, v2;
	vm0 =	vnez.u8 v3;
	_ =	sdelay $0x5  }
0x263: {  	[tilespmem:v9+s30+$0x0] =	vst.idx.add.f32.msk vm0, v0  }
0x264: {  	v0 =	vld [tilespmem:$0x1FE60];
	_ =	sdelay $0x4  }
0x265: {  	[tilespmem:v9+s31+$0x0] =	vst.idx.add.f32.msk vm0, v2;
	vm0 =	vnez.u8 v0;
	_ =	sdelay $0x1  }
0x266: {  	v0 =	vld [tilespmem:$0x1FE70];
	_ =	sdelay $0x3  }
0x267: {  	[tilespmem:v10+s30+$0x0] =	vst.idx.add.f32.msk vm0, v41  }
0x268: {  	[tilespmem:v10+s31+$0x0] =	vst.idx.add.f32.msk vm0, v2;
	vm0 =	vnez.u8 v0;
	_ =	sdelay $0x1  }
0x269: {  	v0 =	vld [tilespmem:$0x1FE80];
	_ =	sdelay $0x3  }
0x26a: {  	[tilespmem:v11+s30+$0x0] =	vst.idx.add.f32.msk vm0, v42  }
0x26b: {  	[tilespmem:v11+s31+$0x0] =	vst.idx.add.f32.msk vm0, v2;
	vm0 =	vnez.u8 v0  }
0x26c: {  	v12 =	vor.u32 v1, v12  }
0x26d: {  	v0 =	vld [tilespmem:$0x1FE90];
	_ =	sdelay $0x1  }
0x26e: {  	[tilespmem:v20+s30+$0x0] =	vst.idx.add.f32.msk vm15, v50  }
0x26f: {  	[tilespmem:v21+s30+$0x0] =	vst.idx.add.f32.msk vm14, v51  }
0x270: {  	[tilespmem:v12+s30+$0x0] =	vst.idx.add.f32.msk vm0, v43  }
0x271: {  	v14 =	vshll.u32 v14, $0x4;
	[tilespmem:v12+s31+$0x0] =	vst.idx.add.f32.msk vm0, v2;
	vm0 =	vnez.u8 v0  }
0x272: {  	v14 =	vor.u32 v1, v14;
	[tilespmem:v23+s30+$0x0] =	vst.idx.add.f32.msk vm13, v52  }
0x273: {  	v0 =	vld [tilespmem:$0x1FEA0]  }
0x274: {  	[tilespmem:v24+s30+$0x0] =	vst.idx.add.f32.msk vm12, v53  }
0x275: {  	[tilespmem:v25+s30+$0x0] =	vst.idx.add.f32.msk vm10, v54  }
0x276: {  	[tilespmem:v26+s30+$0x0] =	vst.idx.add.f32.msk vm8, v55  }
0x277: {  	[tilespmem:v14+s30+$0x0] =	vst.idx.add.f32.msk vm0, v44  }
0x278: {  	[tilespmem:v14+s31+$0x0] =	vst.idx.add.f32.msk vm0, v2;
	vm0 =	vnez.u8 v0  }
0x279: {  	[tilespmem:v27+s30+$0x0] =	vst.idx.add.f32.msk vm7, v56  }
0x27a: {  	v0 =	vld [tilespmem:$0x1FEB0]  }
0x27b: {  	[tilespmem:v28+s30+$0x0] =	vst.idx.add.f32.msk vm6, v57  }
0x27c: {  	[tilespmem:v29+s30+$0x0] =	vst.idx.add.f32.msk vm5, v58  }
0x27d: {  	[tilespmem:v30+s30+$0x0] =	vst.idx.add.f32.msk vm4, v59  }
0x27e: {  	[tilespmem:v16+s30+$0x0] =	vst.idx.add.f32.msk vm0, v45  }
0x27f: {  	[tilespmem:v16+s31+$0x0] =	vst.idx.add.f32.msk vm0, v2;
	vm0 =	vnez.u8 v0  }
0x280: {  	[tilespmem:v31+s30+$0x0] =	vst.idx.add.f32.msk vm3, v60  }
0x281: {  	v0 =	vld [tilespmem:$0x1FEC0]  }
0x282: {  	[tilespmem:v32+s30+$0x0] =	vst.idx.add.f32.msk vm2, v61  }
0x283: {  	[tilespmem:v33+s30+$0x0] =	vst.idx.add.f32.msk vm1, v62  }
0x284: {  	[tilespmem:v15+s30+$0x0] =	vst.idx.add.f32.msk vm9, v63  }
0x285: {  	[tilespmem:v17+s30+$0x0] =	vst.idx.add.f32.msk vm0, v46  }
0x286: {  	[tilespmem:v17+s31+$0x0] =	vst.idx.add.f32.msk vm0, v2;
	vm0 =	vnez.u8 v0  }
0x287: {  	[tilespmem:v20+s31+$0x0] =	vst.idx.add.f32.msk vm15, v2  }
0x288: {  	v0 =	vld [tilespmem:$0x1FED0]  }
0x289: {  	[tilespmem:v21+s31+$0x0] =	vst.idx.add.f32.msk vm14, v2  }
0x28a: {  	[tilespmem:v23+s31+$0x0] =	vst.idx.add.f32.msk vm13, v2  }
0x28b: {  	[tilespmem:v24+s31+$0x0] =	vst.idx.add.f32.msk vm12, v2  }
0x28c: {  	[tilespmem:v18+s30+$0x0] =	vst.idx.add.f32.msk vm0, v47  }
0x28d: {  	[tilespmem:v18+s31+$0x0] =	vst.idx.add.f32.msk vm0, v2;
	vm0 =	vnez.u8 v0  }
0x28e: {  	[tilespmem:v25+s31+$0x0] =	vst.idx.add.f32.msk vm10, v2  }
0x28f: {  	v0 =	vld [tilespmem:$0x1FEE0]  }
0x290: {  	[tilespmem:v26+s31+$0x0] =	vst.idx.add.f32.msk vm8, v2  }
0x291: {  	[tilespmem:v27+s31+$0x0] =	vst.idx.add.f32.msk vm7, v2  }
0x292: {  	[tilespmem:v28+s31+$0x0] =	vst.idx.add.f32.msk vm6, v2  }
0x293: {  	[tilespmem:v22+s30+$0x0] =	vst.idx.add.f32.msk vm0, v48  }
0x294: {  	[tilespmem:v22+s31+$0x0] =	vst.idx.add.f32.msk vm0, v2;
	vm0 =	vnez.u8 v0  }
0x295: {  	s20 =	sadd.s32 $0x20, s20;
	[tilespmem:v29+s31+$0x0] =	vst.idx.add.f32.msk vm5, v2  }
0x296: {  	p0 =	slt.u32 s20, $0x1E0;
	[tilespmem:v30+s31+$0x0] =	vst.idx.add.f32.msk vm4, v2  }
.Ltmp2:
0x297: {  	[tilespmem:v31+s31+$0x0] =	vst.idx.add.f32.msk vm3, v2;
	(pc) =	sbr.rel @p0 .LBB2_7-.Ltmp2, $4  }
0x298: {  	[tilespmem:v32+s31+$0x0] =	vst.idx.add.f32.msk vm2, v2  }
0x299: {  	[tilespmem:v33+s31+$0x0] =	vst.idx.add.f32.msk vm1, v2  }
0x29a: {  	[tilespmem:v19+s30+$0x0] =	vst.idx.add.f32.msk vm0, v49  }
0x29b: {  	s21 =	sadd.s32 $0x200, s21;
	[tilespmem:v19+s31+$0x0] =	vst.idx.add.f32.msk vm0, v2  }
0x29c: {  	_ = 	snop  }
0x29d: {  	s10 =	sadd.s32 $0x1, s10  }
0x29e: {  	p0 =	sne.s32 s10, $0x10  }
.Ltmp3:
0x29f: {  	_ = 	snop;
	(pc) =	sbr.rel @p0 .LBB2_4-.Ltmp3, $4  }
0x2a0: {  	_ = 	snop  }
0x2a1: {  	[tilespmem:v15+s31+$0x0] =	vst.idx.add.f32.msk vm9, v2  }
0x2a2: {  	[tilespmem:v13+s30+$0x0] =	vst.idx.add.f32.msk vm11, v34  }
0x2a3: {  	[tilespmem:v13+s31+$0x0] =	vst.idx.add.f32.msk vm11, v2  }
0x2a4: {  	s9 =	simm.s32 $0xFFFFFFFC;
	s10 =	simm.s32 $0x18020  }
0x2a5: {  	s19 =	simm.s32 $0x18820;
	s20 =	simm.s32 $0x10200;
	s21 =	simm.s32 $0x8200  }
.LBB2_10:
0x2a6: {  	v0 =	vld [tilespmem:s21+$0xFFFFFE00]  }
0x2a7: {  	v3 =	vld [tilespmem:s20+$0xFFFFFE00]  }
0x2a8: {  	v4 =	vld [tilespmem:s21+$0xFFFFFE10]  }
0x2a9: {  	v5 =	vld [tilespmem:s20+$0xFFFFFE10]  }
0x2aa: {  	v6 =	vld [tilespmem:s21+$0xFFFFFE20]  }
0x2ab: {  	(xrf2) =	vadd.scan.msk.f32 $0xffff, v0;
	v0 =	vld [tilespmem:s20+$0xFFFFFE20]  }
0x2ac: {  	(xrf2) =	vadd.scan.msk.f32 $0xffff, v3;
	v3 =	vld [tilespmem:s21+$0xFFFFFE30]  }
0x2ad: {  	v58 =	vld [tilespmem:s20+$0xFFFFFE30];
	(xrf2) =	vadd.scan.msk.f32 $0xffff, v4  }
0x2ae: {  	v59 =	vld [tilespmem:s21+$0xFFFFFE40];
	(xrf2) =	vadd.scan.msk.f32 $0xffff, v5  }
0x2af: {  	v60 =	vld [tilespmem:s20+$0xFFFFFE40];
	(xrf2) =	vadd.scan.msk.f32 $0xffff, v6  }
0x2b0: {  	(xrf2) =	vadd.scan.msk.f32 $0xffff, v0;
	v0 =	vld [tilespmem:s21+$0xFFFFFE50]  }
0x2b1: {  	(xrf2) =	vadd.scan.msk.f32 $0xffff, v3;
	v3 =	vld [tilespmem:s20+$0xFFFFFE50]  }
0x2b2: {  	v61 =	vld [tilespmem:s21+$0xFFFFFE60];
	(xrf2) =	vadd.scan.msk.f32 $0xffff, v58  }
0x2b3: {  	v62 =	vld [tilespmem:s20+$0xFFFFFE60];
	(xrf2) =	vadd.scan.msk.f32 $0xffff, v59  }
0x2b4: {  	v63 =	vld [tilespmem:s21+$0xFFFFFE70];
	(xrf2) =	vadd.scan.msk.f32 $0xffff, v60  }
0x2b5: {  	v9, _, _ =	vpop (xrf2);
	(xrf2) =	vadd.scan.msk.f32 $0xffff, v0;
	v0 =	vld [tilespmem:s20+$0xFFFFFE70]  }
0x2b6: {  	v10, _, _ =	vpop (xrf2);
	(xrf2) =	vadd.scan.msk.f32 $0xffff, v3;
	v3 =	vld [tilespmem:s21+$0xFFFFFE80]  }
0x2b7: {  	v13 =	vld [tilespmem:s20+$0xFFFFFE80];
	v12, _, _ =	vpop (xrf2);
	(xrf2) =	vadd.scan.msk.f32 $0xffff, v61  }
0x2b8: {  	v14 =	vld [tilespmem:s21+$0xFFFFFE90];
	v18, _, _ =	vpop (xrf2);
	(xrf2) =	vadd.scan.msk.f32 $0xffff, v62  }
0x2b9: {  	v15 =	vld [tilespmem:s20+$0xFFFFFE90];
	v44, _, _ =	vpop (xrf2);
	(xrf2) =	vadd.scan.msk.f32 $0xffff, v63  }
0x2ba: {  	v45, _, _ =	vpop (xrf2);
	(xrf2) =	vadd.scan.msk.f32 $0xffff, v0;
	v0 =	vld [tilespmem:s21+$0xFFFFFEA0]  }
0x2bb: {  	v24, _, _ =	vpop (xrf2);
	(xrf2) =	vadd.scan.msk.f32 $0xffff, v3;
	v3 =	vld [tilespmem:s20+$0xFFFFFEA0]  }
0x2bc: {  	v16 =	vld [tilespmem:s21+$0xFFFFFEB0];
	v26, _, _ =	vpop (xrf2);
	(xrf2) =	vadd.scan.msk.f32 $0xffff, v13  }
0x2bd: {  	v17 =	vld [tilespmem:s20+$0xFFFFFEB0];
	v25, _, _ =	vpop (xrf2);
	(xrf2) =	vadd.scan.msk.f32 $0xffff, v14  }
0x2be: {  	v19 =	vld [tilespmem:s21+$0xFFFFFEC0];
	v43, _, _ =	vpop (xrf2);
	(xrf2) =	vadd.scan.msk.f32 $0xffff, v15  }
0x2bf: {  	v27, _, _ =	vpop (xrf2);
	(xrf2) =	vadd.scan.msk.f32 $0xffff, v0;
	v0 =	vld [tilespmem:s20+$0xFFFFFEC0]  }
0x2c0: {  	v28, _, _ =	vpop (xrf2);
	(xrf2) =	vadd.scan.msk.f32 $0xffff, v3;
	v3 =	vld [tilespmem:s21+$0xFFFFFED0]  }
0x2c1: {  	v20 =	vld [tilespmem:s20+$0xFFFFFED0];
	v34, _, _ =	vpop (xrf2);
	(xrf2) =	vadd.scan.msk.f32 $0xffff, v16  }
0x2c2: {  	v21 =	vld [tilespmem:s21+$0xFFFFFEE0];
	v33, _, _ =	vpop (xrf2);
	(xrf2) =	vadd.scan.msk.f32 $0xffff, v17  }
0x2c3: {  	v22 =	vld [tilespmem:s20+$0xFFFFFEE0];
	v37, _, _ =	vpop (xrf2);
	(xrf2) =	vadd.scan.msk.f32 $0xffff, v19  }
0x2c4: {  	v39, _, _ =	vpop (xrf2);
	(xrf2) =	vadd.scan.msk.f32 $0xffff, v0;
	v0 =	vld [tilespmem:s21+$0xFFFFFEF0]  }
0x2c5: {  	v38, _, _ =	vpop (xrf2);
	(xrf2) =	vadd.scan.msk.f32 $0xffff, v3;
	v3 =	vld [tilespmem:s20+$0xFFFFFEF0]  }
0x2c6: {  	v23 =	vld [tilespmem:s21+$0xFFFFFF00];
	v42, _, _ =	vpop (xrf2);
	(xrf2) =	vadd.scan.msk.f32 $0xffff, v20  }
0x2c7: {  	v46 =	vld [tilespmem:s20+$0xFFFFFF00];
	v40, _, _ =	vpop (xrf2);
	(xrf2) =	vadd.scan.msk.f32 $0xffff, v21  }
0x2c8: {  	v47 =	vld [tilespmem:s21+$0xFFFFFF10];
	v36, _, _ =	vpop (xrf2);
	(xrf2) =	vadd.scan.msk.f32 $0xffff, v22  }
0x2c9: {  	v41, _, _ =	vpop (xrf2);
	(xrf2) =	vadd.scan.msk.f32 $0xffff, v0;
	v0 =	vld [tilespmem:s20+$0xFFFFFF10]  }
0x2ca: {  	v35, _, _ =	vpop (xrf2);
	(xrf2) =	vadd.scan.msk.f32 $0xffff, v3;
	v3 =	vld [tilespmem:s21+$0xFFFFFF20]  }
0x2cb: {  	v48 =	vld [tilespmem:s20+$0xFFFFFF20];
	v29, _, _ =	vpop (xrf2);
	(xrf2) =	vadd.scan.msk.f32 $0xffff, v23  }
0x2cc: {  	v49 =	vld [tilespmem:s21+$0xFFFFFF30];
	v31, _, _ =	vpop (xrf2);
	(xrf2) =	vadd.scan.msk.f32 $0xffff, v46  }
0x2cd: {  	v50 =	vld [tilespmem:s20+$0xFFFFFF30];
	v30, _, _ =	vpop (xrf2);
	(xrf2) =	vadd.scan.msk.f32 $0xffff, v47  }
0x2ce: {  	v32, _, _ =	vpop (xrf2);
	(xrf2) =	vadd.scan.msk.f32 $0xffff, v0;
	v0 =	vld [tilespmem:s21+$0xFFFFFF40]  }
0x2cf: {  	v7 =	vld [tilespmem:s20+$0xFFFFFF40];
	v19, _, _ =	vpop (xrf2);
	(xrf2) =	vadd.scan.msk.f32 $0xffff, v3  }
0x2d0: {  	v8 =	vld [tilespmem:s21+$0xFFFFFF50];
	v15, _, _ =	vpop (xrf2);
	(xrf2) =	vadd.scan.msk.f32 $0xffff, v48  }
0x2d1: {  	v51 =	vld [tilespmem:s20+$0xFFFFFF50];
	v20, _, _ =	vpop (xrf2);
	(xrf2) =	vadd.scan.msk.f32 $0xffff, v49  }
0x2d2: {  	v52 =	vld [tilespmem:s21+$0xFFFFFF60];
	v13, _, _ =	vpop (xrf2);
	(xrf2) =	vadd.scan.msk.f32 $0xffff, v50  }
0x2d3: {  	v3, _, _ =	vpop (xrf2);
	(xrf2) =	vadd.scan.msk.f32 $0xffff, v0;
	v0 =	vld [tilespmem:s20+$0xFFFFFF60]  }
0x2d4: {  	v53 =	vld [tilespmem:s21+$0xFFFFFF70];
	v4, _, _ =	vpop (xrf2);
	(xrf2) =	vadd.scan.msk.f32 $0xffff, v7  }
0x2d5: {  	v54 =	vld [tilespmem:s20+$0xFFFFFF70];
	v21, _, _ =	vpop (xrf2);
	(xrf2) =	vadd.scan.msk.f32 $0xffff, v8  }
0x2d6: {  	v55 =	vld [tilespmem:s21+$0xFFFFFF80];
	v16, _, _ =	vpop (xrf2);
	(xrf2) =	vadd.scan.msk.f32 $0xffff, v51  }
0x2d7: {  	v56 =	vld [tilespmem:s20+$0xFFFFFF80];
	v22, _, _ =	vpop (xrf2);
	(xrf2) =	vadd.scan.msk.f32 $0xffff, v52  }
0x2d8: {  	v17, _, _ =	vpop (xrf2);
	(xrf2) =	vadd.scan.msk.f32 $0xffff, v0;
	v0 =	vld [tilespmem:s21+$0xFFFFFF90]  }
0x2d9: {  	v11 =	vld [tilespmem:s20+$0xFFFFFF90];
	v23, _, _ =	vpop (xrf2);
	(xrf2) =	vadd.scan.msk.f32 $0xffff, v53  }
0x2da: {  	v46 =	vld [tilespmem:s21+$0xFFFFFFA0];
	v14, _, _ =	vpop (xrf2);
	(xrf2) =	vadd.scan.msk.f32 $0xffff, v54  }
0x2db: {  	v47 =	vld [tilespmem:s20+$0xFFFFFFA0];
	v7, _, _ =	vpop (xrf2);
	(xrf2) =	vadd.scan.msk.f32 $0xffff, v55  }
0x2dc: {  	v48 =	vld [tilespmem:s21+$0xFFFFFFB0];
	v5, _, _ =	vpop (xrf2);
	(xrf2) =	vadd.scan.msk.f32 $0xffff, v56  }
0x2dd: {  	v8, _, _ =	vpop (xrf2);
	(xrf2) =	vadd.scan.msk.f32 $0xffff, v0;
	v0 =	vld [tilespmem:s20+$0xFFFFFFB0]  }
0x2de: {  	v12 =	vbroadcast v12, $0xF;
	v49 =	vld [tilespmem:s21+$0xFFFFFFC0];
	v6, _, _ =	vpop (xrf2);
	(xrf2) =	vadd.scan.msk.f32 $0xffff, v11  }
0x2df: {  	v57 =	vld [tilespmem:s20+$0xFFFFFFC0];
	v18 =	vbroadcast v18, $0xF;
	v11, _, _ =	vpop (xrf2);
	(xrf2) =	vadd.scan.msk.f32 $0xffff, v46  }
0x2e0: {  	v58 =	vld [tilespmem:s21+$0xFFFFFFD0];
	v50 =	vbroadcast v9, $0xF;
	v9, _, _ =	vpop (xrf2);
	(xrf2) =	vadd.scan.msk.f32 $0xffff, v47  }
0x2e1: {  	vm7 =	vmmov $0x1;
	vm0 =	vmmov $0x3;
	v59 =	vld [tilespmem:s20+$0xFFFFFFD0];
	v51 =	vbroadcast v10, $0xF;
	v10, _, _ =	vpop (xrf2);
	(xrf2) =	vadd.scan.msk.f32 $0xffff, v48  }
0x2e2: {  	vm6 =	vmmov $0x7;
	v26 =	vbroadcast v26, $0xF;
	v50 =	vsel vm7, v50, v12;
	v12, _, _ =	vpop (xrf2);
	(xrf2) =	vadd.scan.msk.f32 $0xffff, v0;
	v0 =	vld [tilespmem:s21+$0xFFFFFFE0]  }
0x2e3: {  	vm1 =	vmmov $0xf;
	v60 =	vld [tilespmem:s20+$0xFFFFFFE0];
	v45 =	vbroadcast v45, $0xF;
	v51 =	vsel vm7, v51, v18;
	v18, _, _ =	vpop (xrf2);
	(xrf2) =	vadd.scan.msk.f32 $0xffff, v49  }
0x2e4: {  	vm3 =	vmmov $0x1f;
	v62 =	vld [tilespmem:s21+$0xFFFFFFF0];
	v44 =	vbroadcast v44, $0xF;
	v61 =	vbroadcast v24, $0xF;
	v24, _, _ =	vpop (xrf2);
	(xrf2) =	vadd.scan.msk.f32 $0xffff, v57  }
0x2e5: {  	vm2 =	vmmov $0x3f;
	v63 =	vbroadcast v25, $0xF;
	v52 =	vld [tilespmem:s20+$0xFFFFFFF0];
	v45 =	vsel vm0, v51, v45;
	v25, _, _ =	vpop (xrf2);
	(xrf2) =	vadd.scan.msk.f32 $0xffff, v58  }
0x2e6: {  	v34 =	vbroadcast v34, $0xF;
	v44 =	vsel vm0, v50, v44;
	v53 =	vld [tilespmem:s21+$0x0];
	v45 =	vsel vm6, v45, v26;
	v26, _, _ =	vpop (xrf2);
	(xrf2) =	vadd.scan.msk.f32 $0xffff, v59  }
0x2e7: {  	vm4 =	vmmov $0x7f;
	v44 =	vsel vm6, v44, v61;
	v54 =	vbroadcast v27, $0xF;
	v27, _, _ =	vpop (xrf2);
	(xrf2) =	vadd.scan.msk.f32 $0xffff, v0;
	v0 =	vld [tilespmem:s20+$0x0]  }
0x2e8: {  	v43 =	vbroadcast v43, $0xF;
	v44 =	vsel vm1, v44, v63;
	v55 =	vbroadcast v28, $0xF;
	v56 =	vld [tilespmem:s21+$0x10];
	v28, _, _ =	vpop (xrf2);
	(xrf2) =	vadd.scan.msk.f32 $0xffff, v60  }
0x2e9: {  	v39 =	vbroadcast v39, $0xF;
	v44 =	vsel vm3, v44, v54;
	v57 =	vbroadcast v33, $0xF;
	v58 =	vld [tilespmem:s20+$0x10];
	v33, _, _ =	vpop (xrf2);
	(xrf2) =	vadd.scan.msk.f32 $0xffff, v62  }
0x2ea: {  	vm8 =	vmmov $0xff;
	v43 =	vsel vm1, v45, v43;
	v44 =	vsel vm2, v44, v34;
	v59 =	vld [tilespmem:s21+$0x20];
	v34, _, _ =	vpop (xrf2);
	(xrf2) =	vadd.scan.msk.f32 $0xffff, v52  }
0x2eb: {  	vm5 =	vmmov $0x1ff;
	v61 =	vld [tilespmem:s20+$0x20];
	v43 =	vsel vm3, v43, v55;
	v60 =	vbroadcast v37, $0xF;
	v37, _, _ =	vpop (xrf2);
	(xrf2) =	vadd.scan.msk.f32 $0xffff, v53  }
0x2ec: {  	vm9 =	vmmov $0x3ff;
	v43 =	vsel vm2, v43, v57;
	v62 =	vbroadcast v38, $0xF;
	v38, _, _ =	vpop (xrf2);
	(xrf2) =	vadd.scan.msk.f32 $0xffff, v0;
	v0 =	vld [tilespmem:s21+$0x30]  }
0x2ed: {  	vm11 =	vmmov $0x7ff;
	v41 =	vbroadcast v41, $0xF;
	v63 =	vld [tilespmem:s20+$0x30];
	v43 =	vsel vm4, v43, v39;
	v39, _, _ =	vpop (xrf2);
	(xrf2) =	vadd.scan.msk.f32 $0xffff, v56  }
0x2ee: {  	v42 =	vbroadcast v42, $0xF;
	v44 =	vsel vm4, v44, v60;
	v52 =	vbroadcast v40, $0xF;
	v53 =	vld [tilespmem:s21+$0x40];
	v40, _, _ =	vpop (xrf2);
	(xrf2) =	vadd.scan.msk.f32 $0xffff, v58  }
0x2ef: {  	vm10 =	vmmov $0xfff;
	v54 =	vbroadcast v36, $0xF;
	v55 =	vld [tilespmem:s20+$0x40];
	v44 =	vsel vm8, v44, v62;
	v36, _, _ =	vpop (xrf2);
	(xrf2) =	vadd.scan.msk.f32 $0xffff, v59  }
0x2f0: {  	v57 =	vld [tilespmem:s21+$0x50];
	v42 =	vsel vm8, v43, v42;
	v43 =	vsel vm5, v44, v52;
	v56 =	vbroadcast v35, $0xF;
	v35, _, _ =	vpop (xrf2);
	(xrf2) =	vadd.scan.msk.f32 $0xffff, v61  }
0x2f1: {  	v32 =	vbroadcast v32, $0xF;
	v20 =	vbroadcast v20, $0xF;
	v43 =	vsel vm9, v43, v41;
	v41, _, _ =	vpop (xrf2);
	(xrf2) =	vadd.scan.msk.f32 $0xffff, v0;
	v0 =	vld [tilespmem:s20+$0x50]  }
0x2f2: {  	vm12 =	vmmov $0x1fff;
	v21 =	vbroadcast v21, $0xF;
	v60 =	vld [tilespmem:s21+$0x60];
	v59 =	vbroadcast v31, $0xF;
	v31, _, _ =	vpop (xrf2);
	(xrf2) =	vadd.scan.msk.f32 $0xffff, v63  }
0x2f3: {  	vm13 =	vmmov $0x3fff;
	v22 =	vbroadcast v22, $0xF;
	v62 =	vld [tilespmem:s20+$0x60];
	v58 =	vbroadcast v29, $0xF;
	v29, _, _ =	vpop (xrf2);
	(xrf2) =	vadd.scan.msk.f32 $0xffff, v53  }
0x2f4: {  	v17 =	vbroadcast v17, $0xF;
	v42 =	vsel vm5, v42, v54;
	v61 =	vbroadcast v30, $0xF;
	v63 =	vld [tilespmem:s21+$0x70];
	v30, _, _ =	vpop (xrf2);
	(xrf2) =	vadd.scan.msk.f32 $0xffff, v55  }
0x2f5: {  	v52 =	vbroadcast v19, $0xF;
	v42 =	vsel vm9, v42, v56;
	v43 =	vsel vm11, v43, v58;
	v53 =	vld [tilespmem:s20+$0x70];
	v19, _, _ =	vpop (xrf2);
	(xrf2) =	vadd.scan.msk.f32 $0xffff, v57  }
0x2f6: {  	v54 =	vbroadcast v15, $0xF;
	v42 =	vsel vm11, v42, v59;
	v43 =	vsel vm10, v43, v61;
	v15, _, _ =	vpop (xrf2);
	(xrf2) =	vadd.scan.msk.f32 $0xffff, v0;
	v0 =	vld [tilespmem:s21+$0x80]  }
0x2f7: {  	v56 =	vld [tilespmem:s20+$0x80];
	v32 =	vsel vm10, v42, v32;
	v42 =	vsel vm12, v43, v52;
	v55 =	vbroadcast v13, $0xF;
	v13, _, _ =	vpop (xrf2);
	(xrf2) =	vadd.scan.msk.f32 $0xffff, v60  }
0x2f8: {  	v23 =	vbroadcast v23, $0xF;
	v58 =	vbroadcast v16, $0xF;
	v42 =	vsel vm13, v42, v20;
	v57 =	vld [tilespmem:s21+$0x90];
	v20, _, _ =	vpop (xrf2);
	(xrf2) =	vadd.scan.msk.f32 $0xffff, v62  }
0x2f9: {  	v21 =	vsel vm7, v21, v22;
	v59 =	vld [tilespmem:s20+$0x90];
	v16, _, _ =	vpop (xrf2);
	(xrf2) =	vadd.scan.msk.f32 $0xffff, v63  }
0x2fa: {  	v14 =	vbroadcast v14, $0xF;
	v7 =	vbroadcast v7, $0xF;
	v17 =	vsel vm7, v58, v17;
	v60 =	vld [tilespmem:s21+$0xA0];
	v48, _, _ =	vpop (xrf2);
	(xrf2) =	vadd.scan.msk.f32 $0xffff, v53  }
0x2fb: {  	vm14 =	vmmov $0x7fff;
	v21 =	vsel vm0, v21, v23;
	v8 =	vbroadcast v8, $0xF;
	v22, _, _ =	vpop (xrf2);
	(xrf2) =	vadd.scan.msk.f32 $0xffff, v0;
	v0 =	vld [tilespmem:s20+$0xA0]  }
0x2fc: {  	v7 =	vsel vm6, v21, v7;
	v11 =	vbroadcast v11, $0xF;
	v61 =	vld [tilespmem:s21+$0xB0];
	v14 =	vsel vm0, v17, v14;
	v23, _, _ =	vpop (xrf2);
	(xrf2) =	vadd.scan.msk.f32 $0xffff, v56  }
0x2fd: {  	v5 =	vbroadcast v5, $0xF;
	v6 =	vbroadcast v6, $0xF;
	v7 =	vsel vm1, v7, v8;
	v62 =	vld [tilespmem:s20+$0xB0];
	v17, _, _ =	vpop (xrf2);
	(xrf2) =	vadd.scan.msk.f32 $0xffff, v57  }
0x2fe: {  	v51 =	vsel vm3, v7, v11;
	v49 =	vbroadcast v9, $0xF;
	v44 =	vbroadcast v34, $0xF;
	v63 =	vld [tilespmem:s21+$0xC0];
	v21, _, _ =	vpop (xrf2);
	(xrf2) =	vadd.scan.msk.f32 $0xffff, v59  }
0x2ff: {  	v50 =	vld [tilespmem:s20+$0xC0];
	v45 =	vbroadcast v37, $0xF;
	v47 =	vbroadcast v38, $0xF;
	v5 =	vsel vm6, v14, v5;
	v14, _, _ =	vpop (xrf2);
	(xrf2) =	vadd.scan.msk.f32 $0xffff, v60  }
0x300: {  	v36 =	vbroadcast v36, $0xF;
	v32 =	vsel vm12, v32, v54;
	v52 =	vbroadcast v10, $0xF;
	v11, _, _ =	vpop (xrf2);
	(xrf2) =	vadd.scan.msk.f32 $0xffff, v0;
	v0 =	vld [tilespmem:s21+$0xD0]  }
0x301: {  	v54 =	vbroadcast v18, $0xF;
	v32 =	vsel vm13, v32, v55;
	v55 =	vld [tilespmem:s20+$0xD0];
	v53 =	vbroadcast v12, $0xF;
	v12, _, _ =	vpop (xrf2);
	(xrf2) =	vadd.scan.msk.f32 $0xffff, v61  }
0x302: {  	v58 =	vld [tilespmem:s21+$0xE0];
	v43 =	vbroadcast v33, $0xF;
	v5 =	vsel vm1, v5, v6;
	v57 =	vbroadcast v25, $0xF;
	v25, _, _ =	vpop (xrf2);
	(xrf2) =	vadd.scan.msk.f32 $0xffff, v62  }
0x303: {  	v6 =	vsel vm2, v51, v52;
	v52 =	vbroadcast v40, $0xF;
	v59 =	vbroadcast v26, $0xF;
	v60 =	vld [tilespmem:s20+$0xE0];
	v26, _, _ =	vpop (xrf2);
	(xrf2) =	vadd.scan.msk.f32 $0xffff, v63  }
0x304: {  	v6 =	vsel vm4, v6, v54;
	v54 =	vbroadcast v35, $0xF;
	v56 =	vbroadcast v24, $0xF;
	v62 =	vld [tilespmem:s21+$0xF0];
	v24, _, _ =	vpop (xrf2);
	(xrf2) =	vadd.scan.msk.f32 $0xffff, v50  }
0x305: {  	v5 =	vsel vm3, v5, v49;
	v19 =	vbroadcast v19, $0xF;
	v63 =	vbroadcast v28, $0xF;
	v28, _, _ =	vpop (xrf2);
	(xrf2) =	vadd.scan.msk.f32 $0xffff, v0;
	v0 =	vld [tilespmem:s20+$0xF0]  }
0x306: {  	v46 =	vld [tilespmem:s21+$0x100];
	v4 =	vsel vm14, v32, v4;
	v15 =	vbroadcast v15, $0xF;
	v5 =	vsel vm2, v5, v53;
	v34, _, _ =	vpop (xrf2);
	(xrf2) =	vadd.scan.msk.f32 $0xffff, v55  }
0x307: {  	v49 =	vld [tilespmem:s20+$0x100];
	v37 =	vbroadcast v22, $0xF;
	v5 =	vsel vm4, v5, v56;
	v61 =	vbroadcast v27, $0xF;
	v27, _, _ =	vpop (xrf2);
	(xrf2) =	vadd.scan.msk.f32 $0xffff, v58  }
0x308: {  	v51 =	vld [tilespmem:s21+$0x110];
	v56 =	vbroadcast v31, $0xF;
	v6 =	vsel vm8, v6, v57;
	v5 =	vsel vm8, v5, v59;
	v33, _, _ =	vpop (xrf2);
	(xrf2) =	vadd.scan.msk.f32 $0xffff, v60  }
0x309: {  	v53 =	vld [tilespmem:s20+$0x110];
	v14 =	vbroadcast v14, $0xF;
	v11 =	vbroadcast v11, $0xF;
	v6 =	vsel vm5, v6, v61;
	v38, _, _ =	vpop (xrf2);
	(xrf2) =	vadd.scan.msk.f32 $0xffff, v62  }
0x30a: {  	v6 =	vsel vm9, v6, v43;
	v50 =	vbroadcast v39, $0xF;
	v5 =	vsel vm5, v5, v63;
	v39, _, _ =	vpop (xrf2);
	(xrf2) =	vadd.scan.msk.f32 $0xffff, v0;
	v0 =	vld [tilespmem:s21+$0x120]  }
0x30b: {  	v57 =	vld [tilespmem:s20+$0x120];
	v61 =	vbroadcast v20, $0xF;
	v6 =	vsel vm11, v6, v45;
	v5 =	vsel vm9, v5, v44;
	v31, _, _ =	vpop (xrf2);
	(xrf2) =	vadd.scan.msk.f32 $0xffff, v46  }
0x30c: {  	v63 =	vbroadcast v16, $0xF;
	v5 =	vsel vm11, v5, v47;
	v58 =	vld [tilespmem:s21+$0x130];
	v60 =	vbroadcast v13, $0xF;
	v32, _, _ =	vpop (xrf2);
	(xrf2) =	vadd.scan.msk.f32 $0xffff, v49  }
0x30d: {  	v59 =	vld [tilespmem:s20+$0x130];
	v6 =	vsel vm10, v6, v50;
	v55 =	vbroadcast v41, $0xF;
	v5 =	vsel vm10, v5, v52;
	v35, _, _ =	vpop (xrf2);
	(xrf2) =	vadd.scan.msk.f32 $0xffff, v51  }
0x30e: {  	v6 =	vsel vm12, v6, v36;
	v5 =	vsel vm12, v5, v54;
	v62 =	vld [tilespmem:s21+$0x140];
	v10 =	vsel vm7, v19, v60;
	v20, _, _ =	vpop (xrf2);
	(xrf2) =	vadd.scan.msk.f32 $0xffff, v53  }
0x30f: {  	v12 =	vbroadcast v12, $0xF;
	v6 =	vsel vm13, v6, v55;
	v8 =	vsel vm13, v5, v56;
	v16, _, _ =	vpop (xrf2);
	(xrf2) =	vadd.scan.msk.f32 $0xffff, v0;
	v0 =	vld [tilespmem:s20+$0x140]  }
0x310: {  	v40 =	vld [tilespmem:s21+$0x150];
	v5 =	vsel vm14, v6, v29;
	v6 =	vsel vm14, v8, v30;
	v8 =	vsel vm0, v10, v63;
	v19, _, _ =	vpop (xrf2);
	(xrf2) =	vadd.scan.msk.f32 $0xffff, v57  }
0x311: {  	v3 =	vsel vm14, v42, v3;
	v42 =	vld [tilespmem:s20+$0x150];
	v45 =	vbroadcast v21, $0xF;
	v41 =	vbroadcast v23, $0xF;
	v10, _, _ =	vpop (xrf2);
	(xrf2) =	vadd.scan.msk.f32 $0xffff, v58  }
0x312: {  	v44 =	vbroadcast v17, $0xF;
	v52 =	vbroadcast v24, $0xF;
	v46 =	vld [tilespmem:s21+$0x160];
	v9, _, _ =	vpop (xrf2);
	(xrf2) =	vadd.scan.msk.f32 $0xffff, v59  }
0x313: {  	v47 =	vld [tilespmem:s20+$0x160];
	v55 =	vbroadcast v28, $0xF;
	v30 =	vbroadcast v48, $0xF;
	v43 =	vsel vm6, v8, v37;
	v8, _, _ =	vpop (xrf2);
	(xrf2) =	vadd.scan.msk.f32 $0xffff, v62  }
0x314: {  	v13 =	vsel vm7, v15, v61;
	v56 =	vbroadcast v34, $0xF;
	v48 =	vbroadcast v25, $0xF;
	v7, _, _ =	vpop (xrf2);
	(xrf2) =	vadd.scan.msk.f32 $0xffff, v0;
	v0 =	vld [tilespmem:s21+$0x170]  }
0x315: {  	v50 =	vld [tilespmem:s20+$0x170];
	v34 =	vbroadcast v39, $0xF;
	v13 =	vsel vm0, v13, v30;
	v15 =	vsel vm1, v43, v44;
	v49, _, _ =	vpop (xrf2);
	(xrf2) =	vadd.scan.msk.f32 $0xffff, v40  }
0x316: {  	v54 =	vld [tilespmem:s21+$0x180];
	v51 =	vbroadcast v26, $0xF;
	v13 =	vsel vm6, v13, v41;
	v14 =	vsel vm3, v15, v14;
	v53, _, _ =	vpop (xrf2);
	(xrf2) =	vadd.scan.msk.f32 $0xffff, v42  }
0x317: {  	v39 =	vbroadcast v32, $0xF;
	v13 =	vsel vm1, v13, v45;
	v12 =	vsel vm2, v14, v12;
	v58 =	vld [tilespmem:s20+$0x180];
	v57, _, _ =	vpop (xrf2);
	(xrf2) =	vadd.scan.msk.f32 $0xffff, v46  }
0x318: {  	v61 =	vld [tilespmem:s21+$0x190];
	v20 =	vbroadcast v20, $0xF;
	v11 =	vsel vm3, v13, v11;
	v12 =	vsel vm4, v12, v51;
	v60, _, _ =	vpop (xrf2);
	(xrf2) =	vadd.scan.msk.f32 $0xffff, v47  }
0x319: {  	v16 =	vbroadcast v16, $0xF;
	v11 =	vsel vm2, v11, v48;
	v48 =	vbroadcast v35, $0xF;
	v63, _, _ =	vpop (xrf2);
	(xrf2) =	vadd.scan.msk.f32 $0xffff, v0;
	v0 =	vld [tilespmem:s20+$0x190]  }
0x31a: {  	v37 =	vld [tilespmem:s21+$0x1A0];
	v12 =	vsel vm8, v12, v55;
	v19 =	vbroadcast v19, $0xF;
	v59 =	vbroadcast v27, $0xF;
	v36, _, _ =	vpop (xrf2);
	(xrf2) =	vadd.scan.msk.f32 $0xffff, v50  }
0x31b: {  	v41 =	vld [tilespmem:s20+$0x1A0];
	v11 =	vsel vm4, v11, v52;
	v10 =	vbroadcast v10, $0xF;
	v62 =	vbroadcast v33, $0xF;
	v40, _, _ =	vpop (xrf2);
	(xrf2) =	vadd.scan.msk.f32 $0xffff, v54  }
0x31c: {  	v45 =	vld [tilespmem:s21+$0x1B0];
	v11 =	vsel vm8, v11, v56;
	v33 =	vbroadcast v38, $0xF;
	v38 =	vbroadcast v31, $0xF;
	v44, _, _ =	vpop (xrf2);
	(xrf2) =	vadd.scan.msk.f32 $0xffff, v58  }
0x31d: {  	v9 =	vbroadcast v9, $0xF;
	v12 =	vsel vm5, v12, v59;
	v11 =	vsel vm5, v11, v62;
	v47 =	vld [tilespmem:s20+$0x1B0];
	v46, _, _ =	vpop (xrf2);
	(xrf2) =	vadd.scan.msk.f32 $0xffff, v61  }
0x31e: {  	v12 =	vsel vm9, v12, v33;
	v42 =	vbroadcast v49, $0xF;
	v11 =	vsel vm9, v11, v34;
	v49, _, _ =	vpop (xrf2);
	(xrf2) =	vadd.scan.msk.f32 $0xffff, v0;
	v0 =	vld [tilespmem:s21+$0x1C0]  }
0x31f: {  	v52 =	vld [tilespmem:s20+$0x1C0];
	v12 =	vsel vm11, v12, v38;
	v24 =	vbroadcast v53, $0xF;
	v11 =	vsel vm11, v11, v39;
	v51, _, _ =	vpop (xrf2);
	(xrf2) =	vadd.scan.msk.f32 $0xffff, v37  }
0x320: {  	v56 =	vld [tilespmem:s21+$0x1D0];
	v12 =	vsel vm10, v12, v48;
	v43 =	vbroadcast v57, $0xF;
	v11 =	vsel vm10, v11, v20;
	v55, _, _ =	vpop (xrf2);
	(xrf2) =	vadd.scan.msk.f32 $0xffff, v41  }
0x321: {  	v59 =	vld [tilespmem:s20+$0x1D0];
	v12 =	vsel vm12, v12, v16;
	v18 =	vbroadcast v60, $0xF;
	v11 =	vsel vm12, v11, v19;
	v58, _, _ =	vpop (xrf2);
	(xrf2) =	vadd.scan.msk.f32 $0xffff, v45  }
0x322: {  	v10 =	vsel vm13, v12, v10;
	v14 =	vsel vm7, v42, v43;
	v50 =	vbroadcast v63, $0xF;
	v61 =	vld [tilespmem:s21+$0x1E0];
	v60, _, _ =	vpop (xrf2);
	(xrf2) =	vadd.scan.msk.f32 $0xffff, v47  }
0x323: {  	v9 =	vsel vm13, v11, v9;
	v8 =	vsel vm14, v10, v8;
	v53 =	vbroadcast v36, $0xF;
	v63, _, _ =	vpop (xrf2);
	(xrf2) =	vadd.scan.msk.f32 $0xffff, v0;
	v0 =	vld [tilespmem:s20+$0x1E0]  }
0x324: {  	v18 =	vsel vm7, v24, v18;
	v54 =	vbroadcast v40, $0xF;
	v14 =	vsel vm0, v14, v50;
	v28, _, _ =	vpop (xrf2);
	(xrf2) =	vadd.scan.msk.f32 $0xffff, v52  }
0x325: {  	v33 =	vld [tilespmem:s21+$0x1F0];
	v57 =	vbroadcast v44, $0xF;
	v13 =	vsel vm0, v18, v53;
	v62 =	vbroadcast v46, $0xF;
	v32, _, _ =	vpop (xrf2);
	(xrf2) =	vadd.scan.msk.f32 $0xffff, v56  }
0x326: {  	v36 =	vld [tilespmem:s20+$0x1F0];
	v14 =	vsel vm6, v14, v54;
	v15 =	vbroadcast v49, $0xF;
	v30 =	vbroadcast v51, $0xF;
	v35, _, _ =	vpop (xrf2);
	(xrf2) =	vadd.scan.msk.f32 $0xffff, v59  }
0x327: {  	v13 =	vsel vm6, v13, v57;
	v14 =	vsel vm1, v14, v62;
	v31 =	vbroadcast v55, $0xF;
	v37, _, _ =	vpop (xrf2);
	(xrf2) =	vadd.scan.msk.f32 $0xffff, v61  }
0x328: {  	v13 =	vsel vm1, v13, v15;
	v14 =	vsel vm3, v14, v30;
	v34 =	vbroadcast v58, $0xF;
	v39, _, _ =	vpop (xrf2);
	(xrf2) =	vadd.scan.msk.f32 $0xffff, v0  }
0x329: {  	v13 =	vsel vm3, v13, v31;
	v18 =	vbroadcast v60, $0xF;
	v38 =	vbroadcast v63, $0xF;
	v0, _, _ =	vpop (xrf2)  }
0x32a: {  	v14 =	vsel vm2, v14, v34;
	v16 =	vbroadcast v28, $0xF;
	v40 =	vbroadcast v32, $0xF;
	(xrf2) =	vadd.scan.msk.f32 $0xffff, v33;
	v41, _, _ =	vpop (xrf2)  }
0x32b: {  	v13 =	vsel vm2, v13, v18;
	v14 =	vsel vm4, v14, v38;
	v17 =	vbroadcast v35, $0xF;
	v44, _, _ =	vpop (xrf2);
	(xrf2) =	vadd.scan.msk.f32 $0xffff, v36  }
0x32c: {  	v42 =	vsel vm4, v13, v16;
	v43 =	vsel vm8, v14, v40;
	v46 =	vbroadcast v37, $0xF;
	v45, _, _ =	vpop (xrf2)  }
0x32d: {  	v12 =	vsel vm8, v42, v17;
	v48 =	vbroadcast v39, $0xF;
	v0 =	vbroadcast v0, $0xF;
	v47, _, _ =	vpop (xrf2)  }
0x32e: {  	v11 =	vsel vm5, v43, v46;
	v50 =	vbroadcast v41, $0xF;
	v14 =	vbroadcast v44, $0xF;
	v49, _, _ =	vpop (xrf2)  }
0x32f: {  	v10 =	vsel vm5, v12, v48;
	v0 =	vsel vm9, v11, v0;
	v52 =	vbroadcast v45, $0xF;
	v51, _, _ =	vpop (xrf2)  }
0x330: {  	[tilespmem:s10+$0xFFFFFFE0] =	vst v3;
	v3 =	vsel vm9, v10, v50;
	v0 =	vsel vm11, v0, v14;
	v54 =	vbroadcast v47, $0xF;
	v53, _, _ =	vpop (xrf2)  }
0x331: {  	s9 =	sadd.s32 $0x4, s9;
	[tilespmem:s19+$0xFFFFFFE0] =	vst v4;
	v3 =	vsel vm11, v3, v52;
	v56 =	vbroadcast v49, $0xF;
	v57 =	vbroadcast v51, $0xF;
	v55, _, _ =	vpop (xrf2)  }
0x332: {  	p0 =	slt.u32 s9, $0x7C;
	[tilespmem:s10+$0xFFFFFFF0] =	vst v5;
	v0 =	vsel vm10, v0, v54;
	v59 =	vbroadcast v53, $0xF;
	v58, _, _ =	vpop (xrf2);
	v60 =	vbroadcast v55, $0xF  }
.Ltmp4:
0x333: {  	[tilespmem:s19+$0xFFFFFFF0] =	vst v6;
	v3 =	vsel vm10, v3, v56;
	v0 =	vsel vm12, v0, v57;
	v61 =	vbroadcast v58, $0xF;
	(pc) =	sbr.rel @p0 .LBB2_10-.Ltmp4, $4  }
0x334: {  	v7 =	vsel vm14, v9, v7;
	[tilespmem:s10+$0x0] =	vst v8;
	v62, _, _ =	vpop (xrf2);
	v3 =	vsel vm12, v3, v59;
	v0 =	vsel vm13, v0, v60  }
0x335: {  	[tilespmem:s19+$0x0] =	vst v7;
	v3 =	vsel vm13, v3, v61;
	v63, _, _ =	vpop (xrf2);
	v0 =	vsel vm14, v0, v62  }
0x336: {  	s21 =	sadd.s32 $0x400, s21;
	v3 =	vsel vm14, v3, v63;
	[tilespmem:s10+$0x10] =	vst v0  }
0x337: {  	s20 =	sadd.s32 $0x400, s20;
	s10 =	sadd.s32 $0x40, s10;
	[tilespmem:s19+$0x10] =	vst v3;
	s19 =	sadd.s32 $0x40, s19  }
0x338: {  	s1 =	rddreg [dreg:$0x9]  }
0x339: {  	s2 =	simm.s32 $0x80;
	s3 =	simm.s32 $0x400;
	s4 =	simm.s32 $0x18000  }
0x33a: {  	[spmem:s1] =	stream.strided.scatter [tilespmem:s4], [sflag:$0x3], $0x800, s3, s2, $0x38;
	[tilespmem:$0x1B200] =	vst v63  }
0x33b: {  	s4 =	simm.s32 $0x3  }
0x33c: {  	_ =	swait.ge [sflag:s4], $0x800  }
0x33d: {  	[sflag:s4] =	ssyncset.done $0x0  }
0x33e: {  	s5 =	simm.s32 $0x18800;
	s6 =	rddreg [dreg:$0xa];
	[sflag:s4] =	ssyncadd.s32 $0xFFFFF800  }
0x33f: {  	[spmem:s6] =	stream.strided.scatter [tilespmem:s5], [sflag:$0x3], $0x800, s3, s2, $0x38;
	[tilespmem:$0x1B200] =	vst v63  }
0x340: {  	_ =	swait.ge [sflag:s4], $0x800  }
0x341: {  	[sflag:s4] =	ssyncset.done $0x0  }
0x342: {  	[sflag:s4] =	ssyncadd.s32 $0xFFFFF800  }
0x343: {  	[bflag:$0x0] =	sbarrier.arrive $0xFFFF  }
0x344: {  	s9 =	simm.s32 $0x1A000;
	s7 =	rddreg [dreg:$0xb]  }
0x345: {  	[tilespmem:s9], [sflag:$0x3] =	stream.linear.gather [spmem:s7], $0x80, $0x38;
	[tilespmem:$0x1B200] =	vst v63  }
0x346: {  	s11 =	simm.s32 $0x1A200;
	s10 =	rddreg [dreg:$0x15]  }
0x347: {  	[tilespmem:s11], [sflag:$0x3] =	stream.linear.gather [spmem:s10], $0x80, $0x38;
	[tilespmem:$0x1B200] =	vst v63  }
0x348: {  	s13 =	simm.s32 $0x1A400;
	s12 =	rddreg [dreg:$0x16]  }
0x349: {  	[tilespmem:s13], [sflag:$0x3] =	stream.linear.gather [spmem:s12], $0x80, $0x38;
	[tilespmem:$0x1B200] =	vst v63  }
0x34a: {  	s15 =	simm.s32 $0x1A600;
	s14 =	rddreg [dreg:$0x17]  }
0x34b: {  	[tilespmem:s15], [sflag:$0x3] =	stream.linear.gather [spmem:s14], $0x80, $0x38;
	[tilespmem:$0x1B200] =	vst v63  }
0x34c: {  	_ =	swait.ge [sflag:s4], $0x200  }
0x34d: {  	[sflag:s4] =	ssyncset.done $0x0  }
0x34e: {  	s17 =	simm.s32 $0x1A800;
	s16 =	rddreg [dreg:$0xc];
	[sflag:s4] =	ssyncadd.s32 $0xFFFFFE00  }
0x34f: {  	[tilespmem:s17], [sflag:$0x3] =	stream.linear.gather [spmem:s16], $0x80, $0x38;
	[tilespmem:$0x1B200] =	vst v63  }
0x350: {  	s19 =	simm.s32 $0x1AA00;
	s18 =	rddreg [dreg:$0x18]  }
0x351: {  	[tilespmem:s19], [sflag:$0x3] =	stream.linear.gather [spmem:s18], $0x80, $0x38;
	[tilespmem:$0x1B200] =	vst v63  }
0x352: {  	s21 =	simm.s32 $0x1AC00;
	s20 =	rddreg [dreg:$0x19]  }
0x353: {  	[tilespmem:s21], [sflag:$0x3] =	stream.linear.gather [spmem:s20], $0x80, $0x38;
	[tilespmem:$0x1B200] =	vst v63  }
0x354: {  	s23 =	simm.s32 $0x1AE00;
	s22 =	rddreg [dreg:$0x1a]  }
0x355: {  	[tilespmem:s23], [sflag:$0x3] =	stream.linear.gather [spmem:s22], $0x80, $0x38;
	[tilespmem:$0x1B200] =	vst v63  }
0x356: {  	_ =	swait.ge [sflag:s4], $0x200  }
0x357: {  	[sflag:s4] =	ssyncset.done $0x0  }
0x358: {  	s25 =	simm.s32 $0x1A080;
	s24 =	rddreg [dreg:$0xd];
	[sflag:s4] =	ssyncadd.s32 $0xFFFFFE00  }
0x359: {  	[tilespmem:s25], [sflag:$0x3] =	stream.linear.gather [spmem:s24], $0x80, $0x38;
	[tilespmem:$0x1B200] =	vst v63  }
0x35a: {  	s28 =	simm.s32 $0x1A280;
	s26 =	rddreg [dreg:$0x1b]  }
0x35b: {  	[tilespmem:s28], [sflag:$0x3] =	stream.linear.gather [spmem:s26], $0x80, $0x38;
	[tilespmem:$0x1B200] =	vst v63  }
0x35c: {  	s3 =	simm.s32 $0x1A480;
	s2 =	rddreg [dreg:$0x1c]  }
0x35d: {  	[tilespmem:s3], [sflag:$0x3] =	stream.linear.gather [spmem:s2], $0x80, $0x38;
	[tilespmem:$0x1B200] =	vst v63  }
0x35e: {  	s6 =	simm.s32 $0x1A680;
	s5 =	rddreg [dreg:$0x1d]  }
0x35f: {  	[tilespmem:s6], [sflag:$0x3] =	stream.linear.gather [spmem:s5], $0x80, $0x38;
	[tilespmem:$0x1B200] =	vst v63  }
0x360: {  	_ =	swait.ge [sflag:s4], $0x200  }
0x361: {  	[sflag:s4] =	ssyncset.done $0x0;
	s7 =	rddreg [dreg:$0xe]  }
0x362: {  	s9 =	simm.s32 $0x1A880;
	s10 =	rddreg [dreg:$0x1e];
	[sflag:s4] =	ssyncadd.s32 $0xFFFFFE00  }
0x363: {  	[tilespmem:s9], [sflag:$0x3] =	stream.linear.gather [spmem:s7], $0x80, $0x38;
	[tilespmem:$0x1B200] =	vst v63  }
0x364: {  	s11 =	simm.s32 $0x1AA80;
	s12 =	rddreg [dreg:$0x1f]  }
0x365: {  	[tilespmem:s11], [sflag:$0x3] =	stream.linear.gather [spmem:s10], $0x80, $0x38;
	[tilespmem:$0x1B200] =	vst v63  }
0x366: {  	s13 =	simm.s32 $0x1AC80;
	s14 =	sld [smem:$0x7F1]  }
0x367: {  	[tilespmem:s13], [sflag:$0x3] =	stream.linear.gather [spmem:s12], $0x80, $0x38;
	[tilespmem:$0x1B200] =	vst v63  }
0x368: {  	s15 =	simm.s32 $0x1AE80  }
0x369: {  	[tilespmem:s15], [sflag:$0x3] =	stream.linear.gather [spmem:s14], $0x80, $0x38;
	[tilespmem:$0x1B200] =	vst v63  }
0x36a: {  	_ =	swait.ge [sflag:s4], $0x200  }
0x36b: {  	[sflag:s4] =	ssyncset.done $0x0;
	s16 =	rddreg [dreg:$0xf]  }
0x36c: {  	s17 =	simm.s32 $0x1A100;
	s18 =	sld [smem:$0x7F2];
	[sflag:s4] =	ssyncadd.s32 $0xFFFFFE00  }
0x36d: {  	[tilespmem:s17], [sflag:$0x3] =	stream.linear.gather [spmem:s16], $0x80, $0x38;
	[tilespmem:$0x1B200] =	vst v63  }
0x36e: {  	s19 =	simm.s32 $0x1A300;
	s20 =	sld [smem:$0x7F3]  }
0x36f: {  	[tilespmem:s19], [sflag:$0x3] =	stream.linear.gather [spmem:s18], $0x80, $0x38;
	[tilespmem:$0x1B200] =	vst v63  }
0x370: {  	s21 =	simm.s32 $0x1A500;
	s22 =	sld [smem:$0x7F4]  }
0x371: {  	[tilespmem:s21], [sflag:$0x3] =	stream.linear.gather [spmem:s20], $0x80, $0x38;
	[tilespmem:$0x1B200] =	vst v63  }
0x372: {  	s23 =	simm.s32 $0x1A700  }
0x373: {  	[tilespmem:s23], [sflag:$0x3] =	stream.linear.gather [spmem:s22], $0x80, $0x38;
	[tilespmem:$0x1B200] =	vst v63  }
0x374: {  	_ =	swait.ge [sflag:s4], $0x200  }
0x375: {  	[sflag:s4] =	ssyncset.done $0x0;
	s24 =	rddreg [dreg:$0x10]  }
0x376: {  	s25 =	simm.s32 $0x1A900;
	s26 =	sld [smem:$0x7F5];
	[sflag:s4] =	ssyncadd.s32 $0xFFFFFE00  }
0x377: {  	[tilespmem:s25], [sflag:$0x3] =	stream.linear.gather [spmem:s24], $0x80, $0x38;
	[tilespmem:$0x1B200] =	vst v63  }
0x378: {  	s28 =	simm.s32 $0x1AB00;
	s2 =	sld [smem:$0x7F6]  }
0x379: {  	[tilespmem:s28], [sflag:$0x3] =	stream.linear.gather [spmem:s26], $0x80, $0x38;
	[tilespmem:$0x1B200] =	vst v63  }
0x37a: {  	s3 =	simm.s32 $0x1AD00;
	s5 =	sld [smem:$0x7F7]  }
0x37b: {  	[tilespmem:s3], [sflag:$0x3] =	stream.linear.gather [spmem:s2], $0x80, $0x38;
	[tilespmem:$0x1B200] =	vst v63  }
0x37c: {  	s6 =	simm.s32 $0x1AF00  }
0x37d: {  	[tilespmem:s6], [sflag:$0x3] =	stream.linear.gather [spmem:s5], $0x80, $0x38;
	[tilespmem:$0x1B200] =	vst v63  }
0x37e: {  	_ =	swait.ge [sflag:s4], $0x200  }
0x37f: {  	[sflag:s4] =	ssyncset.done $0x0;
	s7 =	rddreg [dreg:$0x11]  }
0x380: {  	s9 =	simm.s32 $0x1A180;
	s10 =	sld [smem:$0x7F8];
	[sflag:s4] =	ssyncadd.s32 $0xFFFFFE00  }
0x381: {  	[tilespmem:s9], [sflag:$0x3] =	stream.linear.gather [spmem:s7], $0x80, $0x38;
	[tilespmem:$0x1B200] =	vst v63  }
0x382: {  	s11 =	simm.s32 $0x1A380;
	s12 =	sld [smem:$0x7F9]  }
0x383: {  	[tilespmem:s11], [sflag:$0x3] =	stream.linear.gather [spmem:s10], $0x80, $0x38;
	[tilespmem:$0x1B200] =	vst v63  }
0x384: {  	s13 =	simm.s32 $0x1A580;
	s14 =	sld [smem:$0x7FA]  }
0x385: {  	[tilespmem:s13], [sflag:$0x3] =	stream.linear.gather [spmem:s12], $0x80, $0x38;
	[tilespmem:$0x1B200] =	vst v63  }
0x386: {  	s15 =	simm.s32 $0x1A780  }
0x387: {  	[tilespmem:s15], [sflag:$0x3] =	stream.linear.gather [spmem:s14], $0x80, $0x38;
	[tilespmem:$0x1B200] =	vst v63  }
0x388: {  	_ =	swait.ge [sflag:s4], $0x200  }
0x389: {  	[sflag:s4] =	ssyncset.done $0x0;
	s16 =	rddreg [dreg:$0x12]  }
0x38a: {  	s17 =	simm.s32 $0x1A980;
	s18 =	sld [smem:$0x7FB];
	[sflag:s4] =	ssyncadd.s32 $0xFFFFFE00  }
0x38b: {  	[tilespmem:s17], [sflag:$0x3] =	stream.linear.gather [spmem:s16], $0x80, $0x38;
	[tilespmem:$0x1B200] =	vst v63  }
0x38c: {  	s19 =	simm.s32 $0x1AB80;
	s20 =	sld [smem:$0x7FC]  }
0x38d: {  	[tilespmem:s19], [sflag:$0x3] =	stream.linear.gather [spmem:s18], $0x80, $0x38;
	[tilespmem:$0x1B200] =	vst v63  }
0x38e: {  	s21 =	simm.s32 $0x1AD80;
	s22 =	sld [smem:$0x7FD]  }
0x38f: {  	[tilespmem:s21], [sflag:$0x3] =	stream.linear.gather [spmem:s20], $0x80, $0x38;
	[tilespmem:$0x1B200] =	vst v63  }
0x390: {  	p0 =	por $0x0, $0x0;
	s1 =	simm.s32 $0x1;
	s23 =	simm.s32 $0x1AF80  }
0x391: {  	[tilespmem:s23], [sflag:$0x3] =	stream.linear.gather [spmem:s22], $0x80, $0x38;
	[tilespmem:$0x1B200] =	vst v63  }
0x392: {  	s1 =	simm.s32 @!p0 $0x0;
	s9 =	simm.s32 $0x0;
	_ =	swait.ge [sflag:s4], $0x200  }
0x393: {  	s24 =	sor.u32 s9, s9;
	s7 =	sand.u32 $0x40, s9;
	[sflag:s4] =	ssyncset.done $0x0  }
0x394: {  	s25 =	sor.u32 $0x180, s24;
	s16 =	sand.u32 $0x600, s9;
	[sflag:s4] =	ssyncadd.s32 $0xFFFFFE00  }
0x395: {  	s1 =	sshll.u32 s1, $0x6;
	s6 =	sor.u32 s7, s16;
	v3 =	vld [tilespmem:s25+$0x1A800]  }
0x396: {  	s1 =	sadd.s32 $0x0, s1;
	v0 =	vld [tilespmem:s6+$0x1A800]  }
0x397: {  	s26 =	sor.u32 $0x100, s1;
	s10 =	sor.u32 $0x20, s7;
	v6 =	vld [tilespmem:s6+$0x1A880]  }
0x398: {  	s14 =	sor.u32 s16, s10;
	v4 =	vld [tilespmem:s26+$0x1A800]  }
0x399: {  	s17 =	sadd.s32 $0x20, s1;
	v5 =	vld [tilespmem:s14+$0x1A800]  }
0x39a: {  	s19 =	sor.u32 $0x10, s7;
	s21 =	sor.u32 $0x180, s17;
	v7 =	vld [tilespmem:s14+$0x1A880]  }
0x39b: {  	s11 =	sadd.s32 $0x30, s1;
	s13 =	sor.u32 s16, s19;
	v8 =	vld [tilespmem:s21+$0x1A800]  }
0x39c: {  	s1 =	sadd.s32 $0x10, s1;
	s22 =	sor.u32 $0x180, s11;
	v9 =	vld [tilespmem:s13+$0x1A880]  }
0x39d: {  	v31 =	vimm.f32 $0.0e+00;
	s12 =	sor.u32 $0x180, s1;
	v10 =	vld [tilespmem:s22+$0x1A800]  }
0x39e: {  	s20 =	sor.u32 $0x30, s7;
	v13 =	vld [tilespmem:s12+$0x1A800];
	v11 =	vmax.f32 v3, $1.000000000e+00;
	vm0 =	vgt.f32 v0, $0.0e+00;
	v12 =	vmax.f32 v6, $1.000000000e+00  }
0x39f: {  	s7 =	sor.u32 s16, s20;
	v0 =	vmax.f32 v0, $1.000000000e+00;
	v14 =	vmax.f32 v4, $1.000000000e+00;
	v15 =	vmax.f32 v5, $1.000000000e+00  }
0x3a0: {  	s15 =	sor.u32 $0x100, s1;
	v17 =	vld [tilespmem:s7+$0x1A880];
	vm3 =	vgt.f32 v5, $0.0e+00;
	vm1 =	vgt.f32 v7, $0.0e+00;
	v7 =	vmax.f32 v7, $1.000000000e+00  }
0x3a1: {  	s11 =	sor.u32 $0x100, s11;
	v5 =	vld [tilespmem:s15+$0x1A800];
	v18 =	vmax.f32 v8, $1.000000000e+00;
	vm2 =	vgt.f32 v8, $0.0e+00;
	(erf) = vrcp.f32 v12  }
0x3a2: {  	v8 =	vmax.f32 v9, $1.000000000e+00;
	vm4 =	vgt.f32 v9, $0.0e+00;
	v12 =	vld [tilespmem:s11+$0x1A800];
	(erf) = vrcp.f32 v0  }
0x3a3: {  	s28 =	sor.u32 $0x100, s17;
	v9 =	vmax.f32 v13, $1.000000000e+00;
	v19 =	vmax.f32 v10, $1.000000000e+00;
	(erf) = vrcp.f32 v7;
	v7 =	vld [tilespmem:s7+$0x1A800]  }
0x3a4: {  	vm13 =	vgt.f32 v13, $0.0e+00;
	v16 =	vsel vm1, $0x3F800000, v31;
	vm1 =	vgt.f32 v10, $0.0e+00;
	v10 =	vld [tilespmem:s28+$0x1A800]  }
0x3a5: {  	v13 =	vsel vm13, $0x3F800000, v31;
	(erf) = vrcp.f32 v15;
	v15 =	vsel vm4, $0x3F800000, v31  }
0x3a6: {  	v0 =	vld [tilespmem:s13+$0x1A800];
	(erf) = vrcp.f32 v9;
	v9 =	vsel vm3, $0x3F800000, v31;
	vm3 =	vgt.f32 v17, $0.0e+00  }
0x3a7: {  	vm14 =	vgt.f32 v5, $0.0e+00;
	(erf) = vrcp.f32 v8;
	v8 =	vmax.f32 v5, $1.000000000e+00  }
0x3a8: {  	v20 =	vmax.f32 v12, $1.000000000e+00;
	(erf) = vrcp.f32 v8;
	v8 =	vmax.f32 v7, $1.000000000e+00  }
0x3a9: {  	v22 =	vmax.f32 v10, $1.000000000e+00;
	v23 =	vsel vm14, $0x3F800000, v31;
	vm6 =	vgt.f32 v10, $0.0e+00  }
0x3aa: {  	v5 =	vld [tilespmem:s14+$0x1A080];
	v9 =	vadd.f32 v16, v9;
	v16 =	vsel vm2, $0x3F800000, v31;
	vm2 =	vgt.f32 v12, $0.0e+00  }
0x3ab: {  	v21 =	vmax.f32 v0, $1.000000000e+00;
	vm5 =	vgt.f32 v0, $0.0e+00;
	(erf) = vrcp.f32 v8;
	v8 =	vpop (erf)  }
0x3ac: {  	v24 =	vld [tilespmem:s6+$0x1A000];
	vm15 =	vgt.f32 v7, $0.0e+00;
	v7 =	vmax.f32 v17, $1.000000000e+00;
	v17 =	vpop (erf);
	(erf) = vrcp.f32 v11  }
0x3ad: {  	v25 =	vld [tilespmem:s13+$0x1A000];
	v10 =	vsel vm6, $0x3F800000, v31;
	v62 =	vsel vm2, $0x3F800000, v31;
	v0 =	vpop (erf);
	(erf) = vrcp.f32 v22  }
0x3ae: {  	v9 =	vadd.f32 v10, v9;
	v11 =	vld [tilespmem:s14+$0x1A000];
	v22 =	vsel vm15, $0x3F800000, v31;
	(erf) = vrcp.f32 v14  }
0x3af: {  	v0 =	vmul.f32 v0, v5;
	v5 =	vsel vm3, $0x3F800000, v31;
	v14 =	vld [tilespmem:s6+$0x1A080];
	(erf) = vrcp.f32 v21  }
0x3b0: {  	v10 =	vld [tilespmem:s13+$0x1A080];
	v16 =	vadd.f32 v16, v9;
	v9 =	vsel vm1, $0x3F800000, v31;
	v21 =	vpop (erf);
	v5 =	vadd.f32 v5, v22  }
0x3b1: {  	v26 =	vld [tilespmem:s28+$0x1A000];
	vm1 =	vgt.f32 v6, $0.0e+00;
	v12 =	vmul.f32 v17, v24;
	v17 =	vsel vm5, $0x3F800000, v31;
	v22 =	vpop (erf)  }
0x3b2: {  	v29 =	vld [tilespmem:s7+$0x1A000];
	v15 =	vadd.f32 v15, v17;
	(erf) = vrcp.f32 v7;
	v27 =	vpop (erf);
	v5 =	vadd.f32 v62, v5  }
0x3b3: {  	v30 =	vld [tilespmem:s12+$0x1A000];
	v16 =	vmax.f32 v16, $1.000000000e+00;
	v11 =	vmul.f32 v21, v11;
	(erf) = vrcp.f32 v20;
	v28 =	vpop (erf)  }
0x3b4: {  	v63 =	vld [tilespmem:s15+$0x1A000];
	v7 =	vpop (erf);
	v5 =	vadd.f32 v9, v5;
	v9 =	vmul.f32 v8, v14;
	v14 =	vadd.f32 v23, v15  }
0x3b5: {  	v21 =	vadd.f32 $0.0e+00, v12;
	v11 =	vadd.f32 $0.0e+00, v11;
	v8 =	vmul.f32 v27, v10;
	v12 =	vpop (erf)  }
0x3b6: {  	v6 =	vld [tilespmem:s26+$0x1A000];
	v17 =	vmax.f32 v5, $1.000000000e+00;
	(erf) = vrcp.f32 v18;
	v20 =	vadd.f32 v13, v14;
	v10 =	vpop (erf)  }
0x3b7: {  	v15 =	vld [tilespmem:s25+$0x1A000];
	v0 =	vadd.f32 v0, v11;
	v18 =	vmul.f32 v7, v29;
	v11 =	vmul.f32 v10, v26;
	v13 =	vpop (erf)  }
0x3b8: {  	p0 =	por !p0, !p0;
	s24 =	simm.s32 $0x0;
	v5 =	vld [tilespmem:s11+$0x1A000];
	v7 =	vmul.f32 v22, v30;
	(erf) = vrcp.f32 v19;
	v10 =	vadd.f32 v9, v21;
	v14 =	vpop (erf)  }
0x3b9: {  	s23 =	simm.s32 $0x0;
	s25 =	simm.s32 $0x100;
	s11 =	simm.s32 $0x40;
	v19 =	vld [tilespmem:s7+$0x1A080];
	v9 =	vmul.f32 v28, v63;
	v14 =	vmul.f32 v14, v25;
	v11 =	vadd.f32 v11, v0  }
.LBB2_12:
0x3ba: {  	s1 =	simm.s32 $0x1  }
0x3bb: {  	s4 =	sand.u32 $0x40, s11;
	s14 =	sand.u32 $0x600, s25;
	v0 =	vsel vm0, $0x3F800000, v31;
	v21 =	vsel vm1, $0x3F800000, v31;
	v20 =	vmax.f32 v20, $1.000000000e+00;
	s1 =	simm.s32 @!p0 $0x0  }
0x3bc: {  	s3 =	sor.u32 s25, s11;
	vm0 =	vgt.f32 v4, $0.0e+00;
	s17 =	sor.u32 $0x20, s4;
	v0 =	vadd.f32 v21, v0;
	s1 =	sshll.u32 s1, $0x6;
	v21 =	vld [tilespmem:s21+$0x1A000];
	v4 =	vpop (erf);
	(erf) = vrcp.f32 v17  }
0x3bd: {  	s12 =	sor.u32 $0x180, s3;
	s26 =	sor.u32 $0x10, s4;
	s7 =	sor.u32 s14, s17;
	v17 =	vsel vm0, $0x3F800000, v31;
	v12 =	vmul.f32 v12, v15;
	vm0 =	vgt.f32 v3, $0.0e+00;
	v15 =	vld [tilespmem:s22+$0x1A000];
	v22 =	vpop (erf)  }
0x3be: {  	s3 =	sor.u32 s4, s14;
	s6 =	sor.u32 $0x30, s4;
	s1 =	sadd.s32 s1, s25;
	v0 =	vadd.f32 v17, v0;
	v17 =	vadd.f32 $0.0e+00, v18;
	v4 =	vmul.f32 v4, v19;
	v3 =	vld [tilespmem:s12+$0x1A800]  }
0x3bf: {  	s4 =	sor.u32 s14, s26;
	v19 =	vsel vm0, $0x3F800000, v31;
	s13 =	sor.u32 $0x100, s1;
	s15 =	sadd.s32 $0x30, s1;
	v13 =	vmul.f32 v13, v6;
	v18 =	vld [tilespmem:s3+$0x1A800];
	(erf) = vrcp.f32 v20;
	v20 =	vpop (erf)  }
0x3c0: {  	s24 =	sadd.s32 $0x4, s24;
	v5 =	vmul.f32 v22, v5;
	s28 =	sor.u32 $0x100, s15;
	v0 =	vadd.f32 v19, v0;
	v17 =	vadd.f32 v4, v17;
	v6 =	vld [tilespmem:s3+$0x1A880]  }
0x3c1: {  	v14 =	vadd.f32 $0.0e+00, v14;
	p1 =	slt.u32 s24, $0x1C;
	s16 =	sadd.s32 $0x10, s1;
	s1 =	sadd.s32 $0x20, s1;
	v4 =	vld [tilespmem:s13+$0x1A800];
	v19 =	vmul.f32 v20, v21;
	(erf) = vrcp.f32 v16;
	v16 =	vpop (erf)  }
0x3c2: {  	s14 =	sor.u32 s14, s6;
	s21 =	sor.u32 $0x180, s1;
	s22 =	sor.u32 $0x180, s15;
	v0 =	vmax.f32 v0, $1.000000000e+00;
	v5 =	vadd.f32 v5, v17;
	v20 =	vld [tilespmem:s7+$0x1A800];
	v15 =	vmul.f32 v16, v15  }
0x3c3: {  	v10 =	vadd.f32 v13, v10;
	v16 =	vmax.f32 v3, $1.000000000e+00;
	v17 =	vld [tilespmem:s7+$0x1A880];
	v11 =	vadd.f32 v19, v11  }
0x3c4: {  	v8 =	vadd.f32 v8, v14;
	s15 =	sor.u32 $0x180, s16;
	vm0 =	vgt.f32 v18, $0.0e+00;
	v13 =	vld [tilespmem:s21+$0x1A800];
	v5 =	vadd.f32 v15, v5  }
0x3c5: {  	v14 =	vmax.f32 v18, $1.000000000e+00;
	v15 =	vmax.f32 v6, $1.000000000e+00;
	v18 =	vld [tilespmem:s4+$0x1A880];
	(erf) = vrcp.f32 v0;
	v0 =	vpop (erf)  }
0x3c6: {  	s16 =	sor.u32 $0x100, s16;
	v10 =	vadd.f32 v12, v10;
	v19 =	vmax.f32 v4, $1.000000000e+00;
	v21 =	vld [tilespmem:s22+$0x1A800];
	(erf) = vrcp.f32 v15  }
0x3c7: {  	s2 =	sand.u32 $0x180, s9;
	s9 =	smov.u32 s11;
	v8 =	vadd.f32 v9, v8;
	v12 =	vld [tilespmem:s15+$0x1A800];
	v15 =	vmax.f32 v20, $1.000000000e+00;
	vm3 =	vgt.f32 v20, $0.0e+00  }
0x3c8: {  	s18 =	sor.u32 $0x100, s1;
	s1 =	sor.u32 $0x1B000, s2;
	v5 =	vmul.f32 v0, v5;
	v9 =	vmax.f32 v17, $1.000000000e+00;
	vm1 =	vgt.f32 v17, $0.0e+00;
	v17 =	vld [tilespmem:s28+$0x1A800];
	v20 =	vpop (erf)  }
0x3c9: {  	s2 =	sor.u32 s19, s1;
	s5 =	sor.u32 s10, s1;
	s1 =	sor.u32 s20, s1;
	v22 =	vld [tilespmem:s16+$0x1A800];
	v23 =	vsel vm1, $0x3F800000, v31;
	v24 =	vmax.f32 v13, $1.000000000e+00;
	vm2 =	vgt.f32 v13, $0.0e+00  }
0x3ca: {  	s10 =	smov.u32 s17;
	s19 =	smov.u32 s26;
	s20 =	smov.u32 s6;
	v13 =	vmax.f32 v18, $1.000000000e+00;
	vm4 =	vgt.f32 v18, $0.0e+00;
	v18 =	vld [tilespmem:s14+$0x1A880];
	(erf) = vrcp.f32 v14;
	[tilespmem:s1+$0x0] =	vst v5;
	v0 =	vpop (erf)  }
0x3cb: {  	v7 =	vadd.f32 v7, v8;
	v14 =	vld [tilespmem:s4+$0x1A800];
	vm1 =	vgt.f32 v21, $0.0e+00;
	(erf) = vrcp.f32 v9  }
0x3cc: {  	v21 =	vmax.f32 v21, $1.000000000e+00;
	v5 =	vmax.f32 v12, $1.000000000e+00;
	v8 =	vld [tilespmem:s14+$0x1A800];
	(erf) = vrcp.f32 v15  }
0x3cd: {  	v9 =	vsel vm4, $0x3F800000, v31;
	v0 =	vmul.f32 v0, v11;
	v15 =	vld [tilespmem:s18+$0x1A800];
	(erf) = vrcp.f32 v5  }
0x3ce: {  	v11 =	vsel vm3, $0x3F800000, v31;
	vm4 =	vgt.f32 v12, $0.0e+00;
	v5 =	vld [tilespmem:s28+$0x1A000];
	(erf) = vrcp.f32 v13;
	v12 =	vpop (erf)  }
0x3cf: {  	v7 =	vmul.f32 v20, v7;
	v13 =	vmax.f32 v22, $1.000000000e+00;
	vm3 =	vgt.f32 v18, $0.0e+00;
	v25 =	vpop (erf);
	[tilespmem:s5+$0x0] =	vst v0  }
0x3d0: {  	v20 =	vmax.f32 v17, $1.000000000e+00;
	v0 =	vsel vm4, $0x3F800000, v31;
	(erf) = vrcp.f32 v13  }
0x3d1: {  	s1 =	sshra.s32 s23, $0x2;
	s23 =	smov.u32 s25;
	vm4 =	vgt.f32 v22, $0.0e+00;
	v10 =	vmul.f32 v12, v10;
	v13 =	vld [tilespmem:s7+$0x1A080];
	v22 =	vmax.f32 v8, $1.000000000e+00;
	[tilespmem:s2+$0x0] =	vst v7  }
0x3d2: {  	v7 =	vmax.f32 v14, $1.000000000e+00;
	v12 =	vmax.f32 v15, $1.000000000e+00;
	(erf) = vrcp.f32 v22  }
0x3d3: {  	v22 =	vsel vm4, $0x3F800000, v31;
	vm4 =	vgt.f32 v8, $0.0e+00;
	v8 =	vmax.f32 v18, $1.000000000e+00;
	v18 =	vpop (erf);
	[tilespmem:s1+$0x1B000] =	vst v10  }
0x3d4: {  	vm5 =	vgt.f32 v14, $0.0e+00;
	vm6 =	vgt.f32 v15, $0.0e+00;
	v10 =	vld [tilespmem:s3+$0x1A000];
	(erf) = vrcp.f32 v16;
	v14 =	vpop (erf)  }
0x3d5: {  	v11 =	vadd.f32 v23, v11;
	v15 =	vsel vm6, $0x3F800000, v31;
	v16 =	vpop (erf);
	(erf) = vrcp.f32 v12  }
0x3d6: {  	v12 =	vld [tilespmem:s7+$0x1A000];
	v13 =	vmul.f32 v14, v13;
	v14 =	vsel vm3, $0x3F800000, v31;
	(erf) = vrcp.f32 v19;
	v23 =	vpop (erf)  }
0x3d7: {  	v26 =	vsel vm2, $0x3F800000, v31;
	v29 =	vsel vm4, $0x3F800000, v31;
	v19 =	vld [tilespmem:s4+$0x1A000];
	(erf) = vrcp.f32 v7;
	v7 =	vpop (erf)  }
0x3d8: {  	vm2 =	vgt.f32 v17, $0.0e+00;
	v11 =	vadd.f32 v15, v11;
	v14 =	vadd.f32 v14, v29;
	v28 =	vld [tilespmem:s3+$0x1A080]  }
0x3d9: {  	v15 =	vsel vm5, $0x3F800000, v31;
	v10 =	vmul.f32 v18, v10;
	v17 =	vld [tilespmem:s4+$0x1A080];
	v18 =	vsel vm2, $0x3F800000, v31;
	v27 =	vpop (erf)  }
0x3da: {  	v26 =	vadd.f32 v26, v11;
	v29 =	vld [tilespmem:s18+$0x1A000];
	v11 =	vadd.f32 v18, v14;
	v14 =	vsel vm1, $0x3F800000, v31  }
0x3db: {  	v9 =	vadd.f32 v9, v15;
	v18 =	vld [tilespmem:s16+$0x1A000];
	v32 =	vmul.f32 v16, v12;
	v16 =	vpop (erf);
	(erf) = vrcp.f32 v8  }
0x3dc: {  	v10 =	vadd.f32 $0.0e+00, v10;
	v30 =	vld [tilespmem:s14+$0x1A000];
	v11 =	vadd.f32 v14, v11;
	(erf) = vrcp.f32 v20  }
0x3dd: {  	v9 =	vadd.f32 v22, v9;
	v14 =	vmul.f32 v25, v28;
	v22 =	vld [tilespmem:s15+$0x1A000];
	v15 =	vadd.f32 $0.0e+00, v32;
	v12 =	vpop (erf)  }
.Ltmp5:
0x3de: {  	v8 =	vmul.f32 v7, v17;
	v17 =	vmax.f32 v11, $1.000000000e+00;
	v7 =	vpop (erf);
	(erf) = vrcp.f32 v24;
	(pc) =	sbr.rel @p1 .LBB2_12-.Ltmp5, $4  }
0x3df: {  	v20 =	vadd.f32 v0, v9;
	v0 =	vadd.f32 v13, v15;
	v7 =	vmul.f32 v7, v29;
	v13 =	vpop (erf)  }
0x3e0: {  	v10 =	vadd.f32 v14, v10;
	v15 =	vld [tilespmem:s12+$0x1A000];
	v9 =	vmul.f32 v27, v18;
	v11 =	vpop (erf);
	(erf) = vrcp.f32 v21  }
0x3e1: {  	v14 =	vmul.f32 v11, v19;
	v11 =	vadd.f32 v7, v0;
	v18 =	vmul.f32 v16, v30;
	v19 =	vld [tilespmem:s14+$0x1A080]  }
0x3e2: {  	s11 =	sadd.s32 $0x40, s11;
	p0 =	por !p0, !p0;
	s25 =	sadd.s32 $0x100, s25;
	vm1 =	vgt.f32 v6, $0.0e+00;
	v16 =	vmax.f32 v26, $1.000000000e+00;
	v6 =	vld [tilespmem:s13+$0x1A000];
	v7 =	vmul.f32 v23, v22  }
0x3e3: {  	v0 =	vsel vm0, $0x3F800000, v31;
	v21 =	vsel vm1, $0x3F800000, v31  }
0x3e4: {  	vm14 =	vgt.f32 v4, $0.0e+00;
	v0 =	vadd.f32 v21, v0  }
0x3e5: {  	v4 =	vsel vm14, $0x3F800000, v31  }
0x3e6: {  	vm15 =	vgt.f32 v3, $0.0e+00;
	v0 =	vadd.f32 v4, v0  }
0x3e7: {  	v3 =	vmax.f32 v20, $1.000000000e+00;
	v52 =	vsel vm15, $0x3F800000, v31  }
0x3e8: {  	v0 =	vadd.f32 v52, v0  }
0x3e9: {  	(erf) = vrcp.f32 v17  }
0x3ea: {  	v53 =	vld [tilespmem:s22+$0x1A000];
	(erf) = vrcp.f32 v3;
	v3 =	vpop (erf);
	v0 =	vmax.f32 v0, $1.000000000e+00  }
0x3eb: {  	v55 =	vadd.f32 $0.0e+00, v18;
	v3 =	vmul.f32 v3, v19  }
0x3ec: {  	(erf) = vrcp.f32 v16;
	v56 =	vpop (erf)  }
0x3ed: {  	v54 =	vld [tilespmem:s21+$0x1A000];
	v5 =	vmul.f32 v56, v5;
	v3 =	vadd.f32 v3, v55;
	(erf) = vrcp.f32 v0;
	v0 =	vpop (erf)  }
0x3ee: {  	v57 =	vpop (erf)  }
0x3ef: {  	v14 =	vadd.f32 $0.0e+00, v14;
	v3 =	vadd.f32 v5, v3;
	v4 =	vmul.f32 v57, v53;
	_ =	sdelay $0x1  }
0x3f0: {  	v58 =	vadd.f32 v8, v14;
	v3 =	vadd.f32 v4, v3  }
0x3f1: {  	v6 =	vmul.f32 v13, v6;
	v0 =	vmul.f32 v0, v54;
	v59 =	vpop (erf)  }
0x3f2: {  	v5 =	vadd.f32 v9, v58;
	v3 =	vmul.f32 v59, v3  }
0x3f3: {  	s1 =	sand.u32 $0x180, s9;
	v60 =	vmul.f32 v12, v15;
	v6 =	vadd.f32 v6, v10;
	v0 =	vadd.f32 v0, v11;
	v61 =	vpop (erf)  }
0x3f4: {  	s1 =	sor.u32 $0x1B000, s1;
	v5 =	vadd.f32 v7, v5;
	v62 =	vpop (erf)  }
0x3f5: {  	s2 =	sor.u32 s20, s1;
	v6 =	vadd.f32 v60, v6;
	v0 =	vmul.f32 v62, v0  }
0x3f6: {  	s3 =	sor.u32 s10, s1;
	v63 =	vmul.f32 v61, v5;
	[tilespmem:s2+$0x0] =	vst v3;
	v3 =	vpop (erf)  }
0x3f7: {  	s1 =	sor.u32 s19, s1;
	[tilespmem:s3+$0x0] =	vst v0;
	v0 =	vmul.f32 v3, v6  }
0x3f8: {  	s22 =	sshra.s32 s23, $0x2;
	[tilespmem:s1+$0x0] =	vst v63  }
0x3f9: {  	s23 =	simm.s32 $0x80;
	s24 =	simm.s32 $0x400;
	[tilespmem:s22+$0x1B000] =	vst v0  }
0x3fa: {  	s4 =	simm.s32 $0x1B000;
	s25 =	simm.s32 $0x3;
	s1 =	rddreg [dreg:$0x13]  }
0x3fb: {  	[hbm4b:s1+s23] =	stream.strided.scatter [tilespmem:s4], [sflag:$0x3], $0x200, s24, s23, $0x38;
	[tilespmem:$0x1B200] =	vst v63  }
0x3fc: {  	_ =	swait.ge [sflag:s25], $0x200  }
0x3fd: {  	s26 =	sld [smem:$0x7F0];
	_ =	sdelay $0x2  }
0x3fe: {  	s28 =	rddreg [dreg:$0x14];
	s3 =	sadd.s32 $0x1, s26  }
0x3ff: {  	p0 =	sne.s32 s3, s28  }
.Ltmp6:
0x400: {  	_ = 	snop;
	(pc) =	sbr.rel @p0 .LBB2_1-.Ltmp6, $4  }
0x401: {  	[sflag:s25] =	ssyncset.done $0x0  }
0x402: {  	[sflag:s25] =	ssyncadd.s32 $0xFFFFFE00  }
0x403: {  	s2 =	rddreg [dreg:$0x0]  }
0x404: {  	s5 =	rddreg [dreg:$0x1]  }
0x405: {  	_ =	sfence.sel $0x180000  }
0x406: {  	[bflag:$0x0] =	sbarrier.arrive $0xFFFF  }
0x407: {  	_ =	strace $0x90000047  }
0x408: {  	s0 =	stileid.u32;
	[bflag:$0x2] =	sbarrier.arrive $0xFFFF  }
0x409: {  	p0 =	sne.s32 s0, $0x0;
	s0 =	rddreg [dreg:$0x5]  }
0x40a: {  	s0 =	sadd.s32 @!p0 $0x100000, s0  }
0x40b: {  	[sflag:s0] =	ssyncadd.tile.s32 @!p0 $0x1;
	_ =	shalt  }
.Lfunc_end2:
_tile_overlayer_lowered:
.L_overlay_start_2:
0x40c: {  	(tag) =	ssettag $0x2  }
0x40d: {  	s0 =	rddreg [dreg:$0x0];
	s2 =	stileid.u32  }
0x40e: {  	s1 =	rddreg [dreg:$0x1];
	p0 =	sne.s32 s2, $0x0  }
0x40f: {  	s3 =	rddreg [dreg:$0x2];
	[bflag:$0x3] =	sbarrier.arrive $0xFFFF;
	s2 =	simm.s32 @!p0 $0x1C03  }
0x410: {  	[timem:s3], [sflag:s2] =	dma.local @!p0 [hbm:s0], s1  }
0x411: {  	s0 =	simm.s32 @!p0 $0x3  }
0x412: {  	_ =	swait.ge @!p0 [sflag:s0], s1  }
0x413: {  	s1 =	ssub.s32 @!p0 $0x0, s1;
	[sflag:s0] =	ssyncset.done @!p0 $0x0  }
0x414: {  	[sflag:s0] =	ssyncadd.s32 @!p0 s1  }
0x415: {  	[bflag:$0x3] =	sbarrier.arrive $0xFFFF  }
0x416: {  	_ =	shalt  }

</sc_bundles>
